<compile_context>
chip_gen: v7x
topology: tpu7x:2x2x1
jax: 0.10.2.dev20260603
libtpu: 0.0.44.dev20260713+nightly
codegen_flags: <defaults>
</compile_context>

<pallas_src>
import functools

import jax
import jax.numpy as jnp
from jax import lax
from jax.experimental import pallas as pl
from jax.experimental.pallas import tpu as pltpu
from jax.experimental.pallas import tpu_sc as plsc

_INFO = plsc.get_sparse_core_info()
_NC = _INFO.num_cores
_NS = _INFO.num_subcores
_L = _INFO.num_lanes
_NW = _NC * _NS


def _build_sc_kernel(B, T, V, D):
    seg = (B * T) // _NW
    wpr = T // seg
    CH = 16
    nch = seg // CH
    cpl = CH // _L
    NBUF = 6

    mesh = plsc.VectorSubcoreMesh(core_axis_name="c", subcore_axis_name="s")

    @functools.partial(
        pl.kernel,
        out_type=jax.ShapeDtypeStruct((B, T, D), jnp.float32),
        mesh=mesh,
        compiler_params=pltpu.CompilerParams(needs_layout_passes=False),
        scratch_types=[
            pltpu.VMEM((T,), jnp.int32),
            pltpu.VMEM((_L,), jnp.int32),
            pltpu.VMEM((nch, CH), jnp.int32),
            pltpu.VMEM((NBUF, CH, D), jnp.float32),
            [pltpu.SemaphoreType.DMA] * NBUF,
            [pltpu.SemaphoreType.DMA] * NBUF,
        ],
    )
    def sc_k(x_hbm, pad_hbm, table_hbm, out_hbm,
             x_v, pad_v, idx_v, rows_v, gsems, ssems):
        wid = lax.axis_index("s") * _NC + lax.axis_index("c")
        b = wid // wpr
        t0 = (wid % wpr) * seg

        pltpu.sync_copy(x_hbm.at[b], x_v)
        pltpu.sync_copy(pad_hbm, pad_v)
        padv = pad_v[...]

        def pre_body(i, acc):
            return acc + (x_v[pl.ds(i * _L, _L)] != padv).astype(jnp.int32)

        acc = lax.fori_loop(0, t0 // _L, pre_body, jnp.zeros((_L,), jnp.int32))
        carry0 = jnp.sum(acc)

        carry = carry0
        for jc in range(nch):
            for kv in range(cpl):
                m = (x_v[pl.ds(t0 + (jc * cpl + kv) * _L, _L)]
                     != padv).astype(jnp.int32)
                pos = carry + lax.cumsum(m, axis=0)
                idx_v[jc, pl.ds(kv * _L, _L)] = pos
                carry = carry + jnp.sum(m)

        def issue_gather(j, slot):
            pltpu.async_copy(table_hbm.at[idx_v.at[j]],
                             rows_v.at[slot], gsems[slot])

        def wait_gather(slot):
            pltpu.make_async_copy(table_hbm.at[pl.ds(0, CH)],
                                  rows_v.at[slot], gsems[slot]).wait()

        scatters = [None] * nch
        for j in range(min(NBUF, nch)):
            issue_gather(j, j % NBUF)
        for j in range(nch):
            slot = j % NBUF
            wait_gather(slot)
            scatters[j] = pltpu.async_copy(
                rows_v.at[slot], out_hbm.at[b, pl.ds(t0 + j * CH, CH)],
                ssems[slot])
            jn = j + NBUF
            if jn < nch:
                scatters[j].wait()
                issue_gather(jn, slot)
        for j in range(max(nch - NBUF, 0), nch):
            if scatters[j] is not None and j + NBUF >= nch:
                scatters[j].wait()

    return sc_k


def kernel(x, table, padding_idx):
    B, T = x.shape
    V, D = table.shape
    pad_vec = jnp.full((_L,), padding_idx, dtype=jnp.int32)
    sc_k = _build_sc_kernel(B, T, V, D)
    return sc_k(x, pad_vec, table)

# --- scband reference (transcript-rebuilt; emitter-appended) ---
"""Pipeline reference for scband-learned-pos-embedding-11063835755270 (READ-ONLY COPY).

The authoritative reference and input builder live on the scoring server;
editing this copy changes nothing except your own understanding.
"""

import jax, jax.numpy as jnp
import numpy as np


def setup_inputs(seed: int = 0) -> dict:
    key = jax.random.key(seed)
    k1, k2 = jax.random.split(key)
    # token ids (content irrelevant except equality with padding_idx)
    x = jax.random.randint(k1, (4, 2048), 0, 32000, dtype=jnp.int32)
    # learned positional embedding table: size num_embeddings+1 = 2049, dim 1024
    table = jax.random.normal(k2, (2049, 1024), dtype=jnp.float32) * 0.02
    # padding_idx row (internal_pad_idx = 0) is zero-initialized in nn.Embedding
    table = table.at[0].set(0.0)
    return {"x": x, "table": table, "padding_idx": 3}


def reference(x, table, padding_idx):
    # mask = x.ne(padding_idx)
    mask = (x != padding_idx)
    # pos = torch.cumsum(mask, dim=1)  -> positions start at 1 for non-pad tokens
    pos = jnp.cumsum(mask.astype(jnp.int32), axis=1)
    # embedding lookup (gather)
    return jnp.take(table, pos, axis=0)

if __name__ == "__main__":
    import jax
    _d = setup_inputs()
    print(jax.jit(kernel)(*tuple(_d.values())))

</pallas_src>

<mosaic_0001>
#map = affine_map<(d0, d1) -> (0, 0)>
#map1 = affine_map<(d0, d1) -> (0)>
#map2 = affine_map<(d0, d1) -> (0, 0, 0)>
module attributes {stable_mosaic.version = 14 : i64} {
  func.func @sc_k(%arg0: i32, %arg1: i32, %arg2: memref<4x2048xi32, #tpu.memory_space<hbm>>, %arg3: memref<16xi32, #tpu.memory_space<hbm>>, %arg4: memref<2049x1024xf32, #tpu.memory_space<hbm>>, %arg5: memref<4x2048x1024xf32, #tpu.memory_space<hbm>>, %arg6: memref<2048xi32, #tpu.memory_space<vmem>>, %arg7: memref<16xi32, #tpu.memory_space<vmem>>, %arg8: memref<16x16xi32, #tpu.memory_space<vmem>>, %arg9: memref<6x16x1024xf32, #tpu.memory_space<vmem>>, %arg10: memref<!tpu.dma_semaphore, #tpu.memory_space<semaphore_mem>>, %arg11: memref<!tpu.dma_semaphore, #tpu.memory_space<semaphore_mem>>, %arg12: memref<!tpu.dma_semaphore, #tpu.memory_space<semaphore_mem>>, %arg13: memref<!tpu.dma_semaphore, #tpu.memory_space<semaphore_mem>>, %arg14: memref<!tpu.dma_semaphore, #tpu.memory_space<semaphore_mem>>, %arg15: memref<!tpu.dma_semaphore, #tpu.memory_space<semaphore_mem>>, %arg16: memref<!tpu.dma_semaphore, #tpu.memory_space<semaphore_mem>>, %arg17: memref<!tpu.dma_semaphore, #tpu.memory_space<semaphore_mem>>, %arg18: memref<!tpu.dma_semaphore, #tpu.memory_space<semaphore_mem>>, %arg19: memref<!tpu.dma_semaphore, #tpu.memory_space<semaphore_mem>>, %arg20: memref<!tpu.dma_semaphore, #tpu.memory_space<semaphore_mem>>, %arg21: memref<!tpu.dma_semaphore, #tpu.memory_space<semaphore_mem>>) attributes {dimension_semantics = [#tpu.dimension_semantics<core_parallel>, #tpu.dimension_semantics<subcore_parallel>], iteration_bounds = array<i64: 2, 16>, scalar_prefetch = 0 : i64, scratch_operands = 16 : i64, tpu.core_type = #tpu.core_type<sc_vector_subcore>, window_params = [{transform_indices = #map}, {transform_indices = #map1}, {transform_indices = #map}, {transform_indices = #map2}]} {
    %mul3A = arith.constant 2 : i32
    %mul3A_0 = arith.muli %arg1, %mul3A : i32
    %add3A = arith.addi %mul3A_0, %arg0 : i32
    %jit3A = arith.constant 8 : i32
    %div3A = arith.divsi %add3A, %jit3A : i32
    %sign3A = arith.constant 0 : i32
    %sign3A_1 = arith.cmpi sgt, %add3A, %sign3A : i32
    %sign3A_2 = arith.extui %sign3A_1 : i1 to i32
    %sign3A_3 = arith.constant 0 : i32
    %sign3A_4 = arith.cmpi slt, %add3A, %sign3A_3 : i32
    %sign3A_5 = arith.extui %sign3A_4 : i1 to i32
    %sign3A_6 = arith.subi %sign3A_2, %sign3A_5 : i32
    %sign3A_7 = arith.constant 0 : i32
    %sign3A_8 = arith.cmpi sgt, %jit3A, %sign3A_7 : i32
    %sign3A_9 = arith.extui %sign3A_8 : i1 to i32
    %sign3A_10 = arith.constant 0 : i32
    %sign3A_11 = arith.cmpi slt, %jit3A, %sign3A_10 : i32
    %sign3A_12 = arith.extui %sign3A_11 : i1 to i32
    %sign3A_13 = arith.subi %sign3A_9, %sign3A_12 : i32
    %ne3A = arith.cmpi ne, %sign3A_6, %sign3A_13 : i32
    %rem3A = arith.remsi %add3A, %jit3A : i32
    %ne3A_14 = arith.constant 0 : i32
    %ne3A_15 = arith.cmpi ne, %rem3A, %ne3A_14 : i32
    %and3A = arith.andi %ne3A, %ne3A_15 : i1
    %sub3A = arith.constant 1 : i32
    %sub3A_16 = arith.subi %div3A, %sub3A : i32
    %select_n3A = arith.select %and3A, %sub3A_16, %div3A : i32
    %jit3A_17 = arith.constant 8 : i32
    %eq3A = arith.constant 0 : i32
    %eq3A_18 = arith.cmpi eq, %jit3A_17, %eq3A : i32
    %jit3A_19 = arith.constant 1 : i32
    %select_n3A_20 = arith.select %eq3A_18, %jit3A_19, %jit3A_17 : i32
    %rem3A_21 = arith.remsi %add3A, %select_n3A_20 : i32
    %ne3A_22 = arith.constant 0 : i32
    %ne3A_23 = arith.cmpi ne, %rem3A_21, %ne3A_22 : i32
    %lt3A = arith.constant 0 : i32
    %lt3A_24 = arith.cmpi slt, %rem3A_21, %lt3A : i32
    %lt3A_25 = arith.constant 0 : i32
    %lt3A_26 = arith.cmpi slt, %select_n3A_20, %lt3A_25 : i32
    %ne3A_27 = arith.xori %lt3A_24, %lt3A_26 : i1
    %and3A_28 = arith.andi %ne3A_27, %ne3A_23 : i1
    %add3A_29 = arith.addi %rem3A_21, %select_n3A_20 : i32
    %select_n3A_30 = arith.select %and3A_28, %add3A_29, %rem3A_21 : i32
    %mul3A_31 = arith.constant 256 : i32
    %mul3A_32 = arith.muli %select_n3A_30, %mul3A_31 : i32
    "tpu.region"() ({
      %run_scoped3A = tpu.sem_alloc : memref<!tpu.dma_semaphore, #tpu.memory_space<semaphore_mem>>
      %dma_start3A_1331 = arith.constant 0 : i32
      %dma_start3A_1332 = tpu.memref_slice %arg2[%select_n3A, %dma_start3A_1331] : memref<4x2048xi32, #tpu.memory_space<hbm>> -> memref<1x2048xi32, #tpu.memory_space<hbm>>
      %dma_start3A_1333 = tpu.memref_squeeze %dma_start3A_1332 : memref<1x2048xi32, #tpu.memory_space<hbm>> -> memref<2048xi32, #tpu.memory_space<hbm>>
      %dma_start3A_1334 = arith.constant 0 : i32
      %dma_start3A_1335 = tpu.memref_slice %arg2[%select_n3A, %dma_start3A_1334] : memref<4x2048xi32, #tpu.memory_space<hbm>> -> memref<1x2048xi32, #tpu.memory_space<hbm>>
      %dma_start3A_1336 = tpu.memref_squeeze %dma_start3A_1335 : memref<1x2048xi32, #tpu.memory_space<hbm>> -> memref<2048xi32, #tpu.memory_space<hbm>>
      tpu.enqueue_dma source(%dma_start3A_1336 : memref<2048xi32, #tpu.memory_space<hbm>>) target(%arg6 : memref<2048xi32, #tpu.memory_space<vmem>>) target_semaphore(%run_scoped3A : memref<!tpu.dma_semaphore, #tpu.memory_space<semaphore_mem>>)
      %dma_wait3A_1337 = arith.constant 0 : i32
      %dma_wait3A_1338 = tpu.memref_slice %arg2[%select_n3A, %dma_wait3A_1337] : memref<4x2048xi32, #tpu.memory_space<hbm>> -> memref<1x2048xi32, #tpu.memory_space<hbm>>
      %dma_wait3A_1339 = tpu.memref_squeeze %dma_wait3A_1338 : memref<1x2048xi32, #tpu.memory_space<hbm>> -> memref<2048xi32, #tpu.memory_space<hbm>>
      %dma_wait3A_1340 = arith.constant 0 : i32
      %dma_wait3A_1341 = tpu.memref_slice %arg2[%select_n3A, %dma_wait3A_1340] : memref<4x2048xi32, #tpu.memory_space<hbm>> -> memref<1x2048xi32, #tpu.memory_space<hbm>>
      %dma_wait3A_1342 = tpu.memref_squeeze %dma_wait3A_1341 : memref<1x2048xi32, #tpu.memory_space<hbm>> -> memref<2048xi32, #tpu.memory_space<hbm>>
      tpu.wait_dma2 semaphore(%run_scoped3A : memref<!tpu.dma_semaphore, #tpu.memory_space<semaphore_mem>>) src(%dma_wait3A_1342 : memref<2048xi32, #tpu.memory_space<hbm>>) dst(%arg6 : memref<2048xi32, #tpu.memory_space<vmem>>)
      tpu.yield
    }) : () -> ()
    "tpu.region"() ({
      %run_scoped3A = tpu.sem_alloc : memref<!tpu.dma_semaphore, #tpu.memory_space<semaphore_mem>>
      tpu.enqueue_dma source(%arg3 : memref<16xi32, #tpu.memory_space<hbm>>) target(%arg7 : memref<16xi32, #tpu.memory_space<vmem>>) target_semaphore(%run_scoped3A : memref<!tpu.dma_semaphore, #tpu.memory_space<semaphore_mem>>)
      tpu.wait_dma2 semaphore(%run_scoped3A : memref<!tpu.dma_semaphore, #tpu.memory_space<semaphore_mem>>) src(%arg3 : memref<16xi32, #tpu.memory_space<hbm>>) dst(%arg7 : memref<16xi32, #tpu.memory_space<vmem>>)
      tpu.yield
    }) : () -> ()
    %get3A = arith.constant 0 : index
    %get3A_33 = tpu.vector_load %arg7[%get3A] {strides = array<i32>} : memref<16xi32, #tpu.memory_space<vmem>>, vector<16xi32>,
    %jit3A_34 = arith.constant 16 : i32
    %div3A_35 = arith.divsi %mul3A_32, %jit3A_34 : i32
    %sign3A_36 = arith.constant 0 : i32
    %sign3A_37 = arith.cmpi sgt, %mul3A_32, %sign3A_36 : i32
    %sign3A_38 = arith.extui %sign3A_37 : i1 to i32
    %sign3A_39 = arith.constant 0 : i32
    %sign3A_40 = arith.cmpi slt, %mul3A_32, %sign3A_39 : i32
    %sign3A_41 = arith.extui %sign3A_40 : i1 to i32
    %sign3A_42 = arith.subi %sign3A_38, %sign3A_41 : i32
    %sign3A_43 = arith.constant 0 : i32
    %sign3A_44 = arith.cmpi sgt, %jit3A_34, %sign3A_43 : i32
    %sign3A_45 = arith.extui %sign3A_44 : i1 to i32
    %sign3A_46 = arith.constant 0 : i32
    %sign3A_47 = arith.cmpi slt, %jit3A_34, %sign3A_46 : i32
    %sign3A_48 = arith.extui %sign3A_47 : i1 to i32
    %sign3A_49 = arith.subi %sign3A_45, %sign3A_48 : i32
    %ne3A_50 = arith.cmpi ne, %sign3A_42, %sign3A_49 : i32
    %rem3A_51 = arith.remsi %mul3A_32, %jit3A_34 : i32
    %ne3A_52 = arith.constant 0 : i32
    %ne3A_53 = arith.cmpi ne, %rem3A_51, %ne3A_52 : i32
    %and3A_54 = arith.andi %ne3A_50, %ne3A_53 : i1
    %sub3A_55 = arith.constant 1 : i32
    %sub3A_56 = arith.subi %div3A_35, %sub3A_55 : i32
    %select_n3A_57 = arith.select %and3A_54, %sub3A_56, %div3A_35 : i32
    %broadcast_in_dim3A = arith.constant 0 : i32
    %broadcast_in_dim3A_58 = vector.broadcast %broadcast_in_dim3A : i32 to vector<16xi32>
    %while3A = arith.constant 0 : i32
    %while3A_59 = arith.subi %select_n3A_57, %while3A : i32
    %while3A_60 = arith.addi %while3A, %while3A_59 : i32
    %while3A_61 = arith.constant 1 : i32
    %while3A_62 = arith.divsi %while3A_59, %while3A_61 : i32
    %while3A_63 = arith.muli %while3A_62, %while3A_61 : i32
    %while3A_64 = arith.addi %while3A, %while3A_63 : i32
    %while3A_65 = arith.constant 1 : i32
    %while3A_66 = scf.for %while3A_1331 = %while3A to %while3A_64 step %while3A_65 iter_args(%while3A_1332 = %broadcast_in_dim3A_58) -> (vector<16xi32>)  : i32 {
      %mul3A_1333 = arith.constant 16 : i32
      %mul3A_1334 = arith.muli %while3A_1331, %mul3A_1333 : i32
      %get3A_1335 = arith.index_cast %mul3A_1334 : i32 to index
      %get3A_1336 = tpu.vector_load %arg6[%get3A_1335] {strides = array<i32>} : memref<2048xi32, #tpu.memory_space<vmem>>, vector<16xi32>,
      %ne3A_1337 = arith.cmpi ne, %get3A_1336, %get3A_33 : vector<16xi32>
      %convert_element_type3A_1338 = arith.extui %ne3A_1337 : vector<16xi1> to vector<16xi32>
      %add3A_1339 = arith.addi %while3A_1332, %convert_element_type3A_1338 : vector<16xi32>
      scf.yield %add3A_1339 : vector<16xi32>
    }
    %while3A_67 = arith.constant 1 : i32
    %while3A_68 = scf.for %while3A_1331 = %while3A_64 to %while3A_60 step %while3A_67 iter_args(%while3A_1332 = %while3A_66) -> (vector<16xi32>)  : i32 {
      %mul3A_1333 = arith.constant 16 : i32
      %mul3A_1334 = arith.muli %while3A_1331, %mul3A_1333 : i32
      %get3A_1335 = arith.index_cast %mul3A_1334 : i32 to index
      %get3A_1336 = tpu.vector_load %arg6[%get3A_1335] {strides = array<i32>} : memref<2048xi32, #tpu.memory_space<vmem>>, vector<16xi32>,
      %ne3A_1337 = arith.cmpi ne, %get3A_1336, %get3A_33 : vector<16xi32>
      %convert_element_type3A_1338 = arith.extui %ne3A_1337 : vector<16xi1> to vector<16xi32>
      %add3A_1339 = arith.addi %while3A_1332, %convert_element_type3A_1338 : vector<16xi32>
      scf.yield %add3A_1339 : vector<16xi32>
    }
    %reduce_sum3A = arith.constant true
    %reduce_sum3A_69 = vector.broadcast %reduce_sum3A : i1 to vector<16xi1>
    %reduce_sum3A_70 = tpu.scan <sum>, %while3A_68 masked %reduce_sum3A_69 : vector<16xi32>, vector<16xi1> -> vector<16xi32>
    %reduce_sum3A_71 = vector.extract %reduce_sum3A_70[15] : i32 from vector<16xi32>
    %add3A_72 = arith.constant 0 : i32
    %add3A_73 = arith.addi %mul3A_32, %add3A_72 : i32
    %get3A_74 = arith.index_cast %add3A_73 : i32 to index
    %get3A_75 = tpu.vector_load %arg6[%get3A_74] {strides = array<i32>} : memref<2048xi32, #tpu.memory_space<vmem>>, vector<16xi32>,
    %ne3A_76 = arith.cmpi ne, %get3A_75, %get3A_33 : vector<16xi32>
    %convert_element_type3A = arith.extui %ne3A_76 : vector<16xi1> to vector<16xi32>
    %cumsum3A = arith.constant true
    %cumsum3A_77 = vector.broadcast %cumsum3A : i1 to vector<16xi1>
    %cumsum3A_78 = tpu.scan <sum>, %convert_element_type3A masked %cumsum3A_77 : vector<16xi32>, vector<16xi1> -> vector<16xi32>
    %add3A_79 = vector.broadcast %reduce_sum3A_71 : i32 to vector<16xi32>
    %add3A_80 = arith.addi %add3A_79, %cumsum3A_78 : vector<16xi32>
    %swap3A = arith.constant 0 : i32
    %swap3A_81 = arith.index_cast %swap3A : i32 to index
    %swap3A_82 = arith.constant 0 : index
    %swap3A_83 = tpu.vector_load %arg8[%swap3A_81, %swap3A_82] {strides = array<i32>} : memref<16x16xi32, #tpu.memory_space<vmem>>, vector<16xi32>,
    tpu.vector_store %arg8[%swap3A_81, %swap3A_82], %add3A_80 {strides = array<i32>} : memref<16x16xi32, #tpu.memory_space<vmem>>, vector<16xi32>,
    %reduce_sum3A_84 = arith.constant true
    %reduce_sum3A_85 = vector.broadcast %reduce_sum3A_84 : i1 to vector<16xi1>
    %reduce_sum3A_86 = tpu.scan <sum>, %convert_element_type3A masked %reduce_sum3A_85 : vector<16xi32>, vector<16xi1> -> vector<16xi32>
    %reduce_sum3A_87 = vector.extract %reduce_sum3A_86[15] : i32 from vector<16xi32>
    %add3A_88 = arith.addi %reduce_sum3A_71, %reduce_sum3A_87 : i32
    %add3A_89 = arith.constant 16 : i32
    %add3A_90 = arith.addi %mul3A_32, %add3A_89 : i32
    %get3A_91 = arith.index_cast %add3A_90 : i32 to index
    %get3A_92 = tpu.vector_load %arg6[%get3A_91] {strides = array<i32>} : memref<2048xi32, #tpu.memory_space<vmem>>, vector<16xi32>,
    %ne3A_93 = arith.cmpi ne, %get3A_92, %get3A_33 : vector<16xi32>
    %convert_element_type3A_94 = arith.extui %ne3A_93 : vector<16xi1> to vector<16xi32>
    %cumsum3A_95 = arith.constant true
    %cumsum3A_96 = vector.broadcast %cumsum3A_95 : i1 to vector<16xi1>
    %cumsum3A_97 = tpu.scan <sum>, %convert_element_type3A_94 masked %cumsum3A_96 : vector<16xi32>, vector<16xi1> -> vector<16xi32>
    %add3A_98 = vector.broadcast %add3A_88 : i32 to vector<16xi32>
    %add3A_99 = arith.addi %add3A_98, %cumsum3A_97 : vector<16xi32>
    %swap3A_100 = arith.constant 1 : i32
    %swap3A_101 = arith.index_cast %swap3A_100 : i32 to index
    %swap3A_102 = arith.constant 0 : index
    %swap3A_103 = tpu.vector_load %arg8[%swap3A_101, %swap3A_102] {strides = array<i32>} : memref<16x16xi32, #tpu.memory_space<vmem>>, vector<16xi32>,
    tpu.vector_store %arg8[%swap3A_101, %swap3A_102], %add3A_99 {strides = array<i32>} : memref<16x16xi32, #tpu.memory_space<vmem>>, vector<16xi32>,
    %reduce_sum3A_104 = arith.constant true
    %reduce_sum3A_105 = vector.broadcast %reduce_sum3A_104 : i1 to vector<16xi1>
    %reduce_sum3A_106 = tpu.scan <sum>, %convert_element_type3A_94 masked %reduce_sum3A_105 : vector<16xi32>, vector<16xi1> -> vector<16xi32>
    %reduce_sum3A_107 = vector.extract %reduce_sum3A_106[15] : i32 from vector<16xi32>
    %add3A_108 = arith.addi %add3A_88, %reduce_sum3A_107 : i32
    %add3A_109 = arith.constant 32 : i32
    %add3A_110 = arith.addi %mul3A_32, %add3A_109 : i32
    %get3A_111 = arith.index_cast %add3A_110 : i32 to index
    %get3A_112 = tpu.vector_load %arg6[%get3A_111] {strides = array<i32>} : memref<2048xi32, #tpu.memory_space<vmem>>, vector<16xi32>,
    %ne3A_113 = arith.cmpi ne, %get3A_112, %get3A_33 : vector<16xi32>
    %convert_element_type3A_114 = arith.extui %ne3A_113 : vector<16xi1> to vector<16xi32>
    %cumsum3A_115 = arith.constant true
    %cumsum3A_116 = vector.broadcast %cumsum3A_115 : i1 to vector<16xi1>
    %cumsum3A_117 = tpu.scan <sum>, %convert_element_type3A_114 masked %cumsum3A_116 : vector<16xi32>, vector<16xi1> -> vector<16xi32>
    %add3A_118 = vector.broadcast %add3A_108 : i32 to vector<16xi32>
    %add3A_119 = arith.addi %add3A_118, %cumsum3A_117 : vector<16xi32>
    %swap3A_120 = arith.constant 2 : i32
    %swap3A_121 = arith.index_cast %swap3A_120 : i32 to index
    %swap3A_122 = arith.constant 0 : index
    %swap3A_123 = tpu.vector_load %arg8[%swap3A_121, %swap3A_122] {strides = array<i32>} : memref<16x16xi32, #tpu.memory_space<vmem>>, vector<16xi32>,
    tpu.vector_store %arg8[%swap3A_121, %swap3A_122], %add3A_119 {strides = array<i32>} : memref<16x16xi32, #tpu.memory_space<vmem>>, vector<16xi32>,
    %reduce_sum3A_124 = arith.constant true
    %reduce_sum3A_125 = vector.broadcast %reduce_sum3A_124 : i1 to vector<16xi1>
    %reduce_sum3A_126 = tpu.scan <sum>, %convert_element_type3A_114 masked %reduce_sum3A_125 : vector<16xi32>, vector<16xi1> -> vector<16xi32>
    %reduce_sum3A_127 = vector.extract %reduce_sum3A_126[15] : i32 from vector<16xi32>
    %add3A_128 = arith.addi %add3A_108, %reduce_sum3A_127 : i32
    %add3A_129 = arith.constant 48 : i32
    %add3A_130 = arith.addi %mul3A_32, %add3A_129 : i32
    %get3A_131 = arith.index_cast %add3A_130 : i32 to index
    %get3A_132 = tpu.vector_load %arg6[%get3A_131] {strides = array<i32>} : memref<2048xi32, #tpu.memory_space<vmem>>, vector<16xi32>,
    %ne3A_133 = arith.cmpi ne, %get3A_132, %get3A_33 : vector<16xi32>
    %convert_element_type3A_134 = arith.extui %ne3A_133 : vector<16xi1> to vector<16xi32>
    %cumsum3A_135 = arith.constant true
    %cumsum3A_136 = vector.broadcast %cumsum3A_135 : i1 to vector<16xi1>
    %cumsum3A_137 = tpu.scan <sum>, %convert_element_type3A_134 masked %cumsum3A_136 : vector<16xi32>, vector<16xi1> -> vector<16xi32>
    %add3A_138 = vector.broadcast %add3A_128 : i32 to vector<16xi32>
    %add3A_139 = arith.addi %add3A_138, %cumsum3A_137 : vector<16xi32>
    %swap3A_140 = arith.constant 3 : i32
    %swap3A_141 = arith.index_cast %swap3A_140 : i32 to index
    %swap3A_142 = arith.constant 0 : index
    %swap3A_143 = tpu.vector_load %arg8[%swap3A_141, %swap3A_142] {strides = array<i32>} : memref<16x16xi32, #tpu.memory_space<vmem>>, vector<16xi32>,
    tpu.vector_store %arg8[%swap3A_141, %swap3A_142], %add3A_139 {strides = array<i32>} : memref<16x16xi32, #tpu.memory_space<vmem>>, vector<16xi32>,
    %reduce_sum3A_144 = arith.constant true
    %reduce_sum3A_145 = vector.broadcast %reduce_sum3A_144 : i1 to vector<16xi1>
    %reduce_sum3A_146 = tpu.scan <sum>, %convert_element_type3A_134 masked %reduce_sum3A_145 : vector<16xi32>, vector<16xi1> -> vector<16xi32>
    %reduce_sum3A_147 = vector.extract %reduce_sum3A_146[15] : i32 from vector<16xi32>
    %add3A_148 = arith.addi %add3A_128, %reduce_sum3A_147 : i32
    %add3A_149 = arith.constant 64 : i32
    %add3A_150 = arith.addi %mul3A_32, %add3A_149 : i32
    %get3A_151 = arith.index_cast %add3A_150 : i32 to index
    %get3A_152 = tpu.vector_load %arg6[%get3A_151] {strides = array<i32>} : memref<2048xi32, #tpu.memory_space<vmem>>, vector<16xi32>,
    %ne3A_153 = arith.cmpi ne, %get3A_152, %get3A_33 : vector<16xi32>
    %convert_element_type3A_154 = arith.extui %ne3A_153 : vector<16xi1> to vector<16xi32>
    %cumsum3A_155 = arith.constant true
    %cumsum3A_156 = vector.broadcast %cumsum3A_155 : i1 to vector<16xi1>
    %cumsum3A_157 = tpu.scan <sum>, %convert_element_type3A_154 masked %cumsum3A_156 : vector<16xi32>, vector<16xi1> -> vector<16xi32>
    %add3A_158 = vector.broadcast %add3A_148 : i32 to vector<16xi32>
    %add3A_159 = arith.addi %add3A_158, %cumsum3A_157 : vector<16xi32>
    %swap3A_160 = arith.constant 4 : i32
    %swap3A_161 = arith.index_cast %swap3A_160 : i32 to index
    %swap3A_162 = arith.constant 0 : index
    %swap3A_163 = tpu.vector_load %arg8[%swap3A_161, %swap3A_162] {strides = array<i32>} : memref<16x16xi32, #tpu.memory_space<vmem>>, vector<16xi32>,
    tpu.vector_store %arg8[%swap3A_161, %swap3A_162], %add3A_159 {strides = array<i32>} : memref<16x16xi32, #tpu.memory_space<vmem>>, vector<16xi32>,
    %reduce_sum3A_164 = arith.constant true
    %reduce_sum3A_165 = vector.broadcast %reduce_sum3A_164 : i1 to vector<16xi1>
    %reduce_sum3A_166 = tpu.scan <sum>, %convert_element_type3A_154 masked %reduce_sum3A_165 : vector<16xi32>, vector<16xi1> -> vector<16xi32>
    %reduce_sum3A_167 = vector.extract %reduce_sum3A_166[15] : i32 from vector<16xi32>
    %add3A_168 = arith.addi %add3A_148, %reduce_sum3A_167 : i32
    %add3A_169 = arith.constant 80 : i32
    %add3A_170 = arith.addi %mul3A_32, %add3A_169 : i32
    %get3A_171 = arith.index_cast %add3A_170 : i32 to index
    %get3A_172 = tpu.vector_load %arg6[%get3A_171] {strides = array<i32>} : memref<2048xi32, #tpu.memory_space<vmem>>, vector<16xi32>,
    %ne3A_173 = arith.cmpi ne, %get3A_172, %get3A_33 : vector<16xi32>
    %convert_element_type3A_174 = arith.extui %ne3A_173 : vector<16xi1> to vector<16xi32>
    %cumsum3A_175 = arith.constant true
    %cumsum3A_176 = vector.broadcast %cumsum3A_175 : i1 to vector<16xi1>
    %cumsum3A_177 = tpu.scan <sum>, %convert_element_type3A_174 masked %cumsum3A_176 : vector<16xi32>, vector<16xi1> -> vector<16xi32>
    %add3A_178 = vector.broadcast %add3A_168 : i32 to vector<16xi32>
    %add3A_179 = arith.addi %add3A_178, %cumsum3A_177 : vector<16xi32>
    %swap3A_180 = arith.constant 5 : i32
    %swap3A_181 = arith.index_cast %swap3A_180 : i32 to index
    %swap3A_182 = arith.constant 0 : index
    %swap3A_183 = tpu.vector_load %arg8[%swap3A_181, %swap3A_182] {strides = array<i32>} : memref<16x16xi32, #tpu.memory_space<vmem>>, vector<16xi32>,
    tpu.vector_store %arg8[%swap3A_181, %swap3A_182], %add3A_179 {strides = array<i32>} : memref<16x16xi32, #tpu.memory_space<vmem>>, vector<16xi32>,
    %reduce_sum3A_184 = arith.constant true
    %reduce_sum3A_185 = vector.broadcast %reduce_sum3A_184 : i1 to vector<16xi1>
    %reduce_sum3A_186 = tpu.scan <sum>, %convert_element_type3A_174 masked %reduce_sum3A_185 : vector<16xi32>, vector<16xi1> -> vector<16xi32>
    %reduce_sum3A_187 = vector.extract %reduce_sum3A_186[15] : i32 from vector<16xi32>
    %add3A_188 = arith.addi %add3A_168, %reduce_sum3A_187 : i32
    %add3A_189 = arith.constant 96 : i32
    %add3A_190 = arith.addi %mul3A_32, %add3A_189 : i32
    %get3A_191 = arith.index_cast %add3A_190 : i32 to index
    %get3A_192 = tpu.vector_load %arg6[%get3A_191] {strides = array<i32>} : memref<2048xi32, #tpu.memory_space<vmem>>, vector<16xi32>,
    %ne3A_193 = arith.cmpi ne, %get3A_192, %get3A_33 : vector<16xi32>
    %convert_element_type3A_194 = arith.extui %ne3A_193 : vector<16xi1> to vector<16xi32>
    %cumsum3A_195 = arith.constant true
    %cumsum3A_196 = vector.broadcast %cumsum3A_195 : i1 to vector<16xi1>
    %cumsum3A_197 = tpu.scan <sum>, %convert_element_type3A_194 masked %cumsum3A_196 : vector<16xi32>, vector<16xi1> -> vector<16xi32>
    %add3A_198 = vector.broadcast %add3A_188 : i32 to vector<16xi32>
    %add3A_199 = arith.addi %add3A_198, %cumsum3A_197 : vector<16xi32>
    %swap3A_200 = arith.constant 6 : i32
    %swap3A_201 = arith.index_cast %swap3A_200 : i32 to index
    %swap3A_202 = arith.constant 0 : index
    %swap3A_203 = tpu.vector_load %arg8[%swap3A_201, %swap3A_202] {strides = array<i32>} : memref<16x16xi32, #tpu.memory_space<vmem>>, vector<16xi32>,
    tpu.vector_store %arg8[%swap3A_201, %swap3A_202], %add3A_199 {strides = array<i32>} : memref<16x16xi32, #tpu.memory_space<vmem>>, vector<16xi32>,
    %reduce_sum3A_204 = arith.constant true
    %reduce_sum3A_205 = vector.broadcast %reduce_sum3A_204 : i1 to vector<16xi1>
    %reduce_sum3A_206 = tpu.scan <sum>, %convert_element_type3A_194 masked %reduce_sum3A_205 : vector<16xi32>, vector<16xi1> -> vector<16xi32>
    %reduce_sum3A_207 = vector.extract %reduce_sum3A_206[15] : i32 from vector<16xi32>
    %add3A_208 = arith.addi %add3A_188, %reduce_sum3A_207 : i32
    %add3A_209 = arith.constant 112 : i32
    %add3A_210 = arith.addi %mul3A_32, %add3A_209 : i32
    %get3A_211 = arith.index_cast %add3A_210 : i32 to index
    %get3A_212 = tpu.vector_load %arg6[%get3A_211] {strides = array<i32>} : memref<2048xi32, #tpu.memory_space<vmem>>, vector<16xi32>,
    %ne3A_213 = arith.cmpi ne, %get3A_212, %get3A_33 : vector<16xi32>
    %convert_element_type3A_214 = arith.extui %ne3A_213 : vector<16xi1> to vector<16xi32>
    %cumsum3A_215 = arith.constant true
    %cumsum3A_216 = vector.broadcast %cumsum3A_215 : i1 to vector<16xi1>
    %cumsum3A_217 = tpu.scan <sum>, %convert_element_type3A_214 masked %cumsum3A_216 : vector<16xi32>, vector<16xi1> -> vector<16xi32>
    %add3A_218 = vector.broadcast %add3A_208 : i32 to vector<16xi32>
    %add3A_219 = arith.addi %add3A_218, %cumsum3A_217 : vector<16xi32>
    %swap3A_220 = arith.constant 7 : i32
    %swap3A_221 = arith.index_cast %swap3A_220 : i32 to index
    %swap3A_222 = arith.constant 0 : index
    %swap3A_223 = tpu.vector_load %arg8[%swap3A_221, %swap3A_222] {strides = array<i32>} : memref<16x16xi32, #tpu.memory_space<vmem>>, vector<16xi32>,
    tpu.vector_store %arg8[%swap3A_221, %swap3A_222], %add3A_219 {strides = array<i32>} : memref<16x16xi32, #tpu.memory_space<vmem>>, vector<16xi32>,
    %reduce_sum3A_224 = arith.constant true
    %reduce_sum3A_225 = vector.broadcast %reduce_sum3A_224 : i1 to vector<16xi1>
    %reduce_sum3A_226 = tpu.scan <sum>, %convert_element_type3A_214 masked %reduce_sum3A_225 : vector<16xi32>, vector<16xi1> -> vector<16xi32>
    %reduce_sum3A_227 = vector.extract %reduce_sum3A_226[15] : i32 from vector<16xi32>
    %add3A_228 = arith.addi %add3A_208, %reduce_sum3A_227 : i32
    %add3A_229 = arith.constant 128 : i32
    %add3A_230 = arith.addi %mul3A_32, %add3A_229 : i32
    %get3A_231 = arith.index_cast %add3A_230 : i32 to index
    %get3A_232 = tpu.vector_load %arg6[%get3A_231] {strides = array<i32>} : memref<2048xi32, #tpu.memory_space<vmem>>, vector<16xi32>,
    %ne3A_233 = arith.cmpi ne, %get3A_232, %get3A_33 : vector<16xi32>
    %convert_element_type3A_234 = arith.extui %ne3A_233 : vector<16xi1> to vector<16xi32>
    %cumsum3A_235 = arith.constant true
    %cumsum3A_236 = vector.broadcast %cumsum3A_235 : i1 to vector<16xi1>
    %cumsum3A_237 = tpu.scan <sum>, %convert_element_type3A_234 masked %cumsum3A_236 : vector<16xi32>, vector<16xi1> -> vector<16xi32>
    %add3A_238 = vector.broadcast %add3A_228 : i32 to vector<16xi32>
    %add3A_239 = arith.addi %add3A_238, %cumsum3A_237 : vector<16xi32>
    %swap3A_240 = arith.constant 8 : i32
    %swap3A_241 = arith.index_cast %swap3A_240 : i32 to index
    %swap3A_242 = arith.constant 0 : index
    %swap3A_243 = tpu.vector_load %arg8[%swap3A_241, %swap3A_242] {strides = array<i32>} : memref<16x16xi32, #tpu.memory_space<vmem>>, vector<16xi32>,
    tpu.vector_store %arg8[%swap3A_241, %swap3A_242], %add3A_239 {strides = array<i32>} : memref<16x16xi32, #tpu.memory_space<vmem>>, vector<16xi32>,
    %reduce_sum3A_244 = arith.constant true
    %reduce_sum3A_245 = vector.broadcast %reduce_sum3A_244 : i1 to vector<16xi1>
    %reduce_sum3A_246 = tpu.scan <sum>, %convert_element_type3A_234 masked %reduce_sum3A_245 : vector<16xi32>, vector<16xi1> -> vector<16xi32>
    %reduce_sum3A_247 = vector.extract %reduce_sum3A_246[15] : i32 from vector<16xi32>
    %add3A_248 = arith.addi %add3A_228, %reduce_sum3A_247 : i32
    %add3A_249 = arith.constant 144 : i32
    %add3A_250 = arith.addi %mul3A_32, %add3A_249 : i32
    %get3A_251 = arith.index_cast %add3A_250 : i32 to index
    %get3A_252 = tpu.vector_load %arg6[%get3A_251] {strides = array<i32>} : memref<2048xi32, #tpu.memory_space<vmem>>, vector<16xi32>,
    %ne3A_253 = arith.cmpi ne, %get3A_252, %get3A_33 : vector<16xi32>
    %convert_element_type3A_254 = arith.extui %ne3A_253 : vector<16xi1> to vector<16xi32>
    %cumsum3A_255 = arith.constant true
    %cumsum3A_256 = vector.broadcast %cumsum3A_255 : i1 to vector<16xi1>
    %cumsum3A_257 = tpu.scan <sum>, %convert_element_type3A_254 masked %cumsum3A_256 : vector<16xi32>, vector<16xi1> -> vector<16xi32>
    %add3A_258 = vector.broadcast %add3A_248 : i32 to vector<16xi32>
    %add3A_259 = arith.addi %add3A_258, %cumsum3A_257 : vector<16xi32>
    %swap3A_260 = arith.constant 9 : i32
    %swap3A_261 = arith.index_cast %swap3A_260 : i32 to index
    %swap3A_262 = arith.constant 0 : index
    %swap3A_263 = tpu.vector_load %arg8[%swap3A_261, %swap3A_262] {strides = array<i32>} : memref<16x16xi32, #tpu.memory_space<vmem>>, vector<16xi32>,
    tpu.vector_store %arg8[%swap3A_261, %swap3A_262], %add3A_259 {strides = array<i32>} : memref<16x16xi32, #tpu.memory_space<vmem>>, vector<16xi32>,
    %reduce_sum3A_264 = arith.constant true
    %reduce_sum3A_265 = vector.broadcast %reduce_sum3A_264 : i1 to vector<16xi1>
    %reduce_sum3A_266 = tpu.scan <sum>, %convert_element_type3A_254 masked %reduce_sum3A_265 : vector<16xi32>, vector<16xi1> -> vector<16xi32>
    %reduce_sum3A_267 = vector.extract %reduce_sum3A_266[15] : i32 from vector<16xi32>
    %add3A_268 = arith.addi %add3A_248, %reduce_sum3A_267 : i32
    %add3A_269 = arith.constant 160 : i32
    %add3A_270 = arith.addi %mul3A_32, %add3A_269 : i32
    %get3A_271 = arith.index_cast %add3A_270 : i32 to index
    %get3A_272 = tpu.vector_load %arg6[%get3A_271] {strides = array<i32>} : memref<2048xi32, #tpu.memory_space<vmem>>, vector<16xi32>,
    %ne3A_273 = arith.cmpi ne, %get3A_272, %get3A_33 : vector<16xi32>
    %convert_element_type3A_274 = arith.extui %ne3A_273 : vector<16xi1> to vector<16xi32>
    %cumsum3A_275 = arith.constant true
    %cumsum3A_276 = vector.broadcast %cumsum3A_275 : i1 to vector<16xi1>
    %cumsum3A_277 = tpu.scan <sum>, %convert_element_type3A_274 masked %cumsum3A_276 : vector<16xi32>, vector<16xi1> -> vector<16xi32>
    %add3A_278 = vector.broadcast %add3A_268 : i32 to vector<16xi32>
    %add3A_279 = arith.addi %add3A_278, %cumsum3A_277 : vector<16xi32>
    %swap3A_280 = arith.constant 10 : i32
    %swap3A_281 = arith.index_cast %swap3A_280 : i32 to index
    %swap3A_282 = arith.constant 0 : index
    %swap3A_283 = tpu.vector_load %arg8[%swap3A_281, %swap3A_282] {strides = array<i32>} : memref<16x16xi32, #tpu.memory_space<vmem>>, vector<16xi32>,
    tpu.vector_store %arg8[%swap3A_281, %swap3A_282], %add3A_279 {strides = array<i32>} : memref<16x16xi32, #tpu.memory_space<vmem>>, vector<16xi32>,
    %reduce_sum3A_284 = arith.constant true
    %reduce_sum3A_285 = vector.broadcast %reduce_sum3A_284 : i1 to vector<16xi1>
    %reduce_sum3A_286 = tpu.scan <sum>, %convert_element_type3A_274 masked %reduce_sum3A_285 : vector<16xi32>, vector<16xi1> -> vector<16xi32>
    %reduce_sum3A_287 = vector.extract %reduce_sum3A_286[15] : i32 from vector<16xi32>
    %add3A_288 = arith.addi %add3A_268, %reduce_sum3A_287 : i32
    %add3A_289 = arith.constant 176 : i32
    %add3A_290 = arith.addi %mul3A_32, %add3A_289 : i32
    %get3A_291 = arith.index_cast %add3A_290 : i32 to index
    %get3A_292 = tpu.vector_load %arg6[%get3A_291] {strides = array<i32>} : memref<2048xi32, #tpu.memory_space<vmem>>, vector<16xi32>,
    %ne3A_293 = arith.cmpi ne, %get3A_292, %get3A_33 : vector<16xi32>
    %convert_element_type3A_294 = arith.extui %ne3A_293 : vector<16xi1> to vector<16xi32>
    %cumsum3A_295 = arith.constant true
    %cumsum3A_296 = vector.broadcast %cumsum3A_295 : i1 to vector<16xi1>
    %cumsum3A_297 = tpu.scan <sum>, %convert_element_type3A_294 masked %cumsum3A_296 : vector<16xi32>, vector<16xi1> -> vector<16xi32>
    %add3A_298 = vector.broadcast %add3A_288 : i32 to vector<16xi32>
    %add3A_299 = arith.addi %add3A_298, %cumsum3A_297 : vector<16xi32>
    %swap3A_300 = arith.constant 11 : i32
    %swap3A_301 = arith.index_cast %swap3A_300 : i32 to index
    %swap3A_302 = arith.constant 0 : index
    %swap3A_303 = tpu.vector_load %arg8[%swap3A_301, %swap3A_302] {strides = array<i32>} : memref<16x16xi32, #tpu.memory_space<vmem>>, vector<16xi32>,
    tpu.vector_store %arg8[%swap3A_301, %swap3A_302], %add3A_299 {strides = array<i32>} : memref<16x16xi32, #tpu.memory_space<vmem>>, vector<16xi32>,
    %reduce_sum3A_304 = arith.constant true
    %reduce_sum3A_305 = vector.broadcast %reduce_sum3A_304 : i1 to vector<16xi1>
    %reduce_sum3A_306 = tpu.scan <sum>, %convert_element_type3A_294 masked %reduce_sum3A_305 : vector<16xi32>, vector<16xi1> -> vector<16xi32>
    %reduce_sum3A_307 = vector.extract %reduce_sum3A_306[15] : i32 from vector<16xi32>
    %add3A_308 = arith.addi %add3A_288, %reduce_sum3A_307 : i32
    %add3A_309 = arith.constant 192 : i32
    %add3A_310 = arith.addi %mul3A_32, %add3A_309 : i32
    %get3A_311 = arith.index_cast %add3A_310 : i32 to index
    %get3A_312 = tpu.vector_load %arg6[%get3A_311] {strides = array<i32>} : memref<2048xi32, #tpu.memory_space<vmem>>, vector<16xi32>,
    %ne3A_313 = arith.cmpi ne, %get3A_312, %get3A_33 : vector<16xi32>
    %convert_element_type3A_314 = arith.extui %ne3A_313 : vector<16xi1> to vector<16xi32>
    %cumsum3A_315 = arith.constant true
    %cumsum3A_316 = vector.broadcast %cumsum3A_315 : i1 to vector<16xi1>
    %cumsum3A_317 = tpu.scan <sum>, %convert_element_type3A_314 masked %cumsum3A_316 : vector<16xi32>, vector<16xi1> -> vector<16xi32>
    %add3A_318 = vector.broadcast %add3A_308 : i32 to vector<16xi32>
    %add3A_319 = arith.addi %add3A_318, %cumsum3A_317 : vector<16xi32>
    %swap3A_320 = arith.constant 12 : i32
    %swap3A_321 = arith.index_cast %swap3A_320 : i32 to index
    %swap3A_322 = arith.constant 0 : index
    %swap3A_323 = tpu.vector_load %arg8[%swap3A_321, %swap3A_322] {strides = array<i32>} : memref<16x16xi32, #tpu.memory_space<vmem>>, vector<16xi32>,
    tpu.vector_store %arg8[%swap3A_321, %swap3A_322], %add3A_319 {strides = array<i32>} : memref<16x16xi32, #tpu.memory_space<vmem>>, vector<16xi32>,
    %reduce_sum3A_324 = arith.constant true
    %reduce_sum3A_325 = vector.broadcast %reduce_sum3A_324 : i1 to vector<16xi1>
    %reduce_sum3A_326 = tpu.scan <sum>, %convert_element_type3A_314 masked %reduce_sum3A_325 : vector<16xi32>, vector<16xi1> -> vector<16xi32>
    %reduce_sum3A_327 = vector.extract %reduce_sum3A_326[15] : i32 from vector<16xi32>
    %add3A_328 = arith.addi %add3A_308, %reduce_sum3A_327 : i32
    %add3A_329 = arith.constant 208 : i32
    %add3A_330 = arith.addi %mul3A_32, %add3A_329 : i32
    %get3A_331 = arith.index_cast %add3A_330 : i32 to index
    %get3A_332 = tpu.vector_load %arg6[%get3A_331] {strides = array<i32>} : memref<2048xi32, #tpu.memory_space<vmem>>, vector<16xi32>,
    %ne3A_333 = arith.cmpi ne, %get3A_332, %get3A_33 : vector<16xi32>
    %convert_element_type3A_334 = arith.extui %ne3A_333 : vector<16xi1> to vector<16xi32>
    %cumsum3A_335 = arith.constant true
    %cumsum3A_336 = vector.broadcast %cumsum3A_335 : i1 to vector<16xi1>
    %cumsum3A_337 = tpu.scan <sum>, %convert_element_type3A_334 masked %cumsum3A_336 : vector<16xi32>, vector<16xi1> -> vector<16xi32>
    %add3A_338 = vector.broadcast %add3A_328 : i32 to vector<16xi32>
    %add3A_339 = arith.addi %add3A_338, %cumsum3A_337 : vector<16xi32>
    %swap3A_340 = arith.constant 13 : i32
    %swap3A_341 = arith.index_cast %swap3A_340 : i32 to index
    %swap3A_342 = arith.constant 0 : index
    %swap3A_343 = tpu.vector_load %arg8[%swap3A_341, %swap3A_342] {strides = array<i32>} : memref<16x16xi32, #tpu.memory_space<vmem>>, vector<16xi32>,
    tpu.vector_store %arg8[%swap3A_341, %swap3A_342], %add3A_339 {strides = array<i32>} : memref<16x16xi32, #tpu.memory_space<vmem>>, vector<16xi32>,
    %reduce_sum3A_344 = arith.constant true
    %reduce_sum3A_345 = vector.broadcast %reduce_sum3A_344 : i1 to vector<16xi1>
    %reduce_sum3A_346 = tpu.scan <sum>, %convert_element_type3A_334 masked %reduce_sum3A_345 : vector<16xi32>, vector<16xi1> -> vector<16xi32>
    %reduce_sum3A_347 = vector.extract %reduce_sum3A_346[15] : i32 from vector<16xi32>
    %add3A_348 = arith.addi %add3A_328, %reduce_sum3A_347 : i32
    %add3A_349 = arith.constant 224 : i32
    %add3A_350 = arith.addi %mul3A_32, %add3A_349 : i32
    %get3A_351 = arith.index_cast %add3A_350 : i32 to index
    %get3A_352 = tpu.vector_load %arg6[%get3A_351] {strides = array<i32>} : memref<2048xi32, #tpu.memory_space<vmem>>, vector<16xi32>,
    %ne3A_353 = arith.cmpi ne, %get3A_352, %get3A_33 : vector<16xi32>
    %convert_element_type3A_354 = arith.extui %ne3A_353 : vector<16xi1> to vector<16xi32>
    %cumsum3A_355 = arith.constant true
    %cumsum3A_356 = vector.broadcast %cumsum3A_355 : i1 to vector<16xi1>
    %cumsum3A_357 = tpu.scan <sum>, %convert_element_type3A_354 masked %cumsum3A_356 : vector<16xi32>, vector<16xi1> -> vector<16xi32>
    %add3A_358 = vector.broadcast %add3A_348 : i32 to vector<16xi32>
    %add3A_359 = arith.addi %add3A_358, %cumsum3A_357 : vector<16xi32>
    %swap3A_360 = arith.constant 14 : i32
    %swap3A_361 = arith.index_cast %swap3A_360 : i32 to index
    %swap3A_362 = arith.constant 0 : index
    %swap3A_363 = tpu.vector_load %arg8[%swap3A_361, %swap3A_362] {strides = array<i32>} : memref<16x16xi32, #tpu.memory_space<vmem>>, vector<16xi32>,
    tpu.vector_store %arg8[%swap3A_361, %swap3A_362], %add3A_359 {strides = array<i32>} : memref<16x16xi32, #tpu.memory_space<vmem>>, vector<16xi32>,
    %reduce_sum3A_364 = arith.constant true
    %reduce_sum3A_365 = vector.broadcast %reduce_sum3A_364 : i1 to vector<16xi1>
    %reduce_sum3A_366 = tpu.scan <sum>, %convert_element_type3A_354 masked %reduce_sum3A_365 : vector<16xi32>, vector<16xi1> -> vector<16xi32>
    %reduce_sum3A_367 = vector.extract %reduce_sum3A_366[15] : i32 from vector<16xi32>
    %add3A_368 = arith.addi %add3A_348, %reduce_sum3A_367 : i32
    %add3A_369 = arith.constant 240 : i32
    %add3A_370 = arith.addi %mul3A_32, %add3A_369 : i32
    %get3A_371 = arith.index_cast %add3A_370 : i32 to index
    %get3A_372 = tpu.vector_load %arg6[%get3A_371] {strides = array<i32>} : memref<2048xi32, #tpu.memory_space<vmem>>, vector<16xi32>,
    %ne3A_373 = arith.cmpi ne, %get3A_372, %get3A_33 : vector<16xi32>
    %convert_element_type3A_374 = arith.extui %ne3A_373 : vector<16xi1> to vector<16xi32>
    %cumsum3A_375 = arith.constant true
    %cumsum3A_376 = vector.broadcast %cumsum3A_375 : i1 to vector<16xi1>
    %cumsum3A_377 = tpu.scan <sum>, %convert_element_type3A_374 masked %cumsum3A_376 : vector<16xi32>, vector<16xi1> -> vector<16xi32>
    %add3A_378 = vector.broadcast %add3A_368 : i32 to vector<16xi32>
    %add3A_379 = arith.addi %add3A_378, %cumsum3A_377 : vector<16xi32>
    %swap3A_380 = arith.constant 15 : i32
    %swap3A_381 = arith.index_cast %swap3A_380 : i32 to index
    %swap3A_382 = arith.constant 0 : index
    %swap3A_383 = tpu.vector_load %arg8[%swap3A_381, %swap3A_382] {strides = array<i32>} : memref<16x16xi32, #tpu.memory_space<vmem>>, vector<16xi32>,
    tpu.vector_store %arg8[%swap3A_381, %swap3A_382], %add3A_379 {strides = array<i32>} : memref<16x16xi32, #tpu.memory_space<vmem>>, vector<16xi32>,
    %reduce_sum3A_384 = arith.constant true
    %reduce_sum3A_385 = vector.broadcast %reduce_sum3A_384 : i1 to vector<16xi1>
    %reduce_sum3A_386 = tpu.scan <sum>, %convert_element_type3A_374 masked %reduce_sum3A_385 : vector<16xi32>, vector<16xi1> -> vector<16xi32>
    %reduce_sum3A_387 = vector.extract %reduce_sum3A_386[15] : i32 from vector<16xi32>
    %add3A_388 = arith.addi %add3A_368, %reduce_sum3A_387 : i32
    %dma_start3A = arith.constant 0 : i32
    %dma_start3A_389 = arith.constant 0 : i32
    %dma_start3A_390 = arith.constant 0 : i32
    %dma_start3A_391 = arith.constant 0 : i32
    %dma_start3A_392 = tpu.memref_slice %arg9[%dma_start3A_389, %dma_start3A_390, %dma_start3A_391] : memref<6x16x1024xf32, #tpu.memory_space<vmem>> -> memref<1x16x1024xf32, #tpu.memory_space<vmem>>
    %dma_start3A_393 = tpu.memref_squeeze %dma_start3A_392 : memref<1x16x1024xf32, #tpu.memory_space<vmem>> -> memref<16x1024xf32, #tpu.memory_space<vmem>>
    %dma_start3A_394 = arith.constant 0 : i32
    %dma_start3A_395 = tpu.memref_slice %arg8[%dma_start3A, %dma_start3A_394] : memref<16x16xi32, #tpu.memory_space<vmem>> -> memref<1x16xi32, #tpu.memory_space<vmem>>
    %dma_start3A_396 = tpu.memref_squeeze %dma_start3A_395 : memref<1x16xi32, #tpu.memory_space<vmem>> -> memref<16xi32, #tpu.memory_space<vmem>>
    %dma_start3A_397 = arith.constant 0 : i32
    %dma_start3A_398 = arith.constant 0 : i32
    %dma_start3A_399 = tpu.memref_slice %arg4[%dma_start3A_397, %dma_start3A_398] : memref<2049x1024xf32, #tpu.memory_space<hbm>> -> memref<2049x1024xf32, #tpu.memory_space<hbm>>
    tpu.enqueue_indirect_dma source(%dma_start3A_399 : memref<2049x1024xf32, #tpu.memory_space<hbm>>) target(%dma_start3A_393 : memref<16x1024xf32, #tpu.memory_space<vmem>>) offsets(%dma_start3A_396 : memref<16xi32, #tpu.memory_space<vmem>>) semaphore(%arg10 : memref<!tpu.dma_semaphore, #tpu.memory_space<semaphore_mem>>)
    %dma_start3A_400 = arith.constant 1 : i32
    %dma_start3A_401 = arith.constant 1 : i32
    %dma_start3A_402 = arith.constant 0 : i32
    %dma_start3A_403 = arith.constant 0 : i32
    %dma_start3A_404 = tpu.memref_slice %arg9[%dma_start3A_401, %dma_start3A_402, %dma_start3A_403] : memref<6x16x1024xf32, #tpu.memory_space<vmem>> -> memref<1x16x1024xf32, #tpu.memory_space<vmem>>
    %dma_start3A_405 = tpu.memref_squeeze %dma_start3A_404 : memref<1x16x1024xf32, #tpu.memory_space<vmem>> -> memref<16x1024xf32, #tpu.memory_space<vmem>>
    %dma_start3A_406 = arith.constant 0 : i32
    %dma_start3A_407 = tpu.memref_slice %arg8[%dma_start3A_400, %dma_start3A_406] : memref<16x16xi32, #tpu.memory_space<vmem>> -> memref<1x16xi32, #tpu.memory_space<vmem>>
    %dma_start3A_408 = tpu.memref_squeeze %dma_start3A_407 : memref<1x16xi32, #tpu.memory_space<vmem>> -> memref<16xi32, #tpu.memory_space<vmem>>
    %dma_start3A_409 = arith.constant 0 : i32
    %dma_start3A_410 = arith.constant 0 : i32
    %dma_start3A_411 = tpu.memref_slice %arg4[%dma_start3A_409, %dma_start3A_410] : memref<2049x1024xf32, #tpu.memory_space<hbm>> -> memref<2049x1024xf32, #tpu.memory_space<hbm>>
    tpu.enqueue_indirect_dma source(%dma_start3A_411 : memref<2049x1024xf32, #tpu.memory_space<hbm>>) target(%dma_start3A_405 : memref<16x1024xf32, #tpu.memory_space<vmem>>) offsets(%dma_start3A_408 : memref<16xi32, #tpu.memory_space<vmem>>) semaphore(%arg11 : memref<!tpu.dma_semaphore, #tpu.memory_space<semaphore_mem>>)
    %dma_start3A_412 = arith.constant 2 : i32
    %dma_start3A_413 = arith.constant 2 : i32
    %dma_start3A_414 = arith.constant 0 : i32
    %dma_start3A_415 = arith.constant 0 : i32
    %dma_start3A_416 = tpu.memref_slice %arg9[%dma_start3A_413, %dma_start3A_414, %dma_start3A_415] : memref<6x16x1024xf32, #tpu.memory_space<vmem>> -> memref<1x16x1024xf32, #tpu.memory_space<vmem>>
    %dma_start3A_417 = tpu.memref_squeeze %dma_start3A_416 : memref<1x16x1024xf32, #tpu.memory_space<vmem>> -> memref<16x1024xf32, #tpu.memory_space<vmem>>
    %dma_start3A_418 = arith.constant 0 : i32
    %dma_start3A_419 = tpu.memref_slice %arg8[%dma_start3A_412, %dma_start3A_418] : memref<16x16xi32, #tpu.memory_space<vmem>> -> memref<1x16xi32, #tpu.memory_space<vmem>>
    %dma_start3A_420 = tpu.memref_squeeze %dma_start3A_419 : memref<1x16xi32, #tpu.memory_space<vmem>> -> memref<16xi32, #tpu.memory_space<vmem>>
    %dma_start3A_421 = arith.constant 0 : i32
    %dma_start3A_422 = arith.constant 0 : i32
    %dma_start3A_423 = tpu.memref_slice %arg4[%dma_start3A_421, %dma_start3A_422] : memref<2049x1024xf32, #tpu.memory_space<hbm>> -> memref<2049x1024xf32, #tpu.memory_space<hbm>>
    tpu.enqueue_indirect_dma source(%dma_start3A_423 : memref<2049x1024xf32, #tpu.memory_space<hbm>>) target(%dma_start3A_417 : memref<16x1024xf32, #tpu.memory_space<vmem>>) offsets(%dma_start3A_420 : memref<16xi32, #tpu.memory_space<vmem>>) semaphore(%arg12 : memref<!tpu.dma_semaphore, #tpu.memory_space<semaphore_mem>>)
    %dma_start3A_424 = arith.constant 3 : i32
    %dma_start3A_425 = arith.constant 3 : i32
    %dma_start3A_426 = arith.constant 0 : i32
    %dma_start3A_427 = arith.constant 0 : i32
    %dma_start3A_428 = tpu.memref_slice %arg9[%dma_start3A_425, %dma_start3A_426, %dma_start3A_427] : memref<6x16x1024xf32, #tpu.memory_space<vmem>> -> memref<1x16x1024xf32, #tpu.memory_space<vmem>>
    %dma_start3A_429 = tpu.memref_squeeze %dma_start3A_428 : memref<1x16x1024xf32, #tpu.memory_space<vmem>> -> memref<16x1024xf32, #tpu.memory_space<vmem>>
    %dma_start3A_430 = arith.constant 0 : i32
    %dma_start3A_431 = tpu.memref_slice %arg8[%dma_start3A_424, %dma_start3A_430] : memref<16x16xi32, #tpu.memory_space<vmem>> -> memref<1x16xi32, #tpu.memory_space<vmem>>
    %dma_start3A_432 = tpu.memref_squeeze %dma_start3A_431 : memref<1x16xi32, #tpu.memory_space<vmem>> -> memref<16xi32, #tpu.memory_space<vmem>>
    %dma_start3A_433 = arith.constant 0 : i32
    %dma_start3A_434 = arith.constant 0 : i32
    %dma_start3A_435 = tpu.memref_slice %arg4[%dma_start3A_433, %dma_start3A_434] : memref<2049x1024xf32, #tpu.memory_space<hbm>> -> memref<2049x1024xf32, #tpu.memory_space<hbm>>
    tpu.enqueue_indirect_dma source(%dma_start3A_435 : memref<2049x1024xf32, #tpu.memory_space<hbm>>) target(%dma_start3A_429 : memref<16x1024xf32, #tpu.memory_space<vmem>>) offsets(%dma_start3A_432 : memref<16xi32, #tpu.memory_space<vmem>>) semaphore(%arg13 : memref<!tpu.dma_semaphore, #tpu.memory_space<semaphore_mem>>)
    %dma_start3A_436 = arith.constant 4 : i32
    %dma_start3A_437 = arith.constant 4 : i32
    %dma_start3A_438 = arith.constant 0 : i32
    %dma_start3A_439 = arith.constant 0 : i32
    %dma_start3A_440 = tpu.memref_slice %arg9[%dma_start3A_437, %dma_start3A_438, %dma_start3A_439] : memref<6x16x1024xf32, #tpu.memory_space<vmem>> -> memref<1x16x1024xf32, #tpu.memory_space<vmem>>
    %dma_start3A_441 = tpu.memref_squeeze %dma_start3A_440 : memref<1x16x1024xf32, #tpu.memory_space<vmem>> -> memref<16x1024xf32, #tpu.memory_space<vmem>>
    %dma_start3A_442 = arith.constant 0 : i32
    %dma_start3A_443 = tpu.memref_slice %arg8[%dma_start3A_436, %dma_start3A_442] : memref<16x16xi32, #tpu.memory_space<vmem>> -> memref<1x16xi32, #tpu.memory_space<vmem>>
    %dma_start3A_444 = tpu.memref_squeeze %dma_start3A_443 : memref<1x16xi32, #tpu.memory_space<vmem>> -> memref<16xi32, #tpu.memory_space<vmem>>
    %dma_start3A_445 = arith.constant 0 : i32
    %dma_start3A_446 = arith.constant 0 : i32
    %dma_start3A_447 = tpu.memref_slice %arg4[%dma_start3A_445, %dma_start3A_446] : memref<2049x1024xf32, #tpu.memory_space<hbm>> -> memref<2049x1024xf32, #tpu.memory_space<hbm>>
    tpu.enqueue_indirect_dma source(%dma_start3A_447 : memref<2049x1024xf32, #tpu.memory_space<hbm>>) target(%dma_start3A_441 : memref<16x1024xf32, #tpu.memory_space<vmem>>) offsets(%dma_start3A_444 : memref<16xi32, #tpu.memory_space<vmem>>) semaphore(%arg14 : memref<!tpu.dma_semaphore, #tpu.memory_space<semaphore_mem>>)
    %dma_start3A_448 = arith.constant 5 : i32
    %dma_start3A_449 = arith.constant 5 : i32
    %dma_start3A_450 = arith.constant 0 : i32
    %dma_start3A_451 = arith.constant 0 : i32
    %dma_start3A_452 = tpu.memref_slice %arg9[%dma_start3A_449, %dma_start3A_450, %dma_start3A_451] : memref<6x16x1024xf32, #tpu.memory_space<vmem>> -> memref<1x16x1024xf32, #tpu.memory_space<vmem>>
    %dma_start3A_453 = tpu.memref_squeeze %dma_start3A_452 : memref<1x16x1024xf32, #tpu.memory_space<vmem>> -> memref<16x1024xf32, #tpu.memory_space<vmem>>
    %dma_start3A_454 = arith.constant 0 : i32
    %dma_start3A_455 = tpu.memref_slice %arg8[%dma_start3A_448, %dma_start3A_454] : memref<16x16xi32, #tpu.memory_space<vmem>> -> memref<1x16xi32, #tpu.memory_space<vmem>>
    %dma_start3A_456 = tpu.memref_squeeze %dma_start3A_455 : memref<1x16xi32, #tpu.memory_space<vmem>> -> memref<16xi32, #tpu.memory_space<vmem>>
    %dma_start3A_457 = arith.constant 0 : i32
    %dma_start3A_458 = arith.constant 0 : i32
    %dma_start3A_459 = tpu.memref_slice %arg4[%dma_start3A_457, %dma_start3A_458] : memref<2049x1024xf32, #tpu.memory_space<hbm>> -> memref<2049x1024xf32, #tpu.memory_space<hbm>>
    tpu.enqueue_indirect_dma source(%dma_start3A_459 : memref<2049x1024xf32, #tpu.memory_space<hbm>>) target(%dma_start3A_453 : memref<16x1024xf32, #tpu.memory_space<vmem>>) offsets(%dma_start3A_456 : memref<16xi32, #tpu.memory_space<vmem>>) semaphore(%arg15 : memref<!tpu.dma_semaphore, #tpu.memory_space<semaphore_mem>>)
    %dma_wait3A = arith.constant 0 : i32
    %dma_wait3A_460 = arith.constant 0 : i32
    %dma_wait3A_461 = arith.constant 0 : i32
    %dma_wait3A_462 = tpu.memref_slice %arg9[%dma_wait3A, %dma_wait3A_460, %dma_wait3A_461] : memref<6x16x1024xf32, #tpu.memory_space<vmem>> -> memref<1x16x1024xf32, #tpu.memory_space<vmem>>
    %dma_wait3A_463 = tpu.memref_squeeze %dma_wait3A_462 : memref<1x16x1024xf32, #tpu.memory_space<vmem>> -> memref<16x1024xf32, #tpu.memory_space<vmem>>
    %dma_wait3A_464 = arith.constant 0 : i32
    %dma_wait3A_465 = arith.constant 0 : i32
    %dma_wait3A_466 = tpu.memref_slice %arg4[%dma_wait3A_464, %dma_wait3A_465] : memref<2049x1024xf32, #tpu.memory_space<hbm>> -> memref<16x1024xf32, #tpu.memory_space<hbm>>
    %dma_wait3A_467 = arith.constant 0 : i32
    %dma_wait3A_468 = arith.constant 0 : i32
    %dma_wait3A_469 = tpu.memref_slice %arg9[%dma_wait3A, %dma_wait3A_467, %dma_wait3A_468] : memref<6x16x1024xf32, #tpu.memory_space<vmem>> -> memref<1x16x1024xf32, #tpu.memory_space<vmem>>
    %dma_wait3A_470 = tpu.memref_squeeze %dma_wait3A_469 : memref<1x16x1024xf32, #tpu.memory_space<vmem>> -> memref<16x1024xf32, #tpu.memory_space<vmem>>
    %dma_wait3A_471 = arith.constant 0 : i32
    %dma_wait3A_472 = arith.constant 0 : i32
    %dma_wait3A_473 = tpu.memref_slice %arg4[%dma_wait3A_471, %dma_wait3A_472] : memref<2049x1024xf32, #tpu.memory_space<hbm>> -> memref<16x1024xf32, #tpu.memory_space<hbm>>
    tpu.wait_dma2 semaphore(%arg10 : memref<!tpu.dma_semaphore, #tpu.memory_space<semaphore_mem>>) src(%dma_wait3A_473 : memref<16x1024xf32, #tpu.memory_space<hbm>>) dst(%dma_wait3A_470 : memref<16x1024xf32, #tpu.memory_space<vmem>>)
    %add3A_474 = arith.constant 0 : i32
    %add3A_475 = arith.addi %mul3A_32, %add3A_474 : i32
    %dma_start3A_476 = arith.constant 0 : i32
    %dma_start3A_477 = arith.constant 0 : i32
    %dma_start3A_478 = arith.constant 0 : i32
    %dma_start3A_479 = tpu.memref_slice %arg9[%dma_start3A_476, %dma_start3A_477, %dma_start3A_478] : memref<6x16x1024xf32, #tpu.memory_space<vmem>> -> memref<1x16x1024xf32, #tpu.memory_space<vmem>>
    %dma_start3A_480 = tpu.memref_squeeze %dma_start3A_479 : memref<1x16x1024xf32, #tpu.memory_space<vmem>> -> memref<16x1024xf32, #tpu.memory_space<vmem>>
    %dma_start3A_481 = arith.constant 0 : i32
    %dma_start3A_482 = tpu.memref_slice %arg5[%select_n3A, %add3A_475, %dma_start3A_481] : memref<4x2048x1024xf32, #tpu.memory_space<hbm>> -> memref<1x16x1024xf32, #tpu.memory_space<hbm>>
    %dma_start3A_483 = tpu.memref_squeeze %dma_start3A_482 : memref<1x16x1024xf32, #tpu.memory_space<hbm>> -> memref<16x1024xf32, #tpu.memory_space<hbm>>
    %dma_start3A_484 = arith.constant 0 : i32
    %dma_start3A_485 = tpu.memref_slice %arg5[%select_n3A, %add3A_475, %dma_start3A_484] : memref<4x2048x1024xf32, #tpu.memory_space<hbm>> -> memref<1x16x1024xf32, #tpu.memory_space<hbm>>
    %dma_start3A_486 = tpu.memref_squeeze %dma_start3A_485 : memref<1x16x1024xf32, #tpu.memory_space<hbm>> -> memref<16x1024xf32, #tpu.memory_space<hbm>>
    %dma_start3A_487 = arith.constant 0 : i32
    %dma_start3A_488 = arith.constant 0 : i32
    %dma_start3A_489 = tpu.memref_slice %arg9[%dma_start3A_476, %dma_start3A_487, %dma_start3A_488] : memref<6x16x1024xf32, #tpu.memory_space<vmem>> -> memref<1x16x1024xf32, #tpu.memory_space<vmem>>
    %dma_start3A_490 = tpu.memref_squeeze %dma_start3A_489 : memref<1x16x1024xf32, #tpu.memory_space<vmem>> -> memref<16x1024xf32, #tpu.memory_space<vmem>>
    tpu.enqueue_dma source(%dma_start3A_490 : memref<16x1024xf32, #tpu.memory_space<vmem>>) target(%dma_start3A_486 : memref<16x1024xf32, #tpu.memory_space<hbm>>) target_semaphore(%arg16 : memref<!tpu.dma_semaphore, #tpu.memory_space<semaphore_mem>>)
    %dma_wait3A_491 = arith.constant 0 : i32
    %dma_wait3A_492 = arith.constant 0 : i32
    %dma_wait3A_493 = arith.constant 0 : i32
    %dma_wait3A_494 = tpu.memref_slice %arg9[%dma_wait3A_491, %dma_wait3A_492, %dma_wait3A_493] : memref<6x16x1024xf32, #tpu.memory_space<vmem>> -> memref<1x16x1024xf32, #tpu.memory_space<vmem>>
    %dma_wait3A_495 = tpu.memref_squeeze %dma_wait3A_494 : memref<1x16x1024xf32, #tpu.memory_space<vmem>> -> memref<16x1024xf32, #tpu.memory_space<vmem>>
    %dma_wait3A_496 = arith.constant 0 : i32
    %dma_wait3A_497 = tpu.memref_slice %arg5[%select_n3A, %add3A_475, %dma_wait3A_496] : memref<4x2048x1024xf32, #tpu.memory_space<hbm>> -> memref<1x16x1024xf32, #tpu.memory_space<hbm>>
    %dma_wait3A_498 = tpu.memref_squeeze %dma_wait3A_497 : memref<1x16x1024xf32, #tpu.memory_space<hbm>> -> memref<16x1024xf32, #tpu.memory_space<hbm>>
    %dma_wait3A_499 = arith.constant 0 : i32
    %dma_wait3A_500 = tpu.memref_slice %arg5[%select_n3A, %add3A_475, %dma_wait3A_499] : memref<4x2048x1024xf32, #tpu.memory_space<hbm>> -> memref<1x16x1024xf32, #tpu.memory_space<hbm>>
    %dma_wait3A_501 = tpu.memref_squeeze %dma_wait3A_500 : memref<1x16x1024xf32, #tpu.memory_space<hbm>> -> memref<16x1024xf32, #tpu.memory_space<hbm>>
    %dma_wait3A_502 = arith.constant 0 : i32
    %dma_wait3A_503 = arith.constant 0 : i32
    %dma_wait3A_504 = tpu.memref_slice %arg9[%dma_wait3A_491, %dma_wait3A_502, %dma_wait3A_503] : memref<6x16x1024xf32, #tpu.memory_space<vmem>> -> memref<1x16x1024xf32, #tpu.memory_space<vmem>>
    %dma_wait3A_505 = tpu.memref_squeeze %dma_wait3A_504 : memref<1x16x1024xf32, #tpu.memory_space<vmem>> -> memref<16x1024xf32, #tpu.memory_space<vmem>>
    tpu.wait_dma2 semaphore(%arg16 : memref<!tpu.dma_semaphore, #tpu.memory_space<semaphore_mem>>) src(%dma_wait3A_505 : memref<16x1024xf32, #tpu.memory_space<vmem>>) dst(%dma_wait3A_501 : memref<16x1024xf32, #tpu.memory_space<hbm>>)
    %dma_start3A_506 = arith.constant 6 : i32
    %dma_start3A_507 = arith.constant 0 : i32
    %dma_start3A_508 = arith.constant 0 : i32
    %dma_start3A_509 = arith.constant 0 : i32
    %dma_start3A_510 = tpu.memref_slice %arg9[%dma_start3A_507, %dma_start3A_508, %dma_start3A_509] : memref<6x16x1024xf32, #tpu.memory_space<vmem>> -> memref<1x16x1024xf32, #tpu.memory_space<vmem>>
    %dma_start3A_511 = tpu.memref_squeeze %dma_start3A_510 : memref<1x16x1024xf32, #tpu.memory_space<vmem>> -> memref<16x1024xf32, #tpu.memory_space<vmem>>
    %dma_start3A_512 = arith.constant 0 : i32
    %dma_start3A_513 = tpu.memref_slice %arg8[%dma_start3A_506, %dma_start3A_512] : memref<16x16xi32, #tpu.memory_space<vmem>> -> memref<1x16xi32, #tpu.memory_space<vmem>>
    %dma_start3A_514 = tpu.memref_squeeze %dma_start3A_513 : memref<1x16xi32, #tpu.memory_space<vmem>> -> memref<16xi32, #tpu.memory_space<vmem>>
    %dma_start3A_515 = arith.constant 0 : i32
    %dma_start3A_516 = arith.constant 0 : i32
    %dma_start3A_517 = tpu.memref_slice %arg4[%dma_start3A_515, %dma_start3A_516] : memref<2049x1024xf32, #tpu.memory_space<hbm>> -> memref<2049x1024xf32, #tpu.memory_space<hbm>>
    tpu.enqueue_indirect_dma source(%dma_start3A_517 : memref<2049x1024xf32, #tpu.memory_space<hbm>>) target(%dma_start3A_511 : memref<16x1024xf32, #tpu.memory_space<vmem>>) offsets(%dma_start3A_514 : memref<16xi32, #tpu.memory_space<vmem>>) semaphore(%arg10 : memref<!tpu.dma_semaphore, #tpu.memory_space<semaphore_mem>>)
    %dma_wait3A_518 = arith.constant 1 : i32
    %dma_wait3A_519 = arith.constant 0 : i32
    %dma_wait3A_520 = arith.constant 0 : i32
    %dma_wait3A_521 = tpu.memref_slice %arg9[%dma_wait3A_518, %dma_wait3A_519, %dma_wait3A_520] : memref<6x16x1024xf32, #tpu.memory_space<vmem>> -> memref<1x16x1024xf32, #tpu.memory_space<vmem>>
    %dma_wait3A_522 = tpu.memref_squeeze %dma_wait3A_521 : memref<1x16x1024xf32, #tpu.memory_space<vmem>> -> memref<16x1024xf32, #tpu.memory_space<vmem>>
    %dma_wait3A_523 = arith.constant 0 : i32
    %dma_wait3A_524 = arith.constant 0 : i32
    %dma_wait3A_525 = tpu.memref_slice %arg4[%dma_wait3A_523, %dma_wait3A_524] : memref<2049x1024xf32, #tpu.memory_space<hbm>> -> memref<16x1024xf32, #tpu.memory_space<hbm>>
    %dma_wait3A_526 = arith.constant 0 : i32
    %dma_wait3A_527 = arith.constant 0 : i32
    %dma_wait3A_528 = tpu.memref_slice %arg9[%dma_wait3A_518, %dma_wait3A_526, %dma_wait3A_527] : memref<6x16x1024xf32, #tpu.memory_space<vmem>> -> memref<1x16x1024xf32, #tpu.memory_space<vmem>>
    %dma_wait3A_529 = tpu.memref_squeeze %dma_wait3A_528 : memref<1x16x1024xf32, #tpu.memory_space<vmem>> -> memref<16x1024xf32, #tpu.memory_space<vmem>>
    %dma_wait3A_530 = arith.constant 0 : i32
    %dma_wait3A_531 = arith.constant 0 : i32
    %dma_wait3A_532 = tpu.memref_slice %arg4[%dma_wait3A_530, %dma_wait3A_531] : memref<2049x1024xf32, #tpu.memory_space<hbm>> -> memref<16x1024xf32, #tpu.memory_space<hbm>>
    tpu.wait_dma2 semaphore(%arg11 : memref<!tpu.dma_semaphore, #tpu.memory_space<semaphore_mem>>) src(%dma_wait3A_532 : memref<16x1024xf32, #tpu.memory_space<hbm>>) dst(%dma_wait3A_529 : memref<16x1024xf32, #tpu.memory_space<vmem>>)
    %add3A_533 = arith.constant 16 : i32
    %add3A_534 = arith.addi %mul3A_32, %add3A_533 : i32
    %dma_start3A_535 = arith.constant 1 : i32
    %dma_start3A_536 = arith.constant 0 : i32
    %dma_start3A_537 = arith.constant 0 : i32
    %dma_start3A_538 = tpu.memref_slice %arg9[%dma_start3A_535, %dma_start3A_536, %dma_start3A_537] : memref<6x16x1024xf32, #tpu.memory_space<vmem>> -> memref<1x16x1024xf32, #tpu.memory_space<vmem>>
    %dma_start3A_539 = tpu.memref_squeeze %dma_start3A_538 : memref<1x16x1024xf32, #tpu.memory_space<vmem>> -> memref<16x1024xf32, #tpu.memory_space<vmem>>
    %dma_start3A_540 = arith.constant 0 : i32
    %dma_start3A_541 = tpu.memref_slice %arg5[%select_n3A, %add3A_534, %dma_start3A_540] : memref<4x2048x1024xf32, #tpu.memory_space<hbm>> -> memref<1x16x1024xf32, #tpu.memory_space<hbm>>
    %dma_start3A_542 = tpu.memref_squeeze %dma_start3A_541 : memref<1x16x1024xf32, #tpu.memory_space<hbm>> -> memref<16x1024xf32, #tpu.memory_space<hbm>>
    %dma_start3A_543 = arith.constant 0 : i32
    %dma_start3A_544 = tpu.memref_slice %arg5[%select_n3A, %add3A_534, %dma_start3A_543] : memref<4x2048x1024xf32, #tpu.memory_space<hbm>> -> memref<1x16x1024xf32, #tpu.memory_space<hbm>>
    %dma_start3A_545 = tpu.memref_squeeze %dma_start3A_544 : memref<1x16x1024xf32, #tpu.memory_space<hbm>> -> memref<16x1024xf32, #tpu.memory_space<hbm>>
    %dma_start3A_546 = arith.constant 0 : i32
    %dma_start3A_547 = arith.constant 0 : i32
    %dma_start3A_548 = tpu.memref_slice %arg9[%dma_start3A_535, %dma_start3A_546, %dma_start3A_547] : memref<6x16x1024xf32, #tpu.memory_space<vmem>> -> memref<1x16x1024xf32, #tpu.memory_space<vmem>>
    %dma_start3A_549 = tpu.memref_squeeze %dma_start3A_548 : memref<1x16x1024xf32, #tpu.memory_space<vmem>> -> memref<16x1024xf32, #tpu.memory_space<vmem>>
    tpu.enqueue_dma source(%dma_start3A_549 : memref<16x1024xf32, #tpu.memory_space<vmem>>) target(%dma_start3A_545 : memref<16x1024xf32, #tpu.memory_space<hbm>>) target_semaphore(%arg17 : memref<!tpu.dma_semaphore, #tpu.memory_space<semaphore_mem>>)
    %dma_wait3A_550 = arith.constant 1 : i32
    %dma_wait3A_551 = arith.constant 0 : i32
    %dma_wait3A_552 = arith.constant 0 : i32
    %dma_wait3A_553 = tpu.memref_slice %arg9[%dma_wait3A_550, %dma_wait3A_551, %dma_wait3A_552] : memref<6x16x1024xf32, #tpu.memory_space<vmem>> -> memref<1x16x1024xf32, #tpu.memory_space<vmem>>
    %dma_wait3A_554 = tpu.memref_squeeze %dma_wait3A_553 : memref<1x16x1024xf32, #tpu.memory_space<vmem>> -> memref<16x1024xf32, #tpu.memory_space<vmem>>
    %dma_wait3A_555 = arith.constant 0 : i32
    %dma_wait3A_556 = tpu.memref_slice %arg5[%select_n3A, %add3A_534, %dma_wait3A_555] : memref<4x2048x1024xf32, #tpu.memory_space<hbm>> -> memref<1x16x1024xf32, #tpu.memory_space<hbm>>
    %dma_wait3A_557 = tpu.memref_squeeze %dma_wait3A_556 : memref<1x16x1024xf32, #tpu.memory_space<hbm>> -> memref<16x1024xf32, #tpu.memory_space<hbm>>
    %dma_wait3A_558 = arith.constant 0 : i32
    %dma_wait3A_559 = tpu.memref_slice %arg5[%select_n3A, %add3A_534, %dma_wait3A_558] : memref<4x2048x1024xf32, #tpu.memory_space<hbm>> -> memref<1x16x1024xf32, #tpu.memory_space<hbm>>
    %dma_wait3A_560 = tpu.memref_squeeze %dma_wait3A_559 : memref<1x16x1024xf32, #tpu.memory_space<hbm>> -> memref<16x1024xf32, #tpu.memory_space<hbm>>
    %dma_wait3A_561 = arith.constant 0 : i32
    %dma_wait3A_562 = arith.constant 0 : i32
    %dma_wait3A_563 = tpu.memref_slice %arg9[%dma_wait3A_550, %dma_wait3A_561, %dma_wait3A_562] : memref<6x16x1024xf32, #tpu.memory_space<vmem>> -> memref<1x16x1024xf32, #tpu.memory_space<vmem>>
    %dma_wait3A_564 = tpu.memref_squeeze %dma_wait3A_563 : memref<1x16x1024xf32, #tpu.memory_space<vmem>> -> memref<16x1024xf32, #tpu.memory_space<vmem>>
    tpu.wait_dma2 semaphore(%arg17 : memref<!tpu.dma_semaphore, #tpu.memory_space<semaphore_mem>>) src(%dma_wait3A_564 : memref<16x1024xf32, #tpu.memory_space<vmem>>) dst(%dma_wait3A_560 : memref<16x1024xf32, #tpu.memory_space<hbm>>)
    %dma_start3A_565 = arith.constant 7 : i32
    %dma_start3A_566 = arith.constant 1 : i32
    %dma_start3A_567 = arith.constant 0 : i32
    %dma_start3A_568 = arith.constant 0 : i32
    %dma_start3A_569 = tpu.memref_slice %arg9[%dma_start3A_566, %dma_start3A_567, %dma_start3A_568] : memref<6x16x1024xf32, #tpu.memory_space<vmem>> -> memref<1x16x1024xf32, #tpu.memory_space<vmem>>
    %dma_start3A_570 = tpu.memref_squeeze %dma_start3A_569 : memref<1x16x1024xf32, #tpu.memory_space<vmem>> -> memref<16x1024xf32, #tpu.memory_space<vmem>>
    %dma_start3A_571 = arith.constant 0 : i32
    %dma_start3A_572 = tpu.memref_slice %arg8[%dma_start3A_565, %dma_start3A_571] : memref<16x16xi32, #tpu.memory_space<vmem>> -> memref<1x16xi32, #tpu.memory_space<vmem>>
    %dma_start3A_573 = tpu.memref_squeeze %dma_start3A_572 : memref<1x16xi32, #tpu.memory_space<vmem>> -> memref<16xi32, #tpu.memory_space<vmem>>
    %dma_start3A_574 = arith.constant 0 : i32
    %dma_start3A_575 = arith.constant 0 : i32
    %dma_start3A_576 = tpu.memref_slice %arg4[%dma_start3A_574, %dma_start3A_575] : memref<2049x1024xf32, #tpu.memory_space<hbm>> -> memref<2049x1024xf32, #tpu.memory_space<hbm>>
    tpu.enqueue_indirect_dma source(%dma_start3A_576 : memref<2049x1024xf32, #tpu.memory_space<hbm>>) target(%dma_start3A_570 : memref<16x1024xf32, #tpu.memory_space<vmem>>) offsets(%dma_start3A_573 : memref<16xi32, #tpu.memory_space<vmem>>) semaphore(%arg11 : memref<!tpu.dma_semaphore, #tpu.memory_space<semaphore_mem>>)
    %dma_wait3A_577 = arith.constant 2 : i32
    %dma_wait3A_578 = arith.constant 0 : i32
    %dma_wait3A_579 = arith.constant 0 : i32
    %dma_wait3A_580 = tpu.memref_slice %arg9[%dma_wait3A_577, %dma_wait3A_578, %dma_wait3A_579] : memref<6x16x1024xf32, #tpu.memory_space<vmem>> -> memref<1x16x1024xf32, #tpu.memory_space<vmem>>
    %dma_wait3A_581 = tpu.memref_squeeze %dma_wait3A_580 : memref<1x16x1024xf32, #tpu.memory_space<vmem>> -> memref<16x1024xf32, #tpu.memory_space<vmem>>
    %dma_wait3A_582 = arith.constant 0 : i32
    %dma_wait3A_583 = arith.constant 0 : i32
    %dma_wait3A_584 = tpu.memref_slice %arg4[%dma_wait3A_582, %dma_wait3A_583] : memref<2049x1024xf32, #tpu.memory_space<hbm>> -> memref<16x1024xf32, #tpu.memory_space<hbm>>
    %dma_wait3A_585 = arith.constant 0 : i32
    %dma_wait3A_586 = arith.constant 0 : i32
    %dma_wait3A_587 = tpu.memref_slice %arg9[%dma_wait3A_577, %dma_wait3A_585, %dma_wait3A_586] : memref<6x16x1024xf32, #tpu.memory_space<vmem>> -> memref<1x16x1024xf32, #tpu.memory_space<vmem>>
    %dma_wait3A_588 = tpu.memref_squeeze %dma_wait3A_587 : memref<1x16x1024xf32, #tpu.memory_space<vmem>> -> memref<16x1024xf32, #tpu.memory_space<vmem>>
    %dma_wait3A_589 = arith.constant 0 : i32
    %dma_wait3A_590 = arith.constant 0 : i32
    %dma_wait3A_591 = tpu.memref_slice %arg4[%dma_wait3A_589, %dma_wait3A_590] : memref<2049x1024xf32, #tpu.memory_space<hbm>> -> memref<16x1024xf32, #tpu.memory_space<hbm>>
    tpu.wait_dma2 semaphore(%arg12 : memref<!tpu.dma_semaphore, #tpu.memory_space<semaphore_mem>>) src(%dma_wait3A_591 : memref<16x1024xf32, #tpu.memory_space<hbm>>) dst(%dma_wait3A_588 : memref<16x1024xf32, #tpu.memory_space<vmem>>)
    %add3A_592 = arith.constant 32 : i32
    %add3A_593 = arith.addi %mul3A_32, %add3A_592 : i32
    %dma_start3A_594 = arith.constant 2 : i32
    %dma_start3A_595 = arith.constant 0 : i32
    %dma_start3A_596 = arith.constant 0 : i32
    %dma_start3A_597 = tpu.memref_slice %arg9[%dma_start3A_594, %dma_start3A_595, %dma_start3A_596] : memref<6x16x1024xf32, #tpu.memory_space<vmem>> -> memref<1x16x1024xf32, #tpu.memory_space<vmem>>
    %dma_start3A_598 = tpu.memref_squeeze %dma_start3A_597 : memref<1x16x1024xf32, #tpu.memory_space<vmem>> -> memref<16x1024xf32, #tpu.memory_space<vmem>>
    %dma_start3A_599 = arith.constant 0 : i32
    %dma_start3A_600 = tpu.memref_slice %arg5[%select_n3A, %add3A_593, %dma_start3A_599] : memref<4x2048x1024xf32, #tpu.memory_space<hbm>> -> memref<1x16x1024xf32, #tpu.memory_space<hbm>>
    %dma_start3A_601 = tpu.memref_squeeze %dma_start3A_600 : memref<1x16x1024xf32, #tpu.memory_space<hbm>> -> memref<16x1024xf32, #tpu.memory_space<hbm>>
    %dma_start3A_602 = arith.constant 0 : i32
    %dma_start3A_603 = tpu.memref_slice %arg5[%select_n3A, %add3A_593, %dma_start3A_602] : memref<4x2048x1024xf32, #tpu.memory_space<hbm>> -> memref<1x16x1024xf32, #tpu.memory_space<hbm>>
    %dma_start3A_604 = tpu.memref_squeeze %dma_start3A_603 : memref<1x16x1024xf32, #tpu.memory_space<hbm>> -> memref<16x1024xf32, #tpu.memory_space<hbm>>
    %dma_start3A_605 = arith.constant 0 : i32
    %dma_start3A_606 = arith.constant 0 : i32
    %dma_start3A_607 = tpu.memref_slice %arg9[%dma_start3A_594, %dma_start3A_605, %dma_start3A_606] : memref<6x16x1024xf32, #tpu.memory_space<vmem>> -> memref<1x16x1024xf32, #tpu.memory_space<vmem>>
    %dma_start3A_608 = tpu.memref_squeeze %dma_start3A_607 : memref<1x16x1024xf32, #tpu.memory_space<vmem>> -> memref<16x1024xf32, #tpu.memory_space<vmem>>
    tpu.enqueue_dma source(%dma_start3A_608 : memref<16x1024xf32, #tpu.memory_space<vmem>>) target(%dma_start3A_604 : memref<16x1024xf32, #tpu.memory_space<hbm>>) target_semaphore(%arg18 : memref<!tpu.dma_semaphore, #tpu.memory_space<semaphore_mem>>)
    %dma_wait3A_609 = arith.constant 2 : i32
    %dma_wait3A_610 = arith.constant 0 : i32
    %dma_wait3A_611 = arith.constant 0 : i32
    %dma_wait3A_612 = tpu.memref_slice %arg9[%dma_wait3A_609, %dma_wait3A_610, %dma_wait3A_611] : memref<6x16x1024xf32, #tpu.memory_space<vmem>> -> memref<1x16x1024xf32, #tpu.memory_space<vmem>>
    %dma_wait3A_613 = tpu.memref_squeeze %dma_wait3A_612 : memref<1x16x1024xf32, #tpu.memory_space<vmem>> -> memref<16x1024xf32, #tpu.memory_space<vmem>>
    %dma_wait3A_614 = arith.constant 0 : i32
    %dma_wait3A_615 = tpu.memref_slice %arg5[%select_n3A, %add3A_593, %dma_wait3A_614] : memref<4x2048x1024xf32, #tpu.memory_space<hbm>> -> memref<1x16x1024xf32, #tpu.memory_space<hbm>>
    %dma_wait3A_616 = tpu.memref_squeeze %dma_wait3A_615 : memref<1x16x1024xf32, #tpu.memory_space<hbm>> -> memref<16x1024xf32, #tpu.memory_space<hbm>>
    %dma_wait3A_617 = arith.constant 0 : i32
    %dma_wait3A_618 = tpu.memref_slice %arg5[%select_n3A, %add3A_593, %dma_wait3A_617] : memref<4x2048x1024xf32, #tpu.memory_space<hbm>> -> memref<1x16x1024xf32, #tpu.memory_space<hbm>>
    %dma_wait3A_619 = tpu.memref_squeeze %dma_wait3A_618 : memref<1x16x1024xf32, #tpu.memory_space<hbm>> -> memref<16x1024xf32, #tpu.memory_space<hbm>>
    %dma_wait3A_620 = arith.constant 0 : i32
    %dma_wait3A_621 = arith.constant 0 : i32
    %dma_wait3A_622 = tpu.memref_slice %arg9[%dma_wait3A_609, %dma_wait3A_620, %dma_wait3A_621] : memref<6x16x1024xf32, #tpu.memory_space<vmem>> -> memref<1x16x1024xf32, #tpu.memory_space<vmem>>
    %dma_wait3A_623 = tpu.memref_squeeze %dma_wait3A_622 : memref<1x16x1024xf32, #tpu.memory_space<vmem>> -> memref<16x1024xf32, #tpu.memory_space<vmem>>
    tpu.wait_dma2 semaphore(%arg18 : memref<!tpu.dma_semaphore, #tpu.memory_space<semaphore_mem>>) src(%dma_wait3A_623 : memref<16x1024xf32, #tpu.memory_space<vmem>>) dst(%dma_wait3A_619 : memref<16x1024xf32, #tpu.memory_space<hbm>>)
    %dma_start3A_624 = arith.constant 8 : i32
    %dma_start3A_625 = arith.constant 2 : i32
    %dma_start3A_626 = arith.constant 0 : i32
    %dma_start3A_627 = arith.constant 0 : i32
    %dma_start3A_628 = tpu.memref_slice %arg9[%dma_start3A_625, %dma_start3A_626, %dma_start3A_627] : memref<6x16x1024xf32, #tpu.memory_space<vmem>> -> memref<1x16x1024xf32, #tpu.memory_space<vmem>>
    %dma_start3A_629 = tpu.memref_squeeze %dma_start3A_628 : memref<1x16x1024xf32, #tpu.memory_space<vmem>> -> memref<16x1024xf32, #tpu.memory_space<vmem>>
    %dma_start3A_630 = arith.constant 0 : i32
    %dma_start3A_631 = tpu.memref_slice %arg8[%dma_start3A_624, %dma_start3A_630] : memref<16x16xi32, #tpu.memory_space<vmem>> -> memref<1x16xi32, #tpu.memory_space<vmem>>
    %dma_start3A_632 = tpu.memref_squeeze %dma_start3A_631 : memref<1x16xi32, #tpu.memory_space<vmem>> -> memref<16xi32, #tpu.memory_space<vmem>>
    %dma_start3A_633 = arith.constant 0 : i32
    %dma_start3A_634 = arith.constant 0 : i32
    %dma_start3A_635 = tpu.memref_slice %arg4[%dma_start3A_633, %dma_start3A_634] : memref<2049x1024xf32, #tpu.memory_space<hbm>> -> memref<2049x1024xf32, #tpu.memory_space<hbm>>
    tpu.enqueue_indirect_dma source(%dma_start3A_635 : memref<2049x1024xf32, #tpu.memory_space<hbm>>) target(%dma_start3A_629 : memref<16x1024xf32, #tpu.memory_space<vmem>>) offsets(%dma_start3A_632 : memref<16xi32, #tpu.memory_space<vmem>>) semaphore(%arg12 : memref<!tpu.dma_semaphore, #tpu.memory_space<semaphore_mem>>)
    %dma_wait3A_636 = arith.constant 3 : i32
    %dma_wait3A_637 = arith.constant 0 : i32
    %dma_wait3A_638 = arith.constant 0 : i32
    %dma_wait3A_639 = tpu.memref_slice %arg9[%dma_wait3A_636, %dma_wait3A_637, %dma_wait3A_638] : memref<6x16x1024xf32, #tpu.memory_space<vmem>> -> memref<1x16x1024xf32, #tpu.memory_space<vmem>>
    %dma_wait3A_640 = tpu.memref_squeeze %dma_wait3A_639 : memref<1x16x1024xf32, #tpu.memory_space<vmem>> -> memref<16x1024xf32, #tpu.memory_space<vmem>>
    %dma_wait3A_641 = arith.constant 0 : i32
    %dma_wait3A_642 = arith.constant 0 : i32
    %dma_wait3A_643 = tpu.memref_slice %arg4[%dma_wait3A_641, %dma_wait3A_642] : memref<2049x1024xf32, #tpu.memory_space<hbm>> -> memref<16x1024xf32, #tpu.memory_space<hbm>>
    %dma_wait3A_644 = arith.constant 0 : i32
    %dma_wait3A_645 = arith.constant 0 : i32
    %dma_wait3A_646 = tpu.memref_slice %arg9[%dma_wait3A_636, %dma_wait3A_644, %dma_wait3A_645] : memref<6x16x1024xf32, #tpu.memory_space<vmem>> -> memref<1x16x1024xf32, #tpu.memory_space<vmem>>
    %dma_wait3A_647 = tpu.memref_squeeze %dma_wait3A_646 : memref<1x16x1024xf32, #tpu.memory_space<vmem>> -> memref<16x1024xf32, #tpu.memory_space<vmem>>
    %dma_wait3A_648 = arith.constant 0 : i32
    %dma_wait3A_649 = arith.constant 0 : i32
    %dma_wait3A_650 = tpu.memref_slice %arg4[%dma_wait3A_648, %dma_wait3A_649] : memref<2049x1024xf32, #tpu.memory_space<hbm>> -> memref<16x1024xf32, #tpu.memory_space<hbm>>
    tpu.wait_dma2 semaphore(%arg13 : memref<!tpu.dma_semaphore, #tpu.memory_space<semaphore_mem>>) src(%dma_wait3A_650 : memref<16x1024xf32, #tpu.memory_space<hbm>>) dst(%dma_wait3A_647 : memref<16x1024xf32, #tpu.memory_space<vmem>>)
    %add3A_651 = arith.constant 48 : i32
    %add3A_652 = arith.addi %mul3A_32, %add3A_651 : i32
    %dma_start3A_653 = arith.constant 3 : i32
    %dma_start3A_654 = arith.constant 0 : i32
    %dma_start3A_655 = arith.constant 0 : i32
    %dma_start3A_656 = tpu.memref_slice %arg9[%dma_start3A_653, %dma_start3A_654, %dma_start3A_655] : memref<6x16x1024xf32, #tpu.memory_space<vmem>> -> memref<1x16x1024xf32, #tpu.memory_space<vmem>>
    %dma_start3A_657 = tpu.memref_squeeze %dma_start3A_656 : memref<1x16x1024xf32, #tpu.memory_space<vmem>> -> memref<16x1024xf32, #tpu.memory_space<vmem>>
    %dma_start3A_658 = arith.constant 0 : i32
    %dma_start3A_659 = tpu.memref_slice %arg5[%select_n3A, %add3A_652, %dma_start3A_658] : memref<4x2048x1024xf32, #tpu.memory_space<hbm>> -> memref<1x16x1024xf32, #tpu.memory_space<hbm>>
    %dma_start3A_660 = tpu.memref_squeeze %dma_start3A_659 : memref<1x16x1024xf32, #tpu.memory_space<hbm>> -> memref<16x1024xf32, #tpu.memory_space<hbm>>
    %dma_start3A_661 = arith.constant 0 : i32
    %dma_start3A_662 = tpu.memref_slice %arg5[%select_n3A, %add3A_652, %dma_start3A_661] : memref<4x2048x1024xf32, #tpu.memory_space<hbm>> -> memref<1x16x1024xf32, #tpu.memory_space<hbm>>
    %dma_start3A_663 = tpu.memref_squeeze %dma_start3A_662 : memref<1x16x1024xf32, #tpu.memory_space<hbm>> -> memref<16x1024xf32, #tpu.memory_space<hbm>>
    %dma_start3A_664 = arith.constant 0 : i32
    %dma_start3A_665 = arith.constant 0 : i32
    %dma_start3A_666 = tpu.memref_slice %arg9[%dma_start3A_653, %dma_start3A_664, %dma_start3A_665] : memref<6x16x1024xf32, #tpu.memory_space<vmem>> -> memref<1x16x1024xf32, #tpu.memory_space<vmem>>
    %dma_start3A_667 = tpu.memref_squeeze %dma_start3A_666 : memref<1x16x1024xf32, #tpu.memory_space<vmem>> -> memref<16x1024xf32, #tpu.memory_space<vmem>>
    tpu.enqueue_dma source(%dma_start3A_667 : memref<16x1024xf32, #tpu.memory_space<vmem>>) target(%dma_start3A_663 : memref<16x1024xf32, #tpu.memory_space<hbm>>) target_semaphore(%arg19 : memref<!tpu.dma_semaphore, #tpu.memory_space<semaphore_mem>>)
    %dma_wait3A_668 = arith.constant 3 : i32
    %dma_wait3A_669 = arith.constant 0 : i32
    %dma_wait3A_670 = arith.constant 0 : i32
    %dma_wait3A_671 = tpu.memref_slice %arg9[%dma_wait3A_668, %dma_wait3A_669, %dma_wait3A_670] : memref<6x16x1024xf32, #tpu.memory_space<vmem>> -> memref<1x16x1024xf32, #tpu.memory_space<vmem>>
    %dma_wait3A_672 = tpu.memref_squeeze %dma_wait3A_671 : memref<1x16x1024xf32, #tpu.memory_space<vmem>> -> memref<16x1024xf32, #tpu.memory_space<vmem>>
    %dma_wait3A_673 = arith.constant 0 : i32
    %dma_wait3A_674 = tpu.memref_slice %arg5[%select_n3A, %add3A_652, %dma_wait3A_673] : memref<4x2048x1024xf32, #tpu.memory_space<hbm>> -> memref<1x16x1024xf32, #tpu.memory_space<hbm>>
    %dma_wait3A_675 = tpu.memref_squeeze %dma_wait3A_674 : memref<1x16x1024xf32, #tpu.memory_space<hbm>> -> memref<16x1024xf32, #tpu.memory_space<hbm>>
    %dma_wait3A_676 = arith.constant 0 : i32
    %dma_wait3A_677 = tpu.memref_slice %arg5[%select_n3A, %add3A_652, %dma_wait3A_676] : memref<4x2048x1024xf32, #tpu.memory_space<hbm>> -> memref<1x16x1024xf32, #tpu.memory_space<hbm>>
    %dma_wait3A_678 = tpu.memref_squeeze %dma_wait3A_677 : memref<1x16x1024xf32, #tpu.memory_space<hbm>> -> memref<16x1024xf32, #tpu.memory_space<hbm>>
    %dma_wait3A_679 = arith.constant 0 : i32
    %dma_wait3A_680 = arith.constant 0 : i32
    %dma_wait3A_681 = tpu.memref_slice %arg9[%dma_wait3A_668, %dma_wait3A_679, %dma_wait3A_680] : memref<6x16x1024xf32, #tpu.memory_space<vmem>> -> memref<1x16x1024xf32, #tpu.memory_space<vmem>>
    %dma_wait3A_682 = tpu.memref_squeeze %dma_wait3A_681 : memref<1x16x1024xf32, #tpu.memory_space<vmem>> -> memref<16x1024xf32, #tpu.memory_space<vmem>>
    tpu.wait_dma2 semaphore(%arg19 : memref<!tpu.dma_semaphore, #tpu.memory_space<semaphore_mem>>) src(%dma_wait3A_682 : memref<16x1024xf32, #tpu.memory_space<vmem>>) dst(%dma_wait3A_678 : memref<16x1024xf32, #tpu.memory_space<hbm>>)
    %dma_start3A_683 = arith.constant 9 : i32
    %dma_start3A_684 = arith.constant 3 : i32
    %dma_start3A_685 = arith.constant 0 : i32
    %dma_start3A_686 = arith.constant 0 : i32
    %dma_start3A_687 = tpu.memref_slice %arg9[%dma_start3A_684, %dma_start3A_685, %dma_start3A_686] : memref<6x16x1024xf32, #tpu.memory_space<vmem>> -> memref<1x16x1024xf32, #tpu.memory_space<vmem>>
    %dma_start3A_688 = tpu.memref_squeeze %dma_start3A_687 : memref<1x16x1024xf32, #tpu.memory_space<vmem>> -> memref<16x1024xf32, #tpu.memory_space<vmem>>
    %dma_start3A_689 = arith.constant 0 : i32
    %dma_start3A_690 = tpu.memref_slice %arg8[%dma_start3A_683, %dma_start3A_689] : memref<16x16xi32, #tpu.memory_space<vmem>> -> memref<1x16xi32, #tpu.memory_space<vmem>>
    %dma_start3A_691 = tpu.memref_squeeze %dma_start3A_690 : memref<1x16xi32, #tpu.memory_space<vmem>> -> memref<16xi32, #tpu.memory_space<vmem>>
    %dma_start3A_692 = arith.constant 0 : i32
    %dma_start3A_693 = arith.constant 0 : i32
    %dma_start3A_694 = tpu.memref_slice %arg4[%dma_start3A_692, %dma_start3A_693] : memref<2049x1024xf32, #tpu.memory_space<hbm>> -> memref<2049x1024xf32, #tpu.memory_space<hbm>>
    tpu.enqueue_indirect_dma source(%dma_start3A_694 : memref<2049x1024xf32, #tpu.memory_space<hbm>>) target(%dma_start3A_688 : memref<16x1024xf32, #tpu.memory_space<vmem>>) offsets(%dma_start3A_691 : memref<16xi32, #tpu.memory_space<vmem>>) semaphore(%arg13 : memref<!tpu.dma_semaphore, #tpu.memory_space<semaphore_mem>>)
    %dma_wait3A_695 = arith.constant 4 : i32
    %dma_wait3A_696 = arith.constant 0 : i32
    %dma_wait3A_697 = arith.constant 0 : i32
    %dma_wait3A_698 = tpu.memref_slice %arg9[%dma_wait3A_695, %dma_wait3A_696, %dma_wait3A_697] : memref<6x16x1024xf32, #tpu.memory_space<vmem>> -> memref<1x16x1024xf32, #tpu.memory_space<vmem>>
    %dma_wait3A_699 = tpu.memref_squeeze %dma_wait3A_698 : memref<1x16x1024xf32, #tpu.memory_space<vmem>> -> memref<16x1024xf32, #tpu.memory_space<vmem>>
    %dma_wait3A_700 = arith.constant 0 : i32
    %dma_wait3A_701 = arith.constant 0 : i32
    %dma_wait3A_702 = tpu.memref_slice %arg4[%dma_wait3A_700, %dma_wait3A_701] : memref<2049x1024xf32, #tpu.memory_space<hbm>> -> memref<16x1024xf32, #tpu.memory_space<hbm>>
    %dma_wait3A_703 = arith.constant 0 : i32
    %dma_wait3A_704 = arith.constant 0 : i32
    %dma_wait3A_705 = tpu.memref_slice %arg9[%dma_wait3A_695, %dma_wait3A_703, %dma_wait3A_704] : memref<6x16x1024xf32, #tpu.memory_space<vmem>> -> memref<1x16x1024xf32, #tpu.memory_space<vmem>>
    %dma_wait3A_706 = tpu.memref_squeeze %dma_wait3A_705 : memref<1x16x1024xf32, #tpu.memory_space<vmem>> -> memref<16x1024xf32, #tpu.memory_space<vmem>>
    %dma_wait3A_707 = arith.constant 0 : i32
    %dma_wait3A_708 = arith.constant 0 : i32
    %dma_wait3A_709 = tpu.memref_slice %arg4[%dma_wait3A_707, %dma_wait3A_708] : memref<2049x1024xf32, #tpu.memory_space<hbm>> -> memref<16x1024xf32, #tpu.memory_space<hbm>>
    tpu.wait_dma2 semaphore(%arg14 : memref<!tpu.dma_semaphore, #tpu.memory_space<semaphore_mem>>) src(%dma_wait3A_709 : memref<16x1024xf32, #tpu.memory_space<hbm>>) dst(%dma_wait3A_706 : memref<16x1024xf32, #tpu.memory_space<vmem>>)
    %add3A_710 = arith.constant 64 : i32
    %add3A_711 = arith.addi %mul3A_32, %add3A_710 : i32
    %dma_start3A_712 = arith.constant 4 : i32
    %dma_start3A_713 = arith.constant 0 : i32
    %dma_start3A_714 = arith.constant 0 : i32
    %dma_start3A_715 = tpu.memref_slice %arg9[%dma_start3A_712, %dma_start3A_713, %dma_start3A_714] : memref<6x16x1024xf32, #tpu.memory_space<vmem>> -> memref<1x16x1024xf32, #tpu.memory_space<vmem>>
    %dma_start3A_716 = tpu.memref_squeeze %dma_start3A_715 : memref<1x16x1024xf32, #tpu.memory_space<vmem>> -> memref<16x1024xf32, #tpu.memory_space<vmem>>
    %dma_start3A_717 = arith.constant 0 : i32
    %dma_start3A_718 = tpu.memref_slice %arg5[%select_n3A, %add3A_711, %dma_start3A_717] : memref<4x2048x1024xf32, #tpu.memory_space<hbm>> -> memref<1x16x1024xf32, #tpu.memory_space<hbm>>
    %dma_start3A_719 = tpu.memref_squeeze %dma_start3A_718 : memref<1x16x1024xf32, #tpu.memory_space<hbm>> -> memref<16x1024xf32, #tpu.memory_space<hbm>>
    %dma_start3A_720 = arith.constant 0 : i32
    %dma_start3A_721 = tpu.memref_slice %arg5[%select_n3A, %add3A_711, %dma_start3A_720] : memref<4x2048x1024xf32, #tpu.memory_space<hbm>> -> memref<1x16x1024xf32, #tpu.memory_space<hbm>>
    %dma_start3A_722 = tpu.memref_squeeze %dma_start3A_721 : memref<1x16x1024xf32, #tpu.memory_space<hbm>> -> memref<16x1024xf32, #tpu.memory_space<hbm>>
    %dma_start3A_723 = arith.constant 0 : i32
    %dma_start3A_724 = arith.constant 0 : i32
    %dma_start3A_725 = tpu.memref_slice %arg9[%dma_start3A_712, %dma_start3A_723, %dma_start3A_724] : memref<6x16x1024xf32, #tpu.memory_space<vmem>> -> memref<1x16x1024xf32, #tpu.memory_space<vmem>>
    %dma_start3A_726 = tpu.memref_squeeze %dma_start3A_725 : memref<1x16x1024xf32, #tpu.memory_space<vmem>> -> memref<16x1024xf32, #tpu.memory_space<vmem>>
    tpu.enqueue_dma source(%dma_start3A_726 : memref<16x1024xf32, #tpu.memory_space<vmem>>) target(%dma_start3A_722 : memref<16x1024xf32, #tpu.memory_space<hbm>>) target_semaphore(%arg20 : memref<!tpu.dma_semaphore, #tpu.memory_space<semaphore_mem>>)
    %dma_wait3A_727 = arith.constant 4 : i32
    %dma_wait3A_728 = arith.constant 0 : i32
    %dma_wait3A_729 = arith.constant 0 : i32
    %dma_wait3A_730 = tpu.memref_slice %arg9[%dma_wait3A_727, %dma_wait3A_728, %dma_wait3A_729] : memref<6x16x1024xf32, #tpu.memory_space<vmem>> -> memref<1x16x1024xf32, #tpu.memory_space<vmem>>
    %dma_wait3A_731 = tpu.memref_squeeze %dma_wait3A_730 : memref<1x16x1024xf32, #tpu.memory_space<vmem>> -> memref<16x1024xf32, #tpu.memory_space<vmem>>
    %dma_wait3A_732 = arith.constant 0 : i32
    %dma_wait3A_733 = tpu.memref_slice %arg5[%select_n3A, %add3A_711, %dma_wait3A_732] : memref<4x2048x1024xf32, #tpu.memory_space<hbm>> -> memref<1x16x1024xf32, #tpu.memory_space<hbm>>
    %dma_wait3A_734 = tpu.memref_squeeze %dma_wait3A_733 : memref<1x16x1024xf32, #tpu.memory_space<hbm>> -> memref<16x1024xf32, #tpu.memory_space<hbm>>
    %dma_wait3A_735 = arith.constant 0 : i32
    %dma_wait3A_736 = tpu.memref_slice %arg5[%select_n3A, %add3A_711, %dma_wait3A_735] : memref<4x2048x1024xf32, #tpu.memory_space<hbm>> -> memref<1x16x1024xf32, #tpu.memory_space<hbm>>
    %dma_wait3A_737 = tpu.memref_squeeze %dma_wait3A_736 : memref<1x16x1024xf32, #tpu.memory_space<hbm>> -> memref<16x1024xf32, #tpu.memory_space<hbm>>
    %dma_wait3A_738 = arith.constant 0 : i32
    %dma_wait3A_739 = arith.constant 0 : i32
    %dma_wait3A_740 = tpu.memref_slice %arg9[%dma_wait3A_727, %dma_wait3A_738, %dma_wait3A_739] : memref<6x16x1024xf32, #tpu.memory_space<vmem>> -> memref<1x16x1024xf32, #tpu.memory_space<vmem>>
    %dma_wait3A_741 = tpu.memref_squeeze %dma_wait3A_740 : memref<1x16x1024xf32, #tpu.memory_space<vmem>> -> memref<16x1024xf32, #tpu.memory_space<vmem>>
    tpu.wait_dma2 semaphore(%arg20 : memref<!tpu.dma_semaphore, #tpu.memory_space<semaphore_mem>>) src(%dma_wait3A_741 : memref<16x1024xf32, #tpu.memory_space<vmem>>) dst(%dma_wait3A_737 : memref<16x1024xf32, #tpu.memory_space<hbm>>)
    %dma_start3A_742 = arith.constant 10 : i32
    %dma_start3A_743 = arith.constant 4 : i32
    %dma_start3A_744 = arith.constant 0 : i32
    %dma_start3A_745 = arith.constant 0 : i32
    %dma_start3A_746 = tpu.memref_slice %arg9[%dma_start3A_743, %dma_start3A_744, %dma_start3A_745] : memref<6x16x1024xf32, #tpu.memory_space<vmem>> -> memref<1x16x1024xf32, #tpu.memory_space<vmem>>
    %dma_start3A_747 = tpu.memref_squeeze %dma_start3A_746 : memref<1x16x1024xf32, #tpu.memory_space<vmem>> -> memref<16x1024xf32, #tpu.memory_space<vmem>>
    %dma_start3A_748 = arith.constant 0 : i32
    %dma_start3A_749 = tpu.memref_slice %arg8[%dma_start3A_742, %dma_start3A_748] : memref<16x16xi32, #tpu.memory_space<vmem>> -> memref<1x16xi32, #tpu.memory_space<vmem>>
    %dma_start3A_750 = tpu.memref_squeeze %dma_start3A_749 : memref<1x16xi32, #tpu.memory_space<vmem>> -> memref<16xi32, #tpu.memory_space<vmem>>
    %dma_start3A_751 = arith.constant 0 : i32
    %dma_start3A_752 = arith.constant 0 : i32
    %dma_start3A_753 = tpu.memref_slice %arg4[%dma_start3A_751, %dma_start3A_752] : memref<2049x1024xf32, #tpu.memory_space<hbm>> -> memref<2049x1024xf32, #tpu.memory_space<hbm>>
    tpu.enqueue_indirect_dma source(%dma_start3A_753 : memref<2049x1024xf32, #tpu.memory_space<hbm>>) target(%dma_start3A_747 : memref<16x1024xf32, #tpu.memory_space<vmem>>) offsets(%dma_start3A_750 : memref<16xi32, #tpu.memory_space<vmem>>) semaphore(%arg14 : memref<!tpu.dma_semaphore, #tpu.memory_space<semaphore_mem>>)
    %dma_wait3A_754 = arith.constant 5 : i32
    %dma_wait3A_755 = arith.constant 0 : i32
    %dma_wait3A_756 = arith.constant 0 : i32
    %dma_wait3A_757 = tpu.memref_slice %arg9[%dma_wait3A_754, %dma_wait3A_755, %dma_wait3A_756] : memref<6x16x1024xf32, #tpu.memory_space<vmem>> -> memref<1x16x1024xf32, #tpu.memory_space<vmem>>
    %dma_wait3A_758 = tpu.memref_squeeze %dma_wait3A_757 : memref<1x16x1024xf32, #tpu.memory_space<vmem>> -> memref<16x1024xf32, #tpu.memory_space<vmem>>
    %dma_wait3A_759 = arith.constant 0 : i32
    %dma_wait3A_760 = arith.constant 0 : i32
    %dma_wait3A_761 = tpu.memref_slice %arg4[%dma_wait3A_759, %dma_wait3A_760] : memref<2049x1024xf32, #tpu.memory_space<hbm>> -> memref<16x1024xf32, #tpu.memory_space<hbm>>
    %dma_wait3A_762 = arith.constant 0 : i32
    %dma_wait3A_763 = arith.constant 0 : i32
    %dma_wait3A_764 = tpu.memref_slice %arg9[%dma_wait3A_754, %dma_wait3A_762, %dma_wait3A_763] : memref<6x16x1024xf32, #tpu.memory_space<vmem>> -> memref<1x16x1024xf32, #tpu.memory_space<vmem>>
    %dma_wait3A_765 = tpu.memref_squeeze %dma_wait3A_764 : memref<1x16x1024xf32, #tpu.memory_space<vmem>> -> memref<16x1024xf32, #tpu.memory_space<vmem>>
    %dma_wait3A_766 = arith.constant 0 : i32
    %dma_wait3A_767 = arith.constant 0 : i32
    %dma_wait3A_768 = tpu.memref_slice %arg4[%dma_wait3A_766, %dma_wait3A_767] : memref<2049x1024xf32, #tpu.memory_space<hbm>> -> memref<16x1024xf32, #tpu.memory_space<hbm>>
    tpu.wait_dma2 semaphore(%arg15 : memref<!tpu.dma_semaphore, #tpu.memory_space<semaphore_mem>>) src(%dma_wait3A_768 : memref<16x1024xf32, #tpu.memory_space<hbm>>) dst(%dma_wait3A_765 : memref<16x1024xf32, #tpu.memory_space<vmem>>)
    %add3A_769 = arith.constant 80 : i32
    %add3A_770 = arith.addi %mul3A_32, %add3A_769 : i32
    %dma_start3A_771 = arith.constant 5 : i32
    %dma_start3A_772 = arith.constant 0 : i32
    %dma_start3A_773 = arith.constant 0 : i32
    %dma_start3A_774 = tpu.memref_slice %arg9[%dma_start3A_771, %dma_start3A_772, %dma_start3A_773] : memref<6x16x1024xf32, #tpu.memory_space<vmem>> -> memref<1x16x1024xf32, #tpu.memory_space<vmem>>
    %dma_start3A_775 = tpu.memref_squeeze %dma_start3A_774 : memref<1x16x1024xf32, #tpu.memory_space<vmem>> -> memref<16x1024xf32, #tpu.memory_space<vmem>>
    %dma_start3A_776 = arith.constant 0 : i32
    %dma_start3A_777 = tpu.memref_slice %arg5[%select_n3A, %add3A_770, %dma_start3A_776] : memref<4x2048x1024xf32, #tpu.memory_space<hbm>> -> memref<1x16x1024xf32, #tpu.memory_space<hbm>>
    %dma_start3A_778 = tpu.memref_squeeze %dma_start3A_777 : memref<1x16x1024xf32, #tpu.memory_space<hbm>> -> memref<16x1024xf32, #tpu.memory_space<hbm>>
    %dma_start3A_779 = arith.constant 0 : i32
    %dma_start3A_780 = tpu.memref_slice %arg5[%select_n3A, %add3A_770, %dma_start3A_779] : memref<4x2048x1024xf32, #tpu.memory_space<hbm>> -> memref<1x16x1024xf32, #tpu.memory_space<hbm>>
    %dma_start3A_781 = tpu.memref_squeeze %dma_start3A_780 : memref<1x16x1024xf32, #tpu.memory_space<hbm>> -> memref<16x1024xf32, #tpu.memory_space<hbm>>
    %dma_start3A_782 = arith.constant 0 : i32
    %dma_start3A_783 = arith.constant 0 : i32
    %dma_start3A_784 = tpu.memref_slice %arg9[%dma_start3A_771, %dma_start3A_782, %dma_start3A_783] : memref<6x16x1024xf32, #tpu.memory_space<vmem>> -> memref<1x16x1024xf32, #tpu.memory_space<vmem>>
    %dma_start3A_785 = tpu.memref_squeeze %dma_start3A_784 : memref<1x16x1024xf32, #tpu.memory_space<vmem>> -> memref<16x1024xf32, #tpu.memory_space<vmem>>
    tpu.enqueue_dma source(%dma_start3A_785 : memref<16x1024xf32, #tpu.memory_space<vmem>>) target(%dma_start3A_781 : memref<16x1024xf32, #tpu.memory_space<hbm>>) target_semaphore(%arg21 : memref<!tpu.dma_semaphore, #tpu.memory_space<semaphore_mem>>)
    %dma_wait3A_786 = arith.constant 5 : i32
    %dma_wait3A_787 = arith.constant 0 : i32
    %dma_wait3A_788 = arith.constant 0 : i32
    %dma_wait3A_789 = tpu.memref_slice %arg9[%dma_wait3A_786, %dma_wait3A_787, %dma_wait3A_788] : memref<6x16x1024xf32, #tpu.memory_space<vmem>> -> memref<1x16x1024xf32, #tpu.memory_space<vmem>>
    %dma_wait3A_790 = tpu.memref_squeeze %dma_wait3A_789 : memref<1x16x1024xf32, #tpu.memory_space<vmem>> -> memref<16x1024xf32, #tpu.memory_space<vmem>>
    %dma_wait3A_791 = arith.constant 0 : i32
    %dma_wait3A_792 = tpu.memref_slice %arg5[%select_n3A, %add3A_770, %dma_wait3A_791] : memref<4x2048x1024xf32, #tpu.memory_space<hbm>> -> memref<1x16x1024xf32, #tpu.memory_space<hbm>>
    %dma_wait3A_793 = tpu.memref_squeeze %dma_wait3A_792 : memref<1x16x1024xf32, #tpu.memory_space<hbm>> -> memref<16x1024xf32, #tpu.memory_space<hbm>>
    %dma_wait3A_794 = arith.constant 0 : i32
    %dma_wait3A_795 = tpu.memref_slice %arg5[%select_n3A, %add3A_770, %dma_wait3A_794] : memref<4x2048x1024xf32, #tpu.memory_space<hbm>> -> memref<1x16x1024xf32, #tpu.memory_space<hbm>>
    %dma_wait3A_796 = tpu.memref_squeeze %dma_wait3A_795 : memref<1x16x1024xf32, #tpu.memory_space<hbm>> -> memref<16x1024xf32, #tpu.memory_space<hbm>>
    %dma_wait3A_797 = arith.constant 0 : i32
    %dma_wait3A_798 = arith.constant 0 : i32
    %dma_wait3A_799 = tpu.memref_slice %arg9[%dma_wait3A_786, %dma_wait3A_797, %dma_wait3A_798] : memref<6x16x1024xf32, #tpu.memory_space<vmem>> -> memref<1x16x1024xf32, #tpu.memory_space<vmem>>
    %dma_wait3A_800 = tpu.memref_squeeze %dma_wait3A_799 : memref<1x16x1024xf32, #tpu.memory_space<vmem>> -> memref<16x1024xf32, #tpu.memory_space<vmem>>
    tpu.wait_dma2 semaphore(%arg21 : memref<!tpu.dma_semaphore, #tpu.memory_space<semaphore_mem>>) src(%dma_wait3A_800 : memref<16x1024xf32, #tpu.memory_space<vmem>>) dst(%dma_wait3A_796 : memref<16x1024xf32, #tpu.memory_space<hbm>>)
    %dma_start3A_801 = arith.constant 11 : i32
    %dma_start3A_802 = arith.constant 5 : i32
    %dma_start3A_803 = arith.constant 0 : i32
    %dma_start3A_804 = arith.constant 0 : i32
    %dma_start3A_805 = tpu.memref_slice %arg9[%dma_start3A_802, %dma_start3A_803, %dma_start3A_804] : memref<6x16x1024xf32, #tpu.memory_space<vmem>> -> memref<1x16x1024xf32, #tpu.memory_space<vmem>>
    %dma_start3A_806 = tpu.memref_squeeze %dma_start3A_805 : memref<1x16x1024xf32, #tpu.memory_space<vmem>> -> memref<16x1024xf32, #tpu.memory_space<vmem>>
    %dma_start3A_807 = arith.constant 0 : i32
    %dma_start3A_808 = tpu.memref_slice %arg8[%dma_start3A_801, %dma_start3A_807] : memref<16x16xi32, #tpu.memory_space<vmem>> -> memref<1x16xi32, #tpu.memory_space<vmem>>
    %dma_start3A_809 = tpu.memref_squeeze %dma_start3A_808 : memref<1x16xi32, #tpu.memory_space<vmem>> -> memref<16xi32, #tpu.memory_space<vmem>>
    %dma_start3A_810 = arith.constant 0 : i32
    %dma_start3A_811 = arith.constant 0 : i32
    %dma_start3A_812 = tpu.memref_slice %arg4[%dma_start3A_810, %dma_start3A_811] : memref<2049x1024xf32, #tpu.memory_space<hbm>> -> memref<2049x1024xf32, #tpu.memory_space<hbm>>
    tpu.enqueue_indirect_dma source(%dma_start3A_812 : memref<2049x1024xf32, #tpu.memory_space<hbm>>) target(%dma_start3A_806 : memref<16x1024xf32, #tpu.memory_space<vmem>>) offsets(%dma_start3A_809 : memref<16xi32, #tpu.memory_space<vmem>>) semaphore(%arg15 : memref<!tpu.dma_semaphore, #tpu.memory_space<semaphore_mem>>)
    %dma_wait3A_813 = arith.constant 0 : i32
    %dma_wait3A_814 = arith.constant 0 : i32
    %dma_wait3A_815 = arith.constant 0 : i32
    %dma_wait3A_816 = tpu.memref_slice %arg9[%dma_wait3A_813, %dma_wait3A_814, %dma_wait3A_815] : memref<6x16x1024xf32, #tpu.memory_space<vmem>> -> memref<1x16x1024xf32, #tpu.memory_space<vmem>>
    %dma_wait3A_817 = tpu.memref_squeeze %dma_wait3A_816 : memref<1x16x1024xf32, #tpu.memory_space<vmem>> -> memref<16x1024xf32, #tpu.memory_space<vmem>>
    %dma_wait3A_818 = arith.constant 0 : i32
    %dma_wait3A_819 = arith.constant 0 : i32
    %dma_wait3A_820 = tpu.memref_slice %arg4[%dma_wait3A_818, %dma_wait3A_819] : memref<2049x1024xf32, #tpu.memory_space<hbm>> -> memref<16x1024xf32, #tpu.memory_space<hbm>>
    %dma_wait3A_821 = arith.constant 0 : i32
    %dma_wait3A_822 = arith.constant 0 : i32
    %dma_wait3A_823 = tpu.memref_slice %arg9[%dma_wait3A_813, %dma_wait3A_821, %dma_wait3A_822] : memref<6x16x1024xf32, #tpu.memory_space<vmem>> -> memref<1x16x1024xf32, #tpu.memory_space<vmem>>
    %dma_wait3A_824 = tpu.memref_squeeze %dma_wait3A_823 : memref<1x16x1024xf32, #tpu.memory_space<vmem>> -> memref<16x1024xf32, #tpu.memory_space<vmem>>
    %dma_wait3A_825 = arith.constant 0 : i32
    %dma_wait3A_826 = arith.constant 0 : i32
    %dma_wait3A_827 = tpu.memref_slice %arg4[%dma_wait3A_825, %dma_wait3A_826] : memref<2049x1024xf32, #tpu.memory_space<hbm>> -> memref<16x1024xf32, #tpu.memory_space<hbm>>
    tpu.wait_dma2 semaphore(%arg10 : memref<!tpu.dma_semaphore, #tpu.memory_space<semaphore_mem>>) src(%dma_wait3A_827 : memref<16x1024xf32, #tpu.memory_space<hbm>>) dst(%dma_wait3A_824 : memref<16x1024xf32, #tpu.memory_space<vmem>>)
    %add3A_828 = arith.constant 96 : i32
    %add3A_829 = arith.addi %mul3A_32, %add3A_828 : i32
    %dma_start3A_830 = arith.constant 0 : i32
    %dma_start3A_831 = arith.constant 0 : i32
    %dma_start3A_832 = arith.constant 0 : i32
    %dma_start3A_833 = tpu.memref_slice %arg9[%dma_start3A_830, %dma_start3A_831, %dma_start3A_832] : memref<6x16x1024xf32, #tpu.memory_space<vmem>> -> memref<1x16x1024xf32, #tpu.memory_space<vmem>>
    %dma_start3A_834 = tpu.memref_squeeze %dma_start3A_833 : memref<1x16x1024xf32, #tpu.memory_space<vmem>> -> memref<16x1024xf32, #tpu.memory_space<vmem>>
    %dma_start3A_835 = arith.constant 0 : i32
    %dma_start3A_836 = tpu.memref_slice %arg5[%select_n3A, %add3A_829, %dma_start3A_835] : memref<4x2048x1024xf32, #tpu.memory_space<hbm>> -> memref<1x16x1024xf32, #tpu.memory_space<hbm>>
    %dma_start3A_837 = tpu.memref_squeeze %dma_start3A_836 : memref<1x16x1024xf32, #tpu.memory_space<hbm>> -> memref<16x1024xf32, #tpu.memory_space<hbm>>
    %dma_start3A_838 = arith.constant 0 : i32
    %dma_start3A_839 = tpu.memref_slice %arg5[%select_n3A, %add3A_829, %dma_start3A_838] : memref<4x2048x1024xf32, #tpu.memory_space<hbm>> -> memref<1x16x1024xf32, #tpu.memory_space<hbm>>
    %dma_start3A_840 = tpu.memref_squeeze %dma_start3A_839 : memref<1x16x1024xf32, #tpu.memory_space<hbm>> -> memref<16x1024xf32, #tpu.memory_space<hbm>>
    %dma_start3A_841 = arith.constant 0 : i32
    %dma_start3A_842 = arith.constant 0 : i32
    %dma_start3A_843 = tpu.memref_slice %arg9[%dma_start3A_830, %dma_start3A_841, %dma_start3A_842] : memref<6x16x1024xf32, #tpu.memory_space<vmem>> -> memref<1x16x1024xf32, #tpu.memory_space<vmem>>
    %dma_start3A_844 = tpu.memref_squeeze %dma_start3A_843 : memref<1x16x1024xf32, #tpu.memory_space<vmem>> -> memref<16x1024xf32, #tpu.memory_space<vmem>>
    tpu.enqueue_dma source(%dma_start3A_844 : memref<16x1024xf32, #tpu.memory_space<vmem>>) target(%dma_start3A_840 : memref<16x1024xf32, #tpu.memory_space<hbm>>) target_semaphore(%arg16 : memref<!tpu.dma_semaphore, #tpu.memory_space<semaphore_mem>>)
    %dma_wait3A_845 = arith.constant 0 : i32
    %dma_wait3A_846 = arith.constant 0 : i32
    %dma_wait3A_847 = arith.constant 0 : i32
    %dma_wait3A_848 = tpu.memref_slice %arg9[%dma_wait3A_845, %dma_wait3A_846, %dma_wait3A_847] : memref<6x16x1024xf32, #tpu.memory_space<vmem>> -> memref<1x16x1024xf32, #tpu.memory_space<vmem>>
    %dma_wait3A_849 = tpu.memref_squeeze %dma_wait3A_848 : memref<1x16x1024xf32, #tpu.memory_space<vmem>> -> memref<16x1024xf32, #tpu.memory_space<vmem>>
    %dma_wait3A_850 = arith.constant 0 : i32
    %dma_wait3A_851 = tpu.memref_slice %arg5[%select_n3A, %add3A_829, %dma_wait3A_850] : memref<4x2048x1024xf32, #tpu.memory_space<hbm>> -> memref<1x16x1024xf32, #tpu.memory_space<hbm>>
    %dma_wait3A_852 = tpu.memref_squeeze %dma_wait3A_851 : memref<1x16x1024xf32, #tpu.memory_space<hbm>> -> memref<16x1024xf32, #tpu.memory_space<hbm>>
    %dma_wait3A_853 = arith.constant 0 : i32
    %dma_wait3A_854 = tpu.memref_slice %arg5[%select_n3A, %add3A_829, %dma_wait3A_853] : memref<4x2048x1024xf32, #tpu.memory_space<hbm>> -> memref<1x16x1024xf32, #tpu.memory_space<hbm>>
    %dma_wait3A_855 = tpu.memref_squeeze %dma_wait3A_854 : memref<1x16x1024xf32, #tpu.memory_space<hbm>> -> memref<16x1024xf32, #tpu.memory_space<hbm>>
    %dma_wait3A_856 = arith.constant 0 : i32
    %dma_wait3A_857 = arith.constant 0 : i32
    %dma_wait3A_858 = tpu.memref_slice %arg9[%dma_wait3A_845, %dma_wait3A_856, %dma_wait3A_857] : memref<6x16x1024xf32, #tpu.memory_space<vmem>> -> memref<1x16x1024xf32, #tpu.memory_space<vmem>>
    %dma_wait3A_859 = tpu.memref_squeeze %dma_wait3A_858 : memref<1x16x1024xf32, #tpu.memory_space<vmem>> -> memref<16x1024xf32, #tpu.memory_space<vmem>>
    tpu.wait_dma2 semaphore(%arg16 : memref<!tpu.dma_semaphore, #tpu.memory_space<semaphore_mem>>) src(%dma_wait3A_859 : memref<16x1024xf32, #tpu.memory_space<vmem>>) dst(%dma_wait3A_855 : memref<16x1024xf32, #tpu.memory_space<hbm>>)
    %dma_start3A_860 = arith.constant 12 : i32
    %dma_start3A_861 = arith.constant 0 : i32
    %dma_start3A_862 = arith.constant 0 : i32
    %dma_start3A_863 = arith.constant 0 : i32
    %dma_start3A_864 = tpu.memref_slice %arg9[%dma_start3A_861, %dma_start3A_862, %dma_start3A_863] : memref<6x16x1024xf32, #tpu.memory_space<vmem>> -> memref<1x16x1024xf32, #tpu.memory_space<vmem>>
    %dma_start3A_865 = tpu.memref_squeeze %dma_start3A_864 : memref<1x16x1024xf32, #tpu.memory_space<vmem>> -> memref<16x1024xf32, #tpu.memory_space<vmem>>
    %dma_start3A_866 = arith.constant 0 : i32
    %dma_start3A_867 = tpu.memref_slice %arg8[%dma_start3A_860, %dma_start3A_866] : memref<16x16xi32, #tpu.memory_space<vmem>> -> memref<1x16xi32, #tpu.memory_space<vmem>>
    %dma_start3A_868 = tpu.memref_squeeze %dma_start3A_867 : memref<1x16xi32, #tpu.memory_space<vmem>> -> memref<16xi32, #tpu.memory_space<vmem>>
    %dma_start3A_869 = arith.constant 0 : i32
    %dma_start3A_870 = arith.constant 0 : i32
    %dma_start3A_871 = tpu.memref_slice %arg4[%dma_start3A_869, %dma_start3A_870] : memref<2049x1024xf32, #tpu.memory_space<hbm>> -> memref<2049x1024xf32, #tpu.memory_space<hbm>>
    tpu.enqueue_indirect_dma source(%dma_start3A_871 : memref<2049x1024xf32, #tpu.memory_space<hbm>>) target(%dma_start3A_865 : memref<16x1024xf32, #tpu.memory_space<vmem>>) offsets(%dma_start3A_868 : memref<16xi32, #tpu.memory_space<vmem>>) semaphore(%arg10 : memref<!tpu.dma_semaphore, #tpu.memory_space<semaphore_mem>>)
    %dma_wait3A_872 = arith.constant 1 : i32
    %dma_wait3A_873 = arith.constant 0 : i32
    %dma_wait3A_874 = arith.constant 0 : i32
    %dma_wait3A_875 = tpu.memref_slice %arg9[%dma_wait3A_872, %dma_wait3A_873, %dma_wait3A_874] : memref<6x16x1024xf32, #tpu.memory_space<vmem>> -> memref<1x16x1024xf32, #tpu.memory_space<vmem>>
    %dma_wait3A_876 = tpu.memref_squeeze %dma_wait3A_875 : memref<1x16x1024xf32, #tpu.memory_space<vmem>> -> memref<16x1024xf32, #tpu.memory_space<vmem>>
    %dma_wait3A_877 = arith.constant 0 : i32
    %dma_wait3A_878 = arith.constant 0 : i32
    %dma_wait3A_879 = tpu.memref_slice %arg4[%dma_wait3A_877, %dma_wait3A_878] : memref<2049x1024xf32, #tpu.memory_space<hbm>> -> memref<16x1024xf32, #tpu.memory_space<hbm>>
    %dma_wait3A_880 = arith.constant 0 : i32
    %dma_wait3A_881 = arith.constant 0 : i32
    %dma_wait3A_882 = tpu.memref_slice %arg9[%dma_wait3A_872, %dma_wait3A_880, %dma_wait3A_881] : memref<6x16x1024xf32, #tpu.memory_space<vmem>> -> memref<1x16x1024xf32, #tpu.memory_space<vmem>>
    %dma_wait3A_883 = tpu.memref_squeeze %dma_wait3A_882 : memref<1x16x1024xf32, #tpu.memory_space<vmem>> -> memref<16x1024xf32, #tpu.memory_space<vmem>>
    %dma_wait3A_884 = arith.constant 0 : i32
    %dma_wait3A_885 = arith.constant 0 : i32
    %dma_wait3A_886 = tpu.memref_slice %arg4[%dma_wait3A_884, %dma_wait3A_885] : memref<2049x1024xf32, #tpu.memory_space<hbm>> -> memref<16x1024xf32, #tpu.memory_space<hbm>>
    tpu.wait_dma2 semaphore(%arg11 : memref<!tpu.dma_semaphore, #tpu.memory_space<semaphore_mem>>) src(%dma_wait3A_886 : memref<16x1024xf32, #tpu.memory_space<hbm>>) dst(%dma_wait3A_883 : memref<16x1024xf32, #tpu.memory_space<vmem>>)
    %add3A_887 = arith.constant 112 : i32
    %add3A_888 = arith.addi %mul3A_32, %add3A_887 : i32
    %dma_start3A_889 = arith.constant 1 : i32
    %dma_start3A_890 = arith.constant 0 : i32
    %dma_start3A_891 = arith.constant 0 : i32
    %dma_start3A_892 = tpu.memref_slice %arg9[%dma_start3A_889, %dma_start3A_890, %dma_start3A_891] : memref<6x16x1024xf32, #tpu.memory_space<vmem>> -> memref<1x16x1024xf32, #tpu.memory_space<vmem>>
    %dma_start3A_893 = tpu.memref_squeeze %dma_start3A_892 : memref<1x16x1024xf32, #tpu.memory_space<vmem>> -> memref<16x1024xf32, #tpu.memory_space<vmem>>
    %dma_start3A_894 = arith.constant 0 : i32
    %dma_start3A_895 = tpu.memref_slice %arg5[%select_n3A, %add3A_888, %dma_start3A_894] : memref<4x2048x1024xf32, #tpu.memory_space<hbm>> -> memref<1x16x1024xf32, #tpu.memory_space<hbm>>
    %dma_start3A_896 = tpu.memref_squeeze %dma_start3A_895 : memref<1x16x1024xf32, #tpu.memory_space<hbm>> -> memref<16x1024xf32, #tpu.memory_space<hbm>>
    %dma_start3A_897 = arith.constant 0 : i32
    %dma_start3A_898 = tpu.memref_slice %arg5[%select_n3A, %add3A_888, %dma_start3A_897] : memref<4x2048x1024xf32, #tpu.memory_space<hbm>> -> memref<1x16x1024xf32, #tpu.memory_space<hbm>>
    %dma_start3A_899 = tpu.memref_squeeze %dma_start3A_898 : memref<1x16x1024xf32, #tpu.memory_space<hbm>> -> memref<16x1024xf32, #tpu.memory_space<hbm>>
    %dma_start3A_900 = arith.constant 0 : i32
    %dma_start3A_901 = arith.constant 0 : i32
    %dma_start3A_902 = tpu.memref_slice %arg9[%dma_start3A_889, %dma_start3A_900, %dma_start3A_901] : memref<6x16x1024xf32, #tpu.memory_space<vmem>> -> memref<1x16x1024xf32, #tpu.memory_space<vmem>>
    %dma_start3A_903 = tpu.memref_squeeze %dma_start3A_902 : memref<1x16x1024xf32, #tpu.memory_space<vmem>> -> memref<16x1024xf32, #tpu.memory_space<vmem>>
    tpu.enqueue_dma source(%dma_start3A_903 : memref<16x1024xf32, #tpu.memory_space<vmem>>) target(%dma_start3A_899 : memref<16x1024xf32, #tpu.memory_space<hbm>>) target_semaphore(%arg17 : memref<!tpu.dma_semaphore, #tpu.memory_space<semaphore_mem>>)
    %dma_wait3A_904 = arith.constant 1 : i32
    %dma_wait3A_905 = arith.constant 0 : i32
    %dma_wait3A_906 = arith.constant 0 : i32
    %dma_wait3A_907 = tpu.memref_slice %arg9[%dma_wait3A_904, %dma_wait3A_905, %dma_wait3A_906] : memref<6x16x1024xf32, #tpu.memory_space<vmem>> -> memref<1x16x1024xf32, #tpu.memory_space<vmem>>
    %dma_wait3A_908 = tpu.memref_squeeze %dma_wait3A_907 : memref<1x16x1024xf32, #tpu.memory_space<vmem>> -> memref<16x1024xf32, #tpu.memory_space<vmem>>
    %dma_wait3A_909 = arith.constant 0 : i32
    %dma_wait3A_910 = tpu.memref_slice %arg5[%select_n3A, %add3A_888, %dma_wait3A_909] : memref<4x2048x1024xf32, #tpu.memory_space<hbm>> -> memref<1x16x1024xf32, #tpu.memory_space<hbm>>
    %dma_wait3A_911 = tpu.memref_squeeze %dma_wait3A_910 : memref<1x16x1024xf32, #tpu.memory_space<hbm>> -> memref<16x1024xf32, #tpu.memory_space<hbm>>
    %dma_wait3A_912 = arith.constant 0 : i32
    %dma_wait3A_913 = tpu.memref_slice %arg5[%select_n3A, %add3A_888, %dma_wait3A_912] : memref<4x2048x1024xf32, #tpu.memory_space<hbm>> -> memref<1x16x1024xf32, #tpu.memory_space<hbm>>
    %dma_wait3A_914 = tpu.memref_squeeze %dma_wait3A_913 : memref<1x16x1024xf32, #tpu.memory_space<hbm>> -> memref<16x1024xf32, #tpu.memory_space<hbm>>
    %dma_wait3A_915 = arith.constant 0 : i32
    %dma_wait3A_916 = arith.constant 0 : i32
    %dma_wait3A_917 = tpu.memref_slice %arg9[%dma_wait3A_904, %dma_wait3A_915, %dma_wait3A_916] : memref<6x16x1024xf32, #tpu.memory_space<vmem>> -> memref<1x16x1024xf32, #tpu.memory_space<vmem>>
    %dma_wait3A_918 = tpu.memref_squeeze %dma_wait3A_917 : memref<1x16x1024xf32, #tpu.memory_space<vmem>> -> memref<16x1024xf32, #tpu.memory_space<vmem>>
    tpu.wait_dma2 semaphore(%arg17 : memref<!tpu.dma_semaphore, #tpu.memory_space<semaphore_mem>>) src(%dma_wait3A_918 : memref<16x1024xf32, #tpu.memory_space<vmem>>) dst(%dma_wait3A_914 : memref<16x1024xf32, #tpu.memory_space<hbm>>)
    %dma_start3A_919 = arith.constant 13 : i32
    %dma_start3A_920 = arith.constant 1 : i32
    %dma_start3A_921 = arith.constant 0 : i32
    %dma_start3A_922 = arith.constant 0 : i32
    %dma_start3A_923 = tpu.memref_slice %arg9[%dma_start3A_920, %dma_start3A_921, %dma_start3A_922] : memref<6x16x1024xf32, #tpu.memory_space<vmem>> -> memref<1x16x1024xf32, #tpu.memory_space<vmem>>
    %dma_start3A_924 = tpu.memref_squeeze %dma_start3A_923 : memref<1x16x1024xf32, #tpu.memory_space<vmem>> -> memref<16x1024xf32, #tpu.memory_space<vmem>>
    %dma_start3A_925 = arith.constant 0 : i32
    %dma_start3A_926 = tpu.memref_slice %arg8[%dma_start3A_919, %dma_start3A_925] : memref<16x16xi32, #tpu.memory_space<vmem>> -> memref<1x16xi32, #tpu.memory_space<vmem>>
    %dma_start3A_927 = tpu.memref_squeeze %dma_start3A_926 : memref<1x16xi32, #tpu.memory_space<vmem>> -> memref<16xi32, #tpu.memory_space<vmem>>
    %dma_start3A_928 = arith.constant 0 : i32
    %dma_start3A_929 = arith.constant 0 : i32
    %dma_start3A_930 = tpu.memref_slice %arg4[%dma_start3A_928, %dma_start3A_929] : memref<2049x1024xf32, #tpu.memory_space<hbm>> -> memref<2049x1024xf32, #tpu.memory_space<hbm>>
    tpu.enqueue_indirect_dma source(%dma_start3A_930 : memref<2049x1024xf32, #tpu.memory_space<hbm>>) target(%dma_start3A_924 : memref<16x1024xf32, #tpu.memory_space<vmem>>) offsets(%dma_start3A_927 : memref<16xi32, #tpu.memory_space<vmem>>) semaphore(%arg11 : memref<!tpu.dma_semaphore, #tpu.memory_space<semaphore_mem>>)
    %dma_wait3A_931 = arith.constant 2 : i32
    %dma_wait3A_932 = arith.constant 0 : i32
    %dma_wait3A_933 = arith.constant 0 : i32
    %dma_wait3A_934 = tpu.memref_slice %arg9[%dma_wait3A_931, %dma_wait3A_932, %dma_wait3A_933] : memref<6x16x1024xf32, #tpu.memory_space<vmem>> -> memref<1x16x1024xf32, #tpu.memory_space<vmem>>
    %dma_wait3A_935 = tpu.memref_squeeze %dma_wait3A_934 : memref<1x16x1024xf32, #tpu.memory_space<vmem>> -> memref<16x1024xf32, #tpu.memory_space<vmem>>
    %dma_wait3A_936 = arith.constant 0 : i32
    %dma_wait3A_937 = arith.constant 0 : i32
    %dma_wait3A_938 = tpu.memref_slice %arg4[%dma_wait3A_936, %dma_wait3A_937] : memref<2049x1024xf32, #tpu.memory_space<hbm>> -> memref<16x1024xf32, #tpu.memory_space<hbm>>
    %dma_wait3A_939 = arith.constant 0 : i32
    %dma_wait3A_940 = arith.constant 0 : i32
    %dma_wait3A_941 = tpu.memref_slice %arg9[%dma_wait3A_931, %dma_wait3A_939, %dma_wait3A_940] : memref<6x16x1024xf32, #tpu.memory_space<vmem>> -> memref<1x16x1024xf32, #tpu.memory_space<vmem>>
    %dma_wait3A_942 = tpu.memref_squeeze %dma_wait3A_941 : memref<1x16x1024xf32, #tpu.memory_space<vmem>> -> memref<16x1024xf32, #tpu.memory_space<vmem>>
    %dma_wait3A_943 = arith.constant 0 : i32
    %dma_wait3A_944 = arith.constant 0 : i32
    %dma_wait3A_945 = tpu.memref_slice %arg4[%dma_wait3A_943, %dma_wait3A_944] : memref<2049x1024xf32, #tpu.memory_space<hbm>> -> memref<16x1024xf32, #tpu.memory_space<hbm>>
    tpu.wait_dma2 semaphore(%arg12 : memref<!tpu.dma_semaphore, #tpu.memory_space<semaphore_mem>>) src(%dma_wait3A_945 : memref<16x1024xf32, #tpu.memory_space<hbm>>) dst(%dma_wait3A_942 : memref<16x1024xf32, #tpu.memory_space<vmem>>)
    %add3A_946 = arith.constant 128 : i32
    %add3A_947 = arith.addi %mul3A_32, %add3A_946 : i32
    %dma_start3A_948 = arith.constant 2 : i32
    %dma_start3A_949 = arith.constant 0 : i32
    %dma_start3A_950 = arith.constant 0 : i32
    %dma_start3A_951 = tpu.memref_slice %arg9[%dma_start3A_948, %dma_start3A_949, %dma_start3A_950] : memref<6x16x1024xf32, #tpu.memory_space<vmem>> -> memref<1x16x1024xf32, #tpu.memory_space<vmem>>
    %dma_start3A_952 = tpu.memref_squeeze %dma_start3A_951 : memref<1x16x1024xf32, #tpu.memory_space<vmem>> -> memref<16x1024xf32, #tpu.memory_space<vmem>>
    %dma_start3A_953 = arith.constant 0 : i32
    %dma_start3A_954 = tpu.memref_slice %arg5[%select_n3A, %add3A_947, %dma_start3A_953] : memref<4x2048x1024xf32, #tpu.memory_space<hbm>> -> memref<1x16x1024xf32, #tpu.memory_space<hbm>>
    %dma_start3A_955 = tpu.memref_squeeze %dma_start3A_954 : memref<1x16x1024xf32, #tpu.memory_space<hbm>> -> memref<16x1024xf32, #tpu.memory_space<hbm>>
    %dma_start3A_956 = arith.constant 0 : i32
    %dma_start3A_957 = tpu.memref_slice %arg5[%select_n3A, %add3A_947, %dma_start3A_956] : memref<4x2048x1024xf32, #tpu.memory_space<hbm>> -> memref<1x16x1024xf32, #tpu.memory_space<hbm>>
    %dma_start3A_958 = tpu.memref_squeeze %dma_start3A_957 : memref<1x16x1024xf32, #tpu.memory_space<hbm>> -> memref<16x1024xf32, #tpu.memory_space<hbm>>
    %dma_start3A_959 = arith.constant 0 : i32
    %dma_start3A_960 = arith.constant 0 : i32
    %dma_start3A_961 = tpu.memref_slice %arg9[%dma_start3A_948, %dma_start3A_959, %dma_start3A_960] : memref<6x16x1024xf32, #tpu.memory_space<vmem>> -> memref<1x16x1024xf32, #tpu.memory_space<vmem>>
    %dma_start3A_962 = tpu.memref_squeeze %dma_start3A_961 : memref<1x16x1024xf32, #tpu.memory_space<vmem>> -> memref<16x1024xf32, #tpu.memory_space<vmem>>
    tpu.enqueue_dma source(%dma_start3A_962 : memref<16x1024xf32, #tpu.memory_space<vmem>>) target(%dma_start3A_958 : memref<16x1024xf32, #tpu.memory_space<hbm>>) target_semaphore(%arg18 : memref<!tpu.dma_semaphore, #tpu.memory_space<semaphore_mem>>)
    %dma_wait3A_963 = arith.constant 2 : i32
    %dma_wait3A_964 = arith.constant 0 : i32
    %dma_wait3A_965 = arith.constant 0 : i32
    %dma_wait3A_966 = tpu.memref_slice %arg9[%dma_wait3A_963, %dma_wait3A_964, %dma_wait3A_965] : memref<6x16x1024xf32, #tpu.memory_space<vmem>> -> memref<1x16x1024xf32, #tpu.memory_space<vmem>>
    %dma_wait3A_967 = tpu.memref_squeeze %dma_wait3A_966 : memref<1x16x1024xf32, #tpu.memory_space<vmem>> -> memref<16x1024xf32, #tpu.memory_space<vmem>>
    %dma_wait3A_968 = arith.constant 0 : i32
    %dma_wait3A_969 = tpu.memref_slice %arg5[%select_n3A, %add3A_947, %dma_wait3A_968] : memref<4x2048x1024xf32, #tpu.memory_space<hbm>> -> memref<1x16x1024xf32, #tpu.memory_space<hbm>>
    %dma_wait3A_970 = tpu.memref_squeeze %dma_wait3A_969 : memref<1x16x1024xf32, #tpu.memory_space<hbm>> -> memref<16x1024xf32, #tpu.memory_space<hbm>>
    %dma_wait3A_971 = arith.constant 0 : i32
    %dma_wait3A_972 = tpu.memref_slice %arg5[%select_n3A, %add3A_947, %dma_wait3A_971] : memref<4x2048x1024xf32, #tpu.memory_space<hbm>> -> memref<1x16x1024xf32, #tpu.memory_space<hbm>>
    %dma_wait3A_973 = tpu.memref_squeeze %dma_wait3A_972 : memref<1x16x1024xf32, #tpu.memory_space<hbm>> -> memref<16x1024xf32, #tpu.memory_space<hbm>>
    %dma_wait3A_974 = arith.constant 0 : i32
    %dma_wait3A_975 = arith.constant 0 : i32
    %dma_wait3A_976 = tpu.memref_slice %arg9[%dma_wait3A_963, %dma_wait3A_974, %dma_wait3A_975] : memref<6x16x1024xf32, #tpu.memory_space<vmem>> -> memref<1x16x1024xf32, #tpu.memory_space<vmem>>
    %dma_wait3A_977 = tpu.memref_squeeze %dma_wait3A_976 : memref<1x16x1024xf32, #tpu.memory_space<vmem>> -> memref<16x1024xf32, #tpu.memory_space<vmem>>
    tpu.wait_dma2 semaphore(%arg18 : memref<!tpu.dma_semaphore, #tpu.memory_space<semaphore_mem>>) src(%dma_wait3A_977 : memref<16x1024xf32, #tpu.memory_space<vmem>>) dst(%dma_wait3A_973 : memref<16x1024xf32, #tpu.memory_space<hbm>>)
    %dma_start3A_978 = arith.constant 14 : i32
    %dma_start3A_979 = arith.constant 2 : i32
    %dma_start3A_980 = arith.constant 0 : i32
    %dma_start3A_981 = arith.constant 0 : i32
    %dma_start3A_982 = tpu.memref_slice %arg9[%dma_start3A_979, %dma_start3A_980, %dma_start3A_981] : memref<6x16x1024xf32, #tpu.memory_space<vmem>> -> memref<1x16x1024xf32, #tpu.memory_space<vmem>>
    %dma_start3A_983 = tpu.memref_squeeze %dma_start3A_982 : memref<1x16x1024xf32, #tpu.memory_space<vmem>> -> memref<16x1024xf32, #tpu.memory_space<vmem>>
    %dma_start3A_984 = arith.constant 0 : i32
    %dma_start3A_985 = tpu.memref_slice %arg8[%dma_start3A_978, %dma_start3A_984] : memref<16x16xi32, #tpu.memory_space<vmem>> -> memref<1x16xi32, #tpu.memory_space<vmem>>
    %dma_start3A_986 = tpu.memref_squeeze %dma_start3A_985 : memref<1x16xi32, #tpu.memory_space<vmem>> -> memref<16xi32, #tpu.memory_space<vmem>>
    %dma_start3A_987 = arith.constant 0 : i32
    %dma_start3A_988 = arith.constant 0 : i32
    %dma_start3A_989 = tpu.memref_slice %arg4[%dma_start3A_987, %dma_start3A_988] : memref<2049x1024xf32, #tpu.memory_space<hbm>> -> memref<2049x1024xf32, #tpu.memory_space<hbm>>
    tpu.enqueue_indirect_dma source(%dma_start3A_989 : memref<2049x1024xf32, #tpu.memory_space<hbm>>) target(%dma_start3A_983 : memref<16x1024xf32, #tpu.memory_space<vmem>>) offsets(%dma_start3A_986 : memref<16xi32, #tpu.memory_space<vmem>>) semaphore(%arg12 : memref<!tpu.dma_semaphore, #tpu.memory_space<semaphore_mem>>)
    %dma_wait3A_990 = arith.constant 3 : i32
    %dma_wait3A_991 = arith.constant 0 : i32
    %dma_wait3A_992 = arith.constant 0 : i32
    %dma_wait3A_993 = tpu.memref_slice %arg9[%dma_wait3A_990, %dma_wait3A_991, %dma_wait3A_992] : memref<6x16x1024xf32, #tpu.memory_space<vmem>> -> memref<1x16x1024xf32, #tpu.memory_space<vmem>>
    %dma_wait3A_994 = tpu.memref_squeeze %dma_wait3A_993 : memref<1x16x1024xf32, #tpu.memory_space<vmem>> -> memref<16x1024xf32, #tpu.memory_space<vmem>>
    %dma_wait3A_995 = arith.constant 0 : i32
    %dma_wait3A_996 = arith.constant 0 : i32
    %dma_wait3A_997 = tpu.memref_slice %arg4[%dma_wait3A_995, %dma_wait3A_996] : memref<2049x1024xf32, #tpu.memory_space<hbm>> -> memref<16x1024xf32, #tpu.memory_space<hbm>>
    %dma_wait3A_998 = arith.constant 0 : i32
    %dma_wait3A_999 = arith.constant 0 : i32
    %dma_wait3A_1000 = tpu.memref_slice %arg9[%dma_wait3A_990, %dma_wait3A_998, %dma_wait3A_999] : memref<6x16x1024xf32, #tpu.memory_space<vmem>> -> memref<1x16x1024xf32, #tpu.memory_space<vmem>>
    %dma_wait3A_1001 = tpu.memref_squeeze %dma_wait3A_1000 : memref<1x16x1024xf32, #tpu.memory_space<vmem>> -> memref<16x1024xf32, #tpu.memory_space<vmem>>
    %dma_wait3A_1002 = arith.constant 0 : i32
    %dma_wait3A_1003 = arith.constant 0 : i32
    %dma_wait3A_1004 = tpu.memref_slice %arg4[%dma_wait3A_1002, %dma_wait3A_1003] : memref<2049x1024xf32, #tpu.memory_space<hbm>> -> memref<16x1024xf32, #tpu.memory_space<hbm>>
    tpu.wait_dma2 semaphore(%arg13 : memref<!tpu.dma_semaphore, #tpu.memory_space<semaphore_mem>>) src(%dma_wait3A_1004 : memref<16x1024xf32, #tpu.memory_space<hbm>>) dst(%dma_wait3A_1001 : memref<16x1024xf32, #tpu.memory_space<vmem>>)
    %add3A_1005 = arith.constant 144 : i32
    %add3A_1006 = arith.addi %mul3A_32, %add3A_1005 : i32
    %dma_start3A_1007 = arith.constant 3 : i32
    %dma_start3A_1008 = arith.constant 0 : i32
    %dma_start3A_1009 = arith.constant 0 : i32
    %dma_start3A_1010 = tpu.memref_slice %arg9[%dma_start3A_1007, %dma_start3A_1008, %dma_start3A_1009] : memref<6x16x1024xf32, #tpu.memory_space<vmem>> -> memref<1x16x1024xf32, #tpu.memory_space<vmem>>
    %dma_start3A_1011 = tpu.memref_squeeze %dma_start3A_1010 : memref<1x16x1024xf32, #tpu.memory_space<vmem>> -> memref<16x1024xf32, #tpu.memory_space<vmem>>
    %dma_start3A_1012 = arith.constant 0 : i32
    %dma_start3A_1013 = tpu.memref_slice %arg5[%select_n3A, %add3A_1006, %dma_start3A_1012] : memref<4x2048x1024xf32, #tpu.memory_space<hbm>> -> memref<1x16x1024xf32, #tpu.memory_space<hbm>>
    %dma_start3A_1014 = tpu.memref_squeeze %dma_start3A_1013 : memref<1x16x1024xf32, #tpu.memory_space<hbm>> -> memref<16x1024xf32, #tpu.memory_space<hbm>>
    %dma_start3A_1015 = arith.constant 0 : i32
    %dma_start3A_1016 = tpu.memref_slice %arg5[%select_n3A, %add3A_1006, %dma_start3A_1015] : memref<4x2048x1024xf32, #tpu.memory_space<hbm>> -> memref<1x16x1024xf32, #tpu.memory_space<hbm>>
    %dma_start3A_1017 = tpu.memref_squeeze %dma_start3A_1016 : memref<1x16x1024xf32, #tpu.memory_space<hbm>> -> memref<16x1024xf32, #tpu.memory_space<hbm>>
    %dma_start3A_1018 = arith.constant 0 : i32
    %dma_start3A_1019 = arith.constant 0 : i32
    %dma_start3A_1020 = tpu.memref_slice %arg9[%dma_start3A_1007, %dma_start3A_1018, %dma_start3A_1019] : memref<6x16x1024xf32, #tpu.memory_space<vmem>> -> memref<1x16x1024xf32, #tpu.memory_space<vmem>>
    %dma_start3A_1021 = tpu.memref_squeeze %dma_start3A_1020 : memref<1x16x1024xf32, #tpu.memory_space<vmem>> -> memref<16x1024xf32, #tpu.memory_space<vmem>>
    tpu.enqueue_dma source(%dma_start3A_1021 : memref<16x1024xf32, #tpu.memory_space<vmem>>) target(%dma_start3A_1017 : memref<16x1024xf32, #tpu.memory_space<hbm>>) target_semaphore(%arg19 : memref<!tpu.dma_semaphore, #tpu.memory_space<semaphore_mem>>)
    %dma_wait3A_1022 = arith.constant 3 : i32
    %dma_wait3A_1023 = arith.constant 0 : i32
    %dma_wait3A_1024 = arith.constant 0 : i32
    %dma_wait3A_1025 = tpu.memref_slice %arg9[%dma_wait3A_1022, %dma_wait3A_1023, %dma_wait3A_1024] : memref<6x16x1024xf32, #tpu.memory_space<vmem>> -> memref<1x16x1024xf32, #tpu.memory_space<vmem>>
    %dma_wait3A_1026 = tpu.memref_squeeze %dma_wait3A_1025 : memref<1x16x1024xf32, #tpu.memory_space<vmem>> -> memref<16x1024xf32, #tpu.memory_space<vmem>>
    %dma_wait3A_1027 = arith.constant 0 : i32
    %dma_wait3A_1028 = tpu.memref_slice %arg5[%select_n3A, %add3A_1006, %dma_wait3A_1027] : memref<4x2048x1024xf32, #tpu.memory_space<hbm>> -> memref<1x16x1024xf32, #tpu.memory_space<hbm>>
    %dma_wait3A_1029 = tpu.memref_squeeze %dma_wait3A_1028 : memref<1x16x1024xf32, #tpu.memory_space<hbm>> -> memref<16x1024xf32, #tpu.memory_space<hbm>>
    %dma_wait3A_1030 = arith.constant 0 : i32
    %dma_wait3A_1031 = tpu.memref_slice %arg5[%select_n3A, %add3A_1006, %dma_wait3A_1030] : memref<4x2048x1024xf32, #tpu.memory_space<hbm>> -> memref<1x16x1024xf32, #tpu.memory_space<hbm>>
    %dma_wait3A_1032 = tpu.memref_squeeze %dma_wait3A_1031 : memref<1x16x1024xf32, #tpu.memory_space<hbm>> -> memref<16x1024xf32, #tpu.memory_space<hbm>>
    %dma_wait3A_1033 = arith.constant 0 : i32
    %dma_wait3A_1034 = arith.constant 0 : i32
    %dma_wait3A_1035 = tpu.memref_slice %arg9[%dma_wait3A_1022, %dma_wait3A_1033, %dma_wait3A_1034] : memref<6x16x1024xf32, #tpu.memory_space<vmem>> -> memref<1x16x1024xf32, #tpu.memory_space<vmem>>
    %dma_wait3A_1036 = tpu.memref_squeeze %dma_wait3A_1035 : memref<1x16x1024xf32, #tpu.memory_space<vmem>> -> memref<16x1024xf32, #tpu.memory_space<vmem>>
    tpu.wait_dma2 semaphore(%arg19 : memref<!tpu.dma_semaphore, #tpu.memory_space<semaphore_mem>>) src(%dma_wait3A_1036 : memref<16x1024xf32, #tpu.memory_space<vmem>>) dst(%dma_wait3A_1032 : memref<16x1024xf32, #tpu.memory_space<hbm>>)
    %dma_start3A_1037 = arith.constant 15 : i32
    %dma_start3A_1038 = arith.constant 3 : i32
    %dma_start3A_1039 = arith.constant 0 : i32
    %dma_start3A_1040 = arith.constant 0 : i32
    %dma_start3A_1041 = tpu.memref_slice %arg9[%dma_start3A_1038, %dma_start3A_1039, %dma_start3A_1040] : memref<6x16x1024xf32, #tpu.memory_space<vmem>> -> memref<1x16x1024xf32, #tpu.memory_space<vmem>>
    %dma_start3A_1042 = tpu.memref_squeeze %dma_start3A_1041 : memref<1x16x1024xf32, #tpu.memory_space<vmem>> -> memref<16x1024xf32, #tpu.memory_space<vmem>>
    %dma_start3A_1043 = arith.constant 0 : i32
    %dma_start3A_1044 = tpu.memref_slice %arg8[%dma_start3A_1037, %dma_start3A_1043] : memref<16x16xi32, #tpu.memory_space<vmem>> -> memref<1x16xi32, #tpu.memory_space<vmem>>
    %dma_start3A_1045 = tpu.memref_squeeze %dma_start3A_1044 : memref<1x16xi32, #tpu.memory_space<vmem>> -> memref<16xi32, #tpu.memory_space<vmem>>
    %dma_start3A_1046 = arith.constant 0 : i32
    %dma_start3A_1047 = arith.constant 0 : i32
    %dma_start3A_1048 = tpu.memref_slice %arg4[%dma_start3A_1046, %dma_start3A_1047] : memref<2049x1024xf32, #tpu.memory_space<hbm>> -> memref<2049x1024xf32, #tpu.memory_space<hbm>>
    tpu.enqueue_indirect_dma source(%dma_start3A_1048 : memref<2049x1024xf32, #tpu.memory_space<hbm>>) target(%dma_start3A_1042 : memref<16x1024xf32, #tpu.memory_space<vmem>>) offsets(%dma_start3A_1045 : memref<16xi32, #tpu.memory_space<vmem>>) semaphore(%arg13 : memref<!tpu.dma_semaphore, #tpu.memory_space<semaphore_mem>>)
    %dma_wait3A_1049 = arith.constant 4 : i32
    %dma_wait3A_1050 = arith.constant 0 : i32
    %dma_wait3A_1051 = arith.constant 0 : i32
    %dma_wait3A_1052 = tpu.memref_slice %arg9[%dma_wait3A_1049, %dma_wait3A_1050, %dma_wait3A_1051] : memref<6x16x1024xf32, #tpu.memory_space<vmem>> -> memref<1x16x1024xf32, #tpu.memory_space<vmem>>
    %dma_wait3A_1053 = tpu.memref_squeeze %dma_wait3A_1052 : memref<1x16x1024xf32, #tpu.memory_space<vmem>> -> memref<16x1024xf32, #tpu.memory_space<vmem>>
    %dma_wait3A_1054 = arith.constant 0 : i32
    %dma_wait3A_1055 = arith.constant 0 : i32
    %dma_wait3A_1056 = tpu.memref_slice %arg4[%dma_wait3A_1054, %dma_wait3A_1055] : memref<2049x1024xf32, #tpu.memory_space<hbm>> -> memref<16x1024xf32, #tpu.memory_space<hbm>>
    %dma_wait3A_1057 = arith.constant 0 : i32
    %dma_wait3A_1058 = arith.constant 0 : i32
    %dma_wait3A_1059 = tpu.memref_slice %arg9[%dma_wait3A_1049, %dma_wait3A_1057, %dma_wait3A_1058] : memref<6x16x1024xf32, #tpu.memory_space<vmem>> -> memref<1x16x1024xf32, #tpu.memory_space<vmem>>
    %dma_wait3A_1060 = tpu.memref_squeeze %dma_wait3A_1059 : memref<1x16x1024xf32, #tpu.memory_space<vmem>> -> memref<16x1024xf32, #tpu.memory_space<vmem>>
    %dma_wait3A_1061 = arith.constant 0 : i32
    %dma_wait3A_1062 = arith.constant 0 : i32
    %dma_wait3A_1063 = tpu.memref_slice %arg4[%dma_wait3A_1061, %dma_wait3A_1062] : memref<2049x1024xf32, #tpu.memory_space<hbm>> -> memref<16x1024xf32, #tpu.memory_space<hbm>>
    tpu.wait_dma2 semaphore(%arg14 : memref<!tpu.dma_semaphore, #tpu.memory_space<semaphore_mem>>) src(%dma_wait3A_1063 : memref<16x1024xf32, #tpu.memory_space<hbm>>) dst(%dma_wait3A_1060 : memref<16x1024xf32, #tpu.memory_space<vmem>>)
    %add3A_1064 = arith.constant 160 : i32
    %add3A_1065 = arith.addi %mul3A_32, %add3A_1064 : i32
    %dma_start3A_1066 = arith.constant 4 : i32
    %dma_start3A_1067 = arith.constant 0 : i32
    %dma_start3A_1068 = arith.constant 0 : i32
    %dma_start3A_1069 = tpu.memref_slice %arg9[%dma_start3A_1066, %dma_start3A_1067, %dma_start3A_1068] : memref<6x16x1024xf32, #tpu.memory_space<vmem>> -> memref<1x16x1024xf32, #tpu.memory_space<vmem>>
    %dma_start3A_1070 = tpu.memref_squeeze %dma_start3A_1069 : memref<1x16x1024xf32, #tpu.memory_space<vmem>> -> memref<16x1024xf32, #tpu.memory_space<vmem>>
    %dma_start3A_1071 = arith.constant 0 : i32
    %dma_start3A_1072 = tpu.memref_slice %arg5[%select_n3A, %add3A_1065, %dma_start3A_1071] : memref<4x2048x1024xf32, #tpu.memory_space<hbm>> -> memref<1x16x1024xf32, #tpu.memory_space<hbm>>
    %dma_start3A_1073 = tpu.memref_squeeze %dma_start3A_1072 : memref<1x16x1024xf32, #tpu.memory_space<hbm>> -> memref<16x1024xf32, #tpu.memory_space<hbm>>
    %dma_start3A_1074 = arith.constant 0 : i32
    %dma_start3A_1075 = tpu.memref_slice %arg5[%select_n3A, %add3A_1065, %dma_start3A_1074] : memref<4x2048x1024xf32, #tpu.memory_space<hbm>> -> memref<1x16x1024xf32, #tpu.memory_space<hbm>>
    %dma_start3A_1076 = tpu.memref_squeeze %dma_start3A_1075 : memref<1x16x1024xf32, #tpu.memory_space<hbm>> -> memref<16x1024xf32, #tpu.memory_space<hbm>>
    %dma_start3A_1077 = arith.constant 0 : i32
    %dma_start3A_1078 = arith.constant 0 : i32
    %dma_start3A_1079 = tpu.memref_slice %arg9[%dma_start3A_1066, %dma_start3A_1077, %dma_start3A_1078] : memref<6x16x1024xf32, #tpu.memory_space<vmem>> -> memref<1x16x1024xf32, #tpu.memory_space<vmem>>
    %dma_start3A_1080 = tpu.memref_squeeze %dma_start3A_1079 : memref<1x16x1024xf32, #tpu.memory_space<vmem>> -> memref<16x1024xf32, #tpu.memory_space<vmem>>
    tpu.enqueue_dma source(%dma_start3A_1080 : memref<16x1024xf32, #tpu.memory_space<vmem>>) target(%dma_start3A_1076 : memref<16x1024xf32, #tpu.memory_space<hbm>>) target_semaphore(%arg20 : memref<!tpu.dma_semaphore, #tpu.memory_space<semaphore_mem>>)
    %dma_wait3A_1081 = arith.constant 5 : i32
    %dma_wait3A_1082 = arith.constant 0 : i32
    %dma_wait3A_1083 = arith.constant 0 : i32
    %dma_wait3A_1084 = tpu.memref_slice %arg9[%dma_wait3A_1081, %dma_wait3A_1082, %dma_wait3A_1083] : memref<6x16x1024xf32, #tpu.memory_space<vmem>> -> memref<1x16x1024xf32, #tpu.memory_space<vmem>>
    %dma_wait3A_1085 = tpu.memref_squeeze %dma_wait3A_1084 : memref<1x16x1024xf32, #tpu.memory_space<vmem>> -> memref<16x1024xf32, #tpu.memory_space<vmem>>
    %dma_wait3A_1086 = arith.constant 0 : i32
    %dma_wait3A_1087 = arith.constant 0 : i32
    %dma_wait3A_1088 = tpu.memref_slice %arg4[%dma_wait3A_1086, %dma_wait3A_1087] : memref<2049x1024xf32, #tpu.memory_space<hbm>> -> memref<16x1024xf32, #tpu.memory_space<hbm>>
    %dma_wait3A_1089 = arith.constant 0 : i32
    %dma_wait3A_1090 = arith.constant 0 : i32
    %dma_wait3A_1091 = tpu.memref_slice %arg9[%dma_wait3A_1081, %dma_wait3A_1089, %dma_wait3A_1090] : memref<6x16x1024xf32, #tpu.memory_space<vmem>> -> memref<1x16x1024xf32, #tpu.memory_space<vmem>>
    %dma_wait3A_1092 = tpu.memref_squeeze %dma_wait3A_1091 : memref<1x16x1024xf32, #tpu.memory_space<vmem>> -> memref<16x1024xf32, #tpu.memory_space<vmem>>
    %dma_wait3A_1093 = arith.constant 0 : i32
    %dma_wait3A_1094 = arith.constant 0 : i32
    %dma_wait3A_1095 = tpu.memref_slice %arg4[%dma_wait3A_1093, %dma_wait3A_1094] : memref<2049x1024xf32, #tpu.memory_space<hbm>> -> memref<16x1024xf32, #tpu.memory_space<hbm>>
    tpu.wait_dma2 semaphore(%arg15 : memref<!tpu.dma_semaphore, #tpu.memory_space<semaphore_mem>>) src(%dma_wait3A_1095 : memref<16x1024xf32, #tpu.memory_space<hbm>>) dst(%dma_wait3A_1092 : memref<16x1024xf32, #tpu.memory_space<vmem>>)
    %add3A_1096 = arith.constant 176 : i32
    %add3A_1097 = arith.addi %mul3A_32, %add3A_1096 : i32
    %dma_start3A_1098 = arith.constant 5 : i32
    %dma_start3A_1099 = arith.constant 0 : i32
    %dma_start3A_1100 = arith.constant 0 : i32
    %dma_start3A_1101 = tpu.memref_slice %arg9[%dma_start3A_1098, %dma_start3A_1099, %dma_start3A_1100] : memref<6x16x1024xf32, #tpu.memory_space<vmem>> -> memref<1x16x1024xf32, #tpu.memory_space<vmem>>
    %dma_start3A_1102 = tpu.memref_squeeze %dma_start3A_1101 : memref<1x16x1024xf32, #tpu.memory_space<vmem>> -> memref<16x1024xf32, #tpu.memory_space<vmem>>
    %dma_start3A_1103 = arith.constant 0 : i32
    %dma_start3A_1104 = tpu.memref_slice %arg5[%select_n3A, %add3A_1097, %dma_start3A_1103] : memref<4x2048x1024xf32, #tpu.memory_space<hbm>> -> memref<1x16x1024xf32, #tpu.memory_space<hbm>>
    %dma_start3A_1105 = tpu.memref_squeeze %dma_start3A_1104 : memref<1x16x1024xf32, #tpu.memory_space<hbm>> -> memref<16x1024xf32, #tpu.memory_space<hbm>>
    %dma_start3A_1106 = arith.constant 0 : i32
    %dma_start3A_1107 = tpu.memref_slice %arg5[%select_n3A, %add3A_1097, %dma_start3A_1106] : memref<4x2048x1024xf32, #tpu.memory_space<hbm>> -> memref<1x16x1024xf32, #tpu.memory_space<hbm>>
    %dma_start3A_1108 = tpu.memref_squeeze %dma_start3A_1107 : memref<1x16x1024xf32, #tpu.memory_space<hbm>> -> memref<16x1024xf32, #tpu.memory_space<hbm>>
    %dma_start3A_1109 = arith.constant 0 : i32
    %dma_start3A_1110 = arith.constant 0 : i32
    %dma_start3A_1111 = tpu.memref_slice %arg9[%dma_start3A_1098, %dma_start3A_1109, %dma_start3A_1110] : memref<6x16x1024xf32, #tpu.memory_space<vmem>> -> memref<1x16x1024xf32, #tpu.memory_space<vmem>>
    %dma_start3A_1112 = tpu.memref_squeeze %dma_start3A_1111 : memref<1x16x1024xf32, #tpu.memory_space<vmem>> -> memref<16x1024xf32, #tpu.memory_space<vmem>>
    tpu.enqueue_dma source(%dma_start3A_1112 : memref<16x1024xf32, #tpu.memory_space<vmem>>) target(%dma_start3A_1108 : memref<16x1024xf32, #tpu.memory_space<hbm>>) target_semaphore(%arg21 : memref<!tpu.dma_semaphore, #tpu.memory_space<semaphore_mem>>)
    %dma_wait3A_1113 = arith.constant 0 : i32
    %dma_wait3A_1114 = arith.constant 0 : i32
    %dma_wait3A_1115 = arith.constant 0 : i32
    %dma_wait3A_1116 = tpu.memref_slice %arg9[%dma_wait3A_1113, %dma_wait3A_1114, %dma_wait3A_1115] : memref<6x16x1024xf32, #tpu.memory_space<vmem>> -> memref<1x16x1024xf32, #tpu.memory_space<vmem>>
    %dma_wait3A_1117 = tpu.memref_squeeze %dma_wait3A_1116 : memref<1x16x1024xf32, #tpu.memory_space<vmem>> -> memref<16x1024xf32, #tpu.memory_space<vmem>>
    %dma_wait3A_1118 = arith.constant 0 : i32
    %dma_wait3A_1119 = arith.constant 0 : i32
    %dma_wait3A_1120 = tpu.memref_slice %arg4[%dma_wait3A_1118, %dma_wait3A_1119] : memref<2049x1024xf32, #tpu.memory_space<hbm>> -> memref<16x1024xf32, #tpu.memory_space<hbm>>
    %dma_wait3A_1121 = arith.constant 0 : i32
    %dma_wait3A_1122 = arith.constant 0 : i32
    %dma_wait3A_1123 = tpu.memref_slice %arg9[%dma_wait3A_1113, %dma_wait3A_1121, %dma_wait3A_1122] : memref<6x16x1024xf32, #tpu.memory_space<vmem>> -> memref<1x16x1024xf32, #tpu.memory_space<vmem>>
    %dma_wait3A_1124 = tpu.memref_squeeze %dma_wait3A_1123 : memref<1x16x1024xf32, #tpu.memory_space<vmem>> -> memref<16x1024xf32, #tpu.memory_space<vmem>>
    %dma_wait3A_1125 = arith.constant 0 : i32
    %dma_wait3A_1126 = arith.constant 0 : i32
    %dma_wait3A_1127 = tpu.memref_slice %arg4[%dma_wait3A_1125, %dma_wait3A_1126] : memref<2049x1024xf32, #tpu.memory_space<hbm>> -> memref<16x1024xf32, #tpu.memory_space<hbm>>
    tpu.wait_dma2 semaphore(%arg10 : memref<!tpu.dma_semaphore, #tpu.memory_space<semaphore_mem>>) src(%dma_wait3A_1127 : memref<16x1024xf32, #tpu.memory_space<hbm>>) dst(%dma_wait3A_1124 : memref<16x1024xf32, #tpu.memory_space<vmem>>)
    %add3A_1128 = arith.constant 192 : i32
    %add3A_1129 = arith.addi %mul3A_32, %add3A_1128 : i32
    %dma_start3A_1130 = arith.constant 0 : i32
    %dma_start3A_1131 = arith.constant 0 : i32
    %dma_start3A_1132 = arith.constant 0 : i32
    %dma_start3A_1133 = tpu.memref_slice %arg9[%dma_start3A_1130, %dma_start3A_1131, %dma_start3A_1132] : memref<6x16x1024xf32, #tpu.memory_space<vmem>> -> memref<1x16x1024xf32, #tpu.memory_space<vmem>>
    %dma_start3A_1134 = tpu.memref_squeeze %dma_start3A_1133 : memref<1x16x1024xf32, #tpu.memory_space<vmem>> -> memref<16x1024xf32, #tpu.memory_space<vmem>>
    %dma_start3A_1135 = arith.constant 0 : i32
    %dma_start3A_1136 = tpu.memref_slice %arg5[%select_n3A, %add3A_1129, %dma_start3A_1135] : memref<4x2048x1024xf32, #tpu.memory_space<hbm>> -> memref<1x16x1024xf32, #tpu.memory_space<hbm>>
    %dma_start3A_1137 = tpu.memref_squeeze %dma_start3A_1136 : memref<1x16x1024xf32, #tpu.memory_space<hbm>> -> memref<16x1024xf32, #tpu.memory_space<hbm>>
    %dma_start3A_1138 = arith.constant 0 : i32
    %dma_start3A_1139 = tpu.memref_slice %arg5[%select_n3A, %add3A_1129, %dma_start3A_1138] : memref<4x2048x1024xf32, #tpu.memory_space<hbm>> -> memref<1x16x1024xf32, #tpu.memory_space<hbm>>
    %dma_start3A_1140 = tpu.memref_squeeze %dma_start3A_1139 : memref<1x16x1024xf32, #tpu.memory_space<hbm>> -> memref<16x1024xf32, #tpu.memory_space<hbm>>
    %dma_start3A_1141 = arith.constant 0 : i32
    %dma_start3A_1142 = arith.constant 0 : i32
    %dma_start3A_1143 = tpu.memref_slice %arg9[%dma_start3A_1130, %dma_start3A_1141, %dma_start3A_1142] : memref<6x16x1024xf32, #tpu.memory_space<vmem>> -> memref<1x16x1024xf32, #tpu.memory_space<vmem>>
    %dma_start3A_1144 = tpu.memref_squeeze %dma_start3A_1143 : memref<1x16x1024xf32, #tpu.memory_space<vmem>> -> memref<16x1024xf32, #tpu.memory_space<vmem>>
    tpu.enqueue_dma source(%dma_start3A_1144 : memref<16x1024xf32, #tpu.memory_space<vmem>>) target(%dma_start3A_1140 : memref<16x1024xf32, #tpu.memory_space<hbm>>) target_semaphore(%arg16 : memref<!tpu.dma_semaphore, #tpu.memory_space<semaphore_mem>>)
    %dma_wait3A_1145 = arith.constant 1 : i32
    %dma_wait3A_1146 = arith.constant 0 : i32
    %dma_wait3A_1147 = arith.constant 0 : i32
    %dma_wait3A_1148 = tpu.memref_slice %arg9[%dma_wait3A_1145, %dma_wait3A_1146, %dma_wait3A_1147] : memref<6x16x1024xf32, #tpu.memory_space<vmem>> -> memref<1x16x1024xf32, #tpu.memory_space<vmem>>
    %dma_wait3A_1149 = tpu.memref_squeeze %dma_wait3A_1148 : memref<1x16x1024xf32, #tpu.memory_space<vmem>> -> memref<16x1024xf32, #tpu.memory_space<vmem>>
    %dma_wait3A_1150 = arith.constant 0 : i32
    %dma_wait3A_1151 = arith.constant 0 : i32
    %dma_wait3A_1152 = tpu.memref_slice %arg4[%dma_wait3A_1150, %dma_wait3A_1151] : memref<2049x1024xf32, #tpu.memory_space<hbm>> -> memref<16x1024xf32, #tpu.memory_space<hbm>>
    %dma_wait3A_1153 = arith.constant 0 : i32
    %dma_wait3A_1154 = arith.constant 0 : i32
    %dma_wait3A_1155 = tpu.memref_slice %arg9[%dma_wait3A_1145, %dma_wait3A_1153, %dma_wait3A_1154] : memref<6x16x1024xf32, #tpu.memory_space<vmem>> -> memref<1x16x1024xf32, #tpu.memory_space<vmem>>
    %dma_wait3A_1156 = tpu.memref_squeeze %dma_wait3A_1155 : memref<1x16x1024xf32, #tpu.memory_space<vmem>> -> memref<16x1024xf32, #tpu.memory_space<vmem>>
    %dma_wait3A_1157 = arith.constant 0 : i32
    %dma_wait3A_1158 = arith.constant 0 : i32
    %dma_wait3A_1159 = tpu.memref_slice %arg4[%dma_wait3A_1157, %dma_wait3A_1158] : memref<2049x1024xf32, #tpu.memory_space<hbm>> -> memref<16x1024xf32, #tpu.memory_space<hbm>>
    tpu.wait_dma2 semaphore(%arg11 : memref<!tpu.dma_semaphore, #tpu.memory_space<semaphore_mem>>) src(%dma_wait3A_1159 : memref<16x1024xf32, #tpu.memory_space<hbm>>) dst(%dma_wait3A_1156 : memref<16x1024xf32, #tpu.memory_space<vmem>>)
    %add3A_1160 = arith.constant 208 : i32
    %add3A_1161 = arith.addi %mul3A_32, %add3A_1160 : i32
    %dma_start3A_1162 = arith.constant 1 : i32
    %dma_start3A_1163 = arith.constant 0 : i32
    %dma_start3A_1164 = arith.constant 0 : i32
    %dma_start3A_1165 = tpu.memref_slice %arg9[%dma_start3A_1162, %dma_start3A_1163, %dma_start3A_1164] : memref<6x16x1024xf32, #tpu.memory_space<vmem>> -> memref<1x16x1024xf32, #tpu.memory_space<vmem>>
    %dma_start3A_1166 = tpu.memref_squeeze %dma_start3A_1165 : memref<1x16x1024xf32, #tpu.memory_space<vmem>> -> memref<16x1024xf32, #tpu.memory_space<vmem>>
    %dma_start3A_1167 = arith.constant 0 : i32
    %dma_start3A_1168 = tpu.memref_slice %arg5[%select_n3A, %add3A_1161, %dma_start3A_1167] : memref<4x2048x1024xf32, #tpu.memory_space<hbm>> -> memref<1x16x1024xf32, #tpu.memory_space<hbm>>
    %dma_start3A_1169 = tpu.memref_squeeze %dma_start3A_1168 : memref<1x16x1024xf32, #tpu.memory_space<hbm>> -> memref<16x1024xf32, #tpu.memory_space<hbm>>
    %dma_start3A_1170 = arith.constant 0 : i32
    %dma_start3A_1171 = tpu.memref_slice %arg5[%select_n3A, %add3A_1161, %dma_start3A_1170] : memref<4x2048x1024xf32, #tpu.memory_space<hbm>> -> memref<1x16x1024xf32, #tpu.memory_space<hbm>>
    %dma_start3A_1172 = tpu.memref_squeeze %dma_start3A_1171 : memref<1x16x1024xf32, #tpu.memory_space<hbm>> -> memref<16x1024xf32, #tpu.memory_space<hbm>>
    %dma_start3A_1173 = arith.constant 0 : i32
    %dma_start3A_1174 = arith.constant 0 : i32
    %dma_start3A_1175 = tpu.memref_slice %arg9[%dma_start3A_1162, %dma_start3A_1173, %dma_start3A_1174] : memref<6x16x1024xf32, #tpu.memory_space<vmem>> -> memref<1x16x1024xf32, #tpu.memory_space<vmem>>
    %dma_start3A_1176 = tpu.memref_squeeze %dma_start3A_1175 : memref<1x16x1024xf32, #tpu.memory_space<vmem>> -> memref<16x1024xf32, #tpu.memory_space<vmem>>
    tpu.enqueue_dma source(%dma_start3A_1176 : memref<16x1024xf32, #tpu.memory_space<vmem>>) target(%dma_start3A_1172 : memref<16x1024xf32, #tpu.memory_space<hbm>>) target_semaphore(%arg17 : memref<!tpu.dma_semaphore, #tpu.memory_space<semaphore_mem>>)
    %dma_wait3A_1177 = arith.constant 2 : i32
    %dma_wait3A_1178 = arith.constant 0 : i32
    %dma_wait3A_1179 = arith.constant 0 : i32
    %dma_wait3A_1180 = tpu.memref_slice %arg9[%dma_wait3A_1177, %dma_wait3A_1178, %dma_wait3A_1179] : memref<6x16x1024xf32, #tpu.memory_space<vmem>> -> memref<1x16x1024xf32, #tpu.memory_space<vmem>>
    %dma_wait3A_1181 = tpu.memref_squeeze %dma_wait3A_1180 : memref<1x16x1024xf32, #tpu.memory_space<vmem>> -> memref<16x1024xf32, #tpu.memory_space<vmem>>
    %dma_wait3A_1182 = arith.constant 0 : i32
    %dma_wait3A_1183 = arith.constant 0 : i32
    %dma_wait3A_1184 = tpu.memref_slice %arg4[%dma_wait3A_1182, %dma_wait3A_1183] : memref<2049x1024xf32, #tpu.memory_space<hbm>> -> memref<16x1024xf32, #tpu.memory_space<hbm>>
    %dma_wait3A_1185 = arith.constant 0 : i32
    %dma_wait3A_1186 = arith.constant 0 : i32
    %dma_wait3A_1187 = tpu.memref_slice %arg9[%dma_wait3A_1177, %dma_wait3A_1185, %dma_wait3A_1186] : memref<6x16x1024xf32, #tpu.memory_space<vmem>> -> memref<1x16x1024xf32, #tpu.memory_space<vmem>>
    %dma_wait3A_1188 = tpu.memref_squeeze %dma_wait3A_1187 : memref<1x16x1024xf32, #tpu.memory_space<vmem>> -> memref<16x1024xf32, #tpu.memory_space<vmem>>
    %dma_wait3A_1189 = arith.constant 0 : i32
    %dma_wait3A_1190 = arith.constant 0 : i32
    %dma_wait3A_1191 = tpu.memref_slice %arg4[%dma_wait3A_1189, %dma_wait3A_1190] : memref<2049x1024xf32, #tpu.memory_space<hbm>> -> memref<16x1024xf32, #tpu.memory_space<hbm>>
    tpu.wait_dma2 semaphore(%arg12 : memref<!tpu.dma_semaphore, #tpu.memory_space<semaphore_mem>>) src(%dma_wait3A_1191 : memref<16x1024xf32, #tpu.memory_space<hbm>>) dst(%dma_wait3A_1188 : memref<16x1024xf32, #tpu.memory_space<vmem>>)
    %add3A_1192 = arith.constant 224 : i32
    %add3A_1193 = arith.addi %mul3A_32, %add3A_1192 : i32
    %dma_start3A_1194 = arith.constant 2 : i32
    %dma_start3A_1195 = arith.constant 0 : i32
    %dma_start3A_1196 = arith.constant 0 : i32
    %dma_start3A_1197 = tpu.memref_slice %arg9[%dma_start3A_1194, %dma_start3A_1195, %dma_start3A_1196] : memref<6x16x1024xf32, #tpu.memory_space<vmem>> -> memref<1x16x1024xf32, #tpu.memory_space<vmem>>
    %dma_start3A_1198 = tpu.memref_squeeze %dma_start3A_1197 : memref<1x16x1024xf32, #tpu.memory_space<vmem>> -> memref<16x1024xf32, #tpu.memory_space<vmem>>
    %dma_start3A_1199 = arith.constant 0 : i32
    %dma_start3A_1200 = tpu.memref_slice %arg5[%select_n3A, %add3A_1193, %dma_start3A_1199] : memref<4x2048x1024xf32, #tpu.memory_space<hbm>> -> memref<1x16x1024xf32, #tpu.memory_space<hbm>>
    %dma_start3A_1201 = tpu.memref_squeeze %dma_start3A_1200 : memref<1x16x1024xf32, #tpu.memory_space<hbm>> -> memref<16x1024xf32, #tpu.memory_space<hbm>>
    %dma_start3A_1202 = arith.constant 0 : i32
    %dma_start3A_1203 = tpu.memref_slice %arg5[%select_n3A, %add3A_1193, %dma_start3A_1202] : memref<4x2048x1024xf32, #tpu.memory_space<hbm>> -> memref<1x16x1024xf32, #tpu.memory_space<hbm>>
    %dma_start3A_1204 = tpu.memref_squeeze %dma_start3A_1203 : memref<1x16x1024xf32, #tpu.memory_space<hbm>> -> memref<16x1024xf32, #tpu.memory_space<hbm>>
    %dma_start3A_1205 = arith.constant 0 : i32
    %dma_start3A_1206 = arith.constant 0 : i32
    %dma_start3A_1207 = tpu.memref_slice %arg9[%dma_start3A_1194, %dma_start3A_1205, %dma_start3A_1206] : memref<6x16x1024xf32, #tpu.memory_space<vmem>> -> memref<1x16x1024xf32, #tpu.memory_space<vmem>>
    %dma_start3A_1208 = tpu.memref_squeeze %dma_start3A_1207 : memref<1x16x1024xf32, #tpu.memory_space<vmem>> -> memref<16x1024xf32, #tpu.memory_space<vmem>>
    tpu.enqueue_dma source(%dma_start3A_1208 : memref<16x1024xf32, #tpu.memory_space<vmem>>) target(%dma_start3A_1204 : memref<16x1024xf32, #tpu.memory_space<hbm>>) target_semaphore(%arg18 : memref<!tpu.dma_semaphore, #tpu.memory_space<semaphore_mem>>)
    %dma_wait3A_1209 = arith.constant 3 : i32
    %dma_wait3A_1210 = arith.constant 0 : i32
    %dma_wait3A_1211 = arith.constant 0 : i32
    %dma_wait3A_1212 = tpu.memref_slice %arg9[%dma_wait3A_1209, %dma_wait3A_1210, %dma_wait3A_1211] : memref<6x16x1024xf32, #tpu.memory_space<vmem>> -> memref<1x16x1024xf32, #tpu.memory_space<vmem>>
    %dma_wait3A_1213 = tpu.memref_squeeze %dma_wait3A_1212 : memref<1x16x1024xf32, #tpu.memory_space<vmem>> -> memref<16x1024xf32, #tpu.memory_space<vmem>>
    %dma_wait3A_1214 = arith.constant 0 : i32
    %dma_wait3A_1215 = arith.constant 0 : i32
    %dma_wait3A_1216 = tpu.memref_slice %arg4[%dma_wait3A_1214, %dma_wait3A_1215] : memref<2049x1024xf32, #tpu.memory_space<hbm>> -> memref<16x1024xf32, #tpu.memory_space<hbm>>
    %dma_wait3A_1217 = arith.constant 0 : i32
    %dma_wait3A_1218 = arith.constant 0 : i32
    %dma_wait3A_1219 = tpu.memref_slice %arg9[%dma_wait3A_1209, %dma_wait3A_1217, %dma_wait3A_1218] : memref<6x16x1024xf32, #tpu.memory_space<vmem>> -> memref<1x16x1024xf32, #tpu.memory_space<vmem>>
    %dma_wait3A_1220 = tpu.memref_squeeze %dma_wait3A_1219 : memref<1x16x1024xf32, #tpu.memory_space<vmem>> -> memref<16x1024xf32, #tpu.memory_space<vmem>>
    %dma_wait3A_1221 = arith.constant 0 : i32
    %dma_wait3A_1222 = arith.constant 0 : i32
    %dma_wait3A_1223 = tpu.memref_slice %arg4[%dma_wait3A_1221, %dma_wait3A_1222] : memref<2049x1024xf32, #tpu.memory_space<hbm>> -> memref<16x1024xf32, #tpu.memory_space<hbm>>
    tpu.wait_dma2 semaphore(%arg13 : memref<!tpu.dma_semaphore, #tpu.memory_space<semaphore_mem>>) src(%dma_wait3A_1223 : memref<16x1024xf32, #tpu.memory_space<hbm>>) dst(%dma_wait3A_1220 : memref<16x1024xf32, #tpu.memory_space<vmem>>)
    %add3A_1224 = arith.constant 240 : i32
    %add3A_1225 = arith.addi %mul3A_32, %add3A_1224 : i32
    %dma_start3A_1226 = arith.constant 3 : i32
    %dma_start3A_1227 = arith.constant 0 : i32
    %dma_start3A_1228 = arith.constant 0 : i32
    %dma_start3A_1229 = tpu.memref_slice %arg9[%dma_start3A_1226, %dma_start3A_1227, %dma_start3A_1228] : memref<6x16x1024xf32, #tpu.memory_space<vmem>> -> memref<1x16x1024xf32, #tpu.memory_space<vmem>>
    %dma_start3A_1230 = tpu.memref_squeeze %dma_start3A_1229 : memref<1x16x1024xf32, #tpu.memory_space<vmem>> -> memref<16x1024xf32, #tpu.memory_space<vmem>>
    %dma_start3A_1231 = arith.constant 0 : i32
    %dma_start3A_1232 = tpu.memref_slice %arg5[%select_n3A, %add3A_1225, %dma_start3A_1231] : memref<4x2048x1024xf32, #tpu.memory_space<hbm>> -> memref<1x16x1024xf32, #tpu.memory_space<hbm>>
    %dma_start3A_1233 = tpu.memref_squeeze %dma_start3A_1232 : memref<1x16x1024xf32, #tpu.memory_space<hbm>> -> memref<16x1024xf32, #tpu.memory_space<hbm>>
    %dma_start3A_1234 = arith.constant 0 : i32
    %dma_start3A_1235 = tpu.memref_slice %arg5[%select_n3A, %add3A_1225, %dma_start3A_1234] : memref<4x2048x1024xf32, #tpu.memory_space<hbm>> -> memref<1x16x1024xf32, #tpu.memory_space<hbm>>
    %dma_start3A_1236 = tpu.memref_squeeze %dma_start3A_1235 : memref<1x16x1024xf32, #tpu.memory_space<hbm>> -> memref<16x1024xf32, #tpu.memory_space<hbm>>
    %dma_start3A_1237 = arith.constant 0 : i32
    %dma_start3A_1238 = arith.constant 0 : i32
    %dma_start3A_1239 = tpu.memref_slice %arg9[%dma_start3A_1226, %dma_start3A_1237, %dma_start3A_1238] : memref<6x16x1024xf32, #tpu.memory_space<vmem>> -> memref<1x16x1024xf32, #tpu.memory_space<vmem>>
    %dma_start3A_1240 = tpu.memref_squeeze %dma_start3A_1239 : memref<1x16x1024xf32, #tpu.memory_space<vmem>> -> memref<16x1024xf32, #tpu.memory_space<vmem>>
    tpu.enqueue_dma source(%dma_start3A_1240 : memref<16x1024xf32, #tpu.memory_space<vmem>>) target(%dma_start3A_1236 : memref<16x1024xf32, #tpu.memory_space<hbm>>) target_semaphore(%arg19 : memref<!tpu.dma_semaphore, #tpu.memory_space<semaphore_mem>>)
    %dma_wait3A_1241 = arith.constant 4 : i32
    %dma_wait3A_1242 = arith.constant 0 : i32
    %dma_wait3A_1243 = arith.constant 0 : i32
    %dma_wait3A_1244 = tpu.memref_slice %arg9[%dma_wait3A_1241, %dma_wait3A_1242, %dma_wait3A_1243] : memref<6x16x1024xf32, #tpu.memory_space<vmem>> -> memref<1x16x1024xf32, #tpu.memory_space<vmem>>
    %dma_wait3A_1245 = tpu.memref_squeeze %dma_wait3A_1244 : memref<1x16x1024xf32, #tpu.memory_space<vmem>> -> memref<16x1024xf32, #tpu.memory_space<vmem>>
    %dma_wait3A_1246 = arith.constant 0 : i32
    %dma_wait3A_1247 = tpu.memref_slice %arg5[%select_n3A, %add3A_1065, %dma_wait3A_1246] : memref<4x2048x1024xf32, #tpu.memory_space<hbm>> -> memref<1x16x1024xf32, #tpu.memory_space<hbm>>
    %dma_wait3A_1248 = tpu.memref_squeeze %dma_wait3A_1247 : memref<1x16x1024xf32, #tpu.memory_space<hbm>> -> memref<16x1024xf32, #tpu.memory_space<hbm>>
    %dma_wait3A_1249 = arith.constant 0 : i32
    %dma_wait3A_1250 = tpu.memref_slice %arg5[%select_n3A, %add3A_1065, %dma_wait3A_1249] : memref<4x2048x1024xf32, #tpu.memory_space<hbm>> -> memref<1x16x1024xf32, #tpu.memory_space<hbm>>
    %dma_wait3A_1251 = tpu.memref_squeeze %dma_wait3A_1250 : memref<1x16x1024xf32, #tpu.memory_space<hbm>> -> memref<16x1024xf32, #tpu.memory_space<hbm>>
    %dma_wait3A_1252 = arith.constant 0 : i32
    %dma_wait3A_1253 = arith.constant 0 : i32
    %dma_wait3A_1254 = tpu.memref_slice %arg9[%dma_wait3A_1241, %dma_wait3A_1252, %dma_wait3A_1253] : memref<6x16x1024xf32, #tpu.memory_space<vmem>> -> memref<1x16x1024xf32, #tpu.memory_space<vmem>>
    %dma_wait3A_1255 = tpu.memref_squeeze %dma_wait3A_1254 : memref<1x16x1024xf32, #tpu.memory_space<vmem>> -> memref<16x1024xf32, #tpu.memory_space<vmem>>
    tpu.wait_dma2 semaphore(%arg20 : memref<!tpu.dma_semaphore, #tpu.memory_space<semaphore_mem>>) src(%dma_wait3A_1255 : memref<16x1024xf32, #tpu.memory_space<vmem>>) dst(%dma_wait3A_1251 : memref<16x1024xf32, #tpu.memory_space<hbm>>)
    %dma_wait3A_1256 = arith.constant 5 : i32
    %dma_wait3A_1257 = arith.constant 0 : i32
    %dma_wait3A_1258 = arith.constant 0 : i32
    %dma_wait3A_1259 = tpu.memref_slice %arg9[%dma_wait3A_1256, %dma_wait3A_1257, %dma_wait3A_1258] : memref<6x16x1024xf32, #tpu.memory_space<vmem>> -> memref<1x16x1024xf32, #tpu.memory_space<vmem>>
    %dma_wait3A_1260 = tpu.memref_squeeze %dma_wait3A_1259 : memref<1x16x1024xf32, #tpu.memory_space<vmem>> -> memref<16x1024xf32, #tpu.memory_space<vmem>>
    %dma_wait3A_1261 = arith.constant 0 : i32
    %dma_wait3A_1262 = tpu.memref_slice %arg5[%select_n3A, %add3A_1097, %dma_wait3A_1261] : memref<4x2048x1024xf32, #tpu.memory_space<hbm>> -> memref<1x16x1024xf32, #tpu.memory_space<hbm>>
    %dma_wait3A_1263 = tpu.memref_squeeze %dma_wait3A_1262 : memref<1x16x1024xf32, #tpu.memory_space<hbm>> -> memref<16x1024xf32, #tpu.memory_space<hbm>>
    %dma_wait3A_1264 = arith.constant 0 : i32
    %dma_wait3A_1265 = tpu.memref_slice %arg5[%select_n3A, %add3A_1097, %dma_wait3A_1264] : memref<4x2048x1024xf32, #tpu.memory_space<hbm>> -> memref<1x16x1024xf32, #tpu.memory_space<hbm>>
    %dma_wait3A_1266 = tpu.memref_squeeze %dma_wait3A_1265 : memref<1x16x1024xf32, #tpu.memory_space<hbm>> -> memref<16x1024xf32, #tpu.memory_space<hbm>>
    %dma_wait3A_1267 = arith.constant 0 : i32
    %dma_wait3A_1268 = arith.constant 0 : i32
    %dma_wait3A_1269 = tpu.memref_slice %arg9[%dma_wait3A_1256, %dma_wait3A_1267, %dma_wait3A_1268] : memref<6x16x1024xf32, #tpu.memory_space<vmem>> -> memref<1x16x1024xf32, #tpu.memory_space<vmem>>
    %dma_wait3A_1270 = tpu.memref_squeeze %dma_wait3A_1269 : memref<1x16x1024xf32, #tpu.memory_space<vmem>> -> memref<16x1024xf32, #tpu.memory_space<vmem>>
    tpu.wait_dma2 semaphore(%arg21 : memref<!tpu.dma_semaphore, #tpu.memory_space<semaphore_mem>>) src(%dma_wait3A_1270 : memref<16x1024xf32, #tpu.memory_space<vmem>>) dst(%dma_wait3A_1266 : memref<16x1024xf32, #tpu.memory_space<hbm>>)
    %dma_wait3A_1271 = arith.constant 0 : i32
    %dma_wait3A_1272 = arith.constant 0 : i32
    %dma_wait3A_1273 = arith.constant 0 : i32
    %dma_wait3A_1274 = tpu.memref_slice %arg9[%dma_wait3A_1271, %dma_wait3A_1272, %dma_wait3A_1273] : memref<6x16x1024xf32, #tpu.memory_space<vmem>> -> memref<1x16x1024xf32, #tpu.memory_space<vmem>>
    %dma_wait3A_1275 = tpu.memref_squeeze %dma_wait3A_1274 : memref<1x16x1024xf32, #tpu.memory_space<vmem>> -> memref<16x1024xf32, #tpu.memory_space<vmem>>
    %dma_wait3A_1276 = arith.constant 0 : i32
    %dma_wait3A_1277 = tpu.memref_slice %arg5[%select_n3A, %add3A_1129, %dma_wait3A_1276] : memref<4x2048x1024xf32, #tpu.memory_space<hbm>> -> memref<1x16x1024xf32, #tpu.memory_space<hbm>>
    %dma_wait3A_1278 = tpu.memref_squeeze %dma_wait3A_1277 : memref<1x16x1024xf32, #tpu.memory_space<hbm>> -> memref<16x1024xf32, #tpu.memory_space<hbm>>
    %dma_wait3A_1279 = arith.constant 0 : i32
    %dma_wait3A_1280 = tpu.memref_slice %arg5[%select_n3A, %add3A_1129, %dma_wait3A_1279] : memref<4x2048x1024xf32, #tpu.memory_space<hbm>> -> memref<1x16x1024xf32, #tpu.memory_space<hbm>>
    %dma_wait3A_1281 = tpu.memref_squeeze %dma_wait3A_1280 : memref<1x16x1024xf32, #tpu.memory_space<hbm>> -> memref<16x1024xf32, #tpu.memory_space<hbm>>
    %dma_wait3A_1282 = arith.constant 0 : i32
    %dma_wait3A_1283 = arith.constant 0 : i32
    %dma_wait3A_1284 = tpu.memref_slice %arg9[%dma_wait3A_1271, %dma_wait3A_1282, %dma_wait3A_1283] : memref<6x16x1024xf32, #tpu.memory_space<vmem>> -> memref<1x16x1024xf32, #tpu.memory_space<vmem>>
    %dma_wait3A_1285 = tpu.memref_squeeze %dma_wait3A_1284 : memref<1x16x1024xf32, #tpu.memory_space<vmem>> -> memref<16x1024xf32, #tpu.memory_space<vmem>>
    tpu.wait_dma2 semaphore(%arg16 : memref<!tpu.dma_semaphore, #tpu.memory_space<semaphore_mem>>) src(%dma_wait3A_1285 : memref<16x1024xf32, #tpu.memory_space<vmem>>) dst(%dma_wait3A_1281 : memref<16x1024xf32, #tpu.memory_space<hbm>>)
    %dma_wait3A_1286 = arith.constant 1 : i32
    %dma_wait3A_1287 = arith.constant 0 : i32
    %dma_wait3A_1288 = arith.constant 0 : i32
    %dma_wait3A_1289 = tpu.memref_slice %arg9[%dma_wait3A_1286, %dma_wait3A_1287, %dma_wait3A_1288] : memref<6x16x1024xf32, #tpu.memory_space<vmem>> -> memref<1x16x1024xf32, #tpu.memory_space<vmem>>
    %dma_wait3A_1290 = tpu.memref_squeeze %dma_wait3A_1289 : memref<1x16x1024xf32, #tpu.memory_space<vmem>> -> memref<16x1024xf32, #tpu.memory_space<vmem>>
    %dma_wait3A_1291 = arith.constant 0 : i32
    %dma_wait3A_1292 = tpu.memref_slice %arg5[%select_n3A, %add3A_1161, %dma_wait3A_1291] : memref<4x2048x1024xf32, #tpu.memory_space<hbm>> -> memref<1x16x1024xf32, #tpu.memory_space<hbm>>
    %dma_wait3A_1293 = tpu.memref_squeeze %dma_wait3A_1292 : memref<1x16x1024xf32, #tpu.memory_space<hbm>> -> memref<16x1024xf32, #tpu.memory_space<hbm>>
    %dma_wait3A_1294 = arith.constant 0 : i32
    %dma_wait3A_1295 = tpu.memref_slice %arg5[%select_n3A, %add3A_1161, %dma_wait3A_1294] : memref<4x2048x1024xf32, #tpu.memory_space<hbm>> -> memref<1x16x1024xf32, #tpu.memory_space<hbm>>
    %dma_wait3A_1296 = tpu.memref_squeeze %dma_wait3A_1295 : memref<1x16x1024xf32, #tpu.memory_space<hbm>> -> memref<16x1024xf32, #tpu.memory_space<hbm>>
    %dma_wait3A_1297 = arith.constant 0 : i32
    %dma_wait3A_1298 = arith.constant 0 : i32
    %dma_wait3A_1299 = tpu.memref_slice %arg9[%dma_wait3A_1286, %dma_wait3A_1297, %dma_wait3A_1298] : memref<6x16x1024xf32, #tpu.memory_space<vmem>> -> memref<1x16x1024xf32, #tpu.memory_space<vmem>>
    %dma_wait3A_1300 = tpu.memref_squeeze %dma_wait3A_1299 : memref<1x16x1024xf32, #tpu.memory_space<vmem>> -> memref<16x1024xf32, #tpu.memory_space<vmem>>
    tpu.wait_dma2 semaphore(%arg17 : memref<!tpu.dma_semaphore, #tpu.memory_space<semaphore_mem>>) src(%dma_wait3A_1300 : memref<16x1024xf32, #tpu.memory_space<vmem>>) dst(%dma_wait3A_1296 : memref<16x1024xf32, #tpu.memory_space<hbm>>)
    %dma_wait3A_1301 = arith.constant 2 : i32
    %dma_wait3A_1302 = arith.constant 0 : i32
    %dma_wait3A_1303 = arith.constant 0 : i32
    %dma_wait3A_1304 = tpu.memref_slice %arg9[%dma_wait3A_1301, %dma_wait3A_1302, %dma_wait3A_1303] : memref<6x16x1024xf32, #tpu.memory_space<vmem>> -> memref<1x16x1024xf32, #tpu.memory_space<vmem>>
    %dma_wait3A_1305 = tpu.memref_squeeze %dma_wait3A_1304 : memref<1x16x1024xf32, #tpu.memory_space<vmem>> -> memref<16x1024xf32, #tpu.memory_space<vmem>>
    %dma_wait3A_1306 = arith.constant 0 : i32
    %dma_wait3A_1307 = tpu.memref_slice %arg5[%select_n3A, %add3A_1193, %dma_wait3A_1306] : memref<4x2048x1024xf32, #tpu.memory_space<hbm>> -> memref<1x16x1024xf32, #tpu.memory_space<hbm>>
    %dma_wait3A_1308 = tpu.memref_squeeze %dma_wait3A_1307 : memref<1x16x1024xf32, #tpu.memory_space<hbm>> -> memref<16x1024xf32, #tpu.memory_space<hbm>>
    %dma_wait3A_1309 = arith.constant 0 : i32
    %dma_wait3A_1310 = tpu.memref_slice %arg5[%select_n3A, %add3A_1193, %dma_wait3A_1309] : memref<4x2048x1024xf32, #tpu.memory_space<hbm>> -> memref<1x16x1024xf32, #tpu.memory_space<hbm>>
    %dma_wait3A_1311 = tpu.memref_squeeze %dma_wait3A_1310 : memref<1x16x1024xf32, #tpu.memory_space<hbm>> -> memref<16x1024xf32, #tpu.memory_space<hbm>>
    %dma_wait3A_1312 = arith.constant 0 : i32
    %dma_wait3A_1313 = arith.constant 0 : i32
    %dma_wait3A_1314 = tpu.memref_slice %arg9[%dma_wait3A_1301, %dma_wait3A_1312, %dma_wait3A_1313] : memref<6x16x1024xf32, #tpu.memory_space<vmem>> -> memref<1x16x1024xf32, #tpu.memory_space<vmem>>
    %dma_wait3A_1315 = tpu.memref_squeeze %dma_wait3A_1314 : memref<1x16x1024xf32, #tpu.memory_space<vmem>> -> memref<16x1024xf32, #tpu.memory_space<vmem>>
    tpu.wait_dma2 semaphore(%arg18 : memref<!tpu.dma_semaphore, #tpu.memory_space<semaphore_mem>>) src(%dma_wait3A_1315 : memref<16x1024xf32, #tpu.memory_space<vmem>>) dst(%dma_wait3A_1311 : memref<16x1024xf32, #tpu.memory_space<hbm>>)
    %dma_wait3A_1316 = arith.constant 3 : i32
    %dma_wait3A_1317 = arith.constant 0 : i32
    %dma_wait3A_1318 = arith.constant 0 : i32
    %dma_wait3A_1319 = tpu.memref_slice %arg9[%dma_wait3A_1316, %dma_wait3A_1317, %dma_wait3A_1318] : memref<6x16x1024xf32, #tpu.memory_space<vmem>> -> memref<1x16x1024xf32, #tpu.memory_space<vmem>>
    %dma_wait3A_1320 = tpu.memref_squeeze %dma_wait3A_1319 : memref<1x16x1024xf32, #tpu.memory_space<vmem>> -> memref<16x1024xf32, #tpu.memory_space<vmem>>
    %dma_wait3A_1321 = arith.constant 0 : i32
    %dma_wait3A_1322 = tpu.memref_slice %arg5[%select_n3A, %add3A_1225, %dma_wait3A_1321] : memref<4x2048x1024xf32, #tpu.memory_space<hbm>> -> memref<1x16x1024xf32, #tpu.memory_space<hbm>>
    %dma_wait3A_1323 = tpu.memref_squeeze %dma_wait3A_1322 : memref<1x16x1024xf32, #tpu.memory_space<hbm>> -> memref<16x1024xf32, #tpu.memory_space<hbm>>
    %dma_wait3A_1324 = arith.constant 0 : i32
    %dma_wait3A_1325 = tpu.memref_slice %arg5[%select_n3A, %add3A_1225, %dma_wait3A_1324] : memref<4x2048x1024xf32, #tpu.memory_space<hbm>> -> memref<1x16x1024xf32, #tpu.memory_space<hbm>>
    %dma_wait3A_1326 = tpu.memref_squeeze %dma_wait3A_1325 : memref<1x16x1024xf32, #tpu.memory_space<hbm>> -> memref<16x1024xf32, #tpu.memory_space<hbm>>
    %dma_wait3A_1327 = arith.constant 0 : i32
    %dma_wait3A_1328 = arith.constant 0 : i32
    %dma_wait3A_1329 = tpu.memref_slice %arg9[%dma_wait3A_1316, %dma_wait3A_1327, %dma_wait3A_1328] : memref<6x16x1024xf32, #tpu.memory_space<vmem>> -> memref<1x16x1024xf32, #tpu.memory_space<vmem>>
    %dma_wait3A_1330 = tpu.memref_squeeze %dma_wait3A_1329 : memref<1x16x1024xf32, #tpu.memory_space<vmem>> -> memref<16x1024xf32, #tpu.memory_space<vmem>>
    tpu.wait_dma2 semaphore(%arg19 : memref<!tpu.dma_semaphore, #tpu.memory_space<semaphore_mem>>) src(%dma_wait3A_1330 : memref<16x1024xf32, #tpu.memory_space<vmem>>) dst(%dma_wait3A_1326 : memref<16x1024xf32, #tpu.memory_space<hbm>>)
    return
  }
}

</mosaic_0001>

<sc_bundles>
// kernel: kernel.3.cloned.1.call-start
scs
__scs_entry_jumppad:
0x0: {  	(pc) =	sbr.rel $0x88, $3  }
0x1: {  	(tag) =	ssettag $0x0;
	lr =	simm.s32 $0x1  }
0x2: {  	[smem:$0x3F9E] =	sst lr;
	_ =	strace $0xD0000000  }
0x3: {  	_ = 	snop  }
0x4: {  	_ = 	snop  }
0x5: {  	_ = 	snop  }
0x6: {  	_ = 	snop  }
0x7: {  	_ = 	snop  }
__scs_overlays_trampoline_lowered:
0x8: {  	[smem:$0x3FAD] =	sst s0  }
0x9: {  	[smem:$0x3FAE] =	sst s1  }
0xa: {  	[smem:$0x3FAF] =	sst s2  }
0xb: {  	[smem:$0x3FB0] =	sst s3  }
0xc: {  	[smem:$0x3FB1] =	sst s4  }
0xd: {  	[smem:$0x3FB2] =	sst s5  }
0xe: {  	[smem:$0x3FB3] =	sst s6  }
0xf: {  	[smem:$0x3FB4] =	sst s7  }
0x10: {  	[smem:$0x3FB5] =	sst s8  }
0x11: {  	[smem:$0x3FB6] =	sst s9;
	s0 =	simm.s32 @!p0 $0x0  }
0x12: {  	s1 =	sld [smem:$0x3F9C];
	s0 =	simm.s32 @p0 $0x1  }
0x13: {  	[smem:$0x3FB7] =	sst s0;
	s0 =	simm.s32 @!p1 $0x0  }
0x14: {  	s2 =	sld [smem:$0x3F9B];
	s0 =	simm.s32 @p1 $0x1  }
0x15: {  	[smem:$0x3FB8] =	sst s0;
	s0 =	simm.s32 @!p2 $0x0  }
0x16: {  	s3 =	sld [smem:$0x3FDB];
	s0 =	simm.s32 @p2 $0x1  }
0x17: {  	s4 =	simm.s32 $0x1BF5;
	[smem:$0x3FBA] =	sst s0  }
0x18: {  	s0 =	sld [smem:$0x3F9D];
	_ =	swait.ge [sflag:s4], $0x0  }
0x19: {  	s7 =	sld [smem:$0x3F9E]  }
0x1a: {  	s8 =	sadd.s32 $0xFFFFE003, lr  }
0x1b: {  	s9 =	sadd.s32 $0xFFFFFEF7, lr;
	s5 =	simm.s32 $0xFFFFFFFF;
	p2 =	slt.u32 s8, $0xFFFFF086  }
0x1c: {  	p1 =	slt.u32 s9, $0xF7A;
	s5 =	simm.s32 @!p2 $0x0  }
0x1d: {  	s5 =	simm.s32 @p1 $0x1;
	p0 =	seq.s32 s7, s2  }
0x1e: {  	s7 =	smul.u32 @!p0 $0xF7A, s2;
	p2 =	seq.s32 @!p0 s5, $0x0  }
0x1f: {  	s9 =	smul.u32 $0xF7A, s1;
	s8 =	simm.s32 @!p0 $0x1BF5;
	p2 =	por !p2, p0  }
0x20: {  	[sflag:s8] =	ssyncset.s32 @!p0 $0xFFFFF086;
	s6 =	sadd.s32 @!p0 s3, s7;
	s7 =	simm.s32 @!p0 $0x108  }
0x21: {  	s3 =	sadd.s32 s3, s9;
	s6 =	sadd.s32 @!p0 $0x88, s6;
	s7 =	simm.s32 @p2 $0x1082  }
0x22: {  	[simem:s7], [sflag:s8] =	dma.local @!p0 [hbm:s6], $0xF7A  }
0x23: {  	s9 =	sor.u32 $0xD0000000, s2;
	s6 =	simm.s32 $0x108;
	_ =	swait.ge @!p0 [sflag:s8], $0x0  }
0x24: {  	s3 =	sadd.s32 $0x88, s3;
	s6 =	simm.s32 @!p1 $0x1082;
	[sflag:s4] =	ssyncset.s32 $0xFFFFF086  }
0x25: {  	[simem:s6], [sflag:s4] =	dma.local [hbm:s3], $0xF7A  }
0x26: {  	[smem:$0x3F9E] =	sst s1;
	(tag) =	ssettag s2;
	_ =	strace s9  }
0x27: {  	s1 =	sld [smem:$0x3FAE]  }
0x28: {  	s2 =	sld [smem:$0x3FAF]  }
0x29: {  	s4 =	sld [smem:$0x3FB1]  }
0x2a: {  	p0 =	seq.s32 s5, $0x0;
	s5 =	sld [smem:$0x3FB2]  }
0x2b: {  	s6 =	sld [smem:$0x3FB3]  }
0x2c: {  	s7 =	sld [smem:$0x3FB4]  }
0x2d: {  	s3 =	simm.s32 $0x108;
	s8 =	sld [smem:$0x3FB5]  }
0x2e: {  	s3 =	simm.s32 @!p0 $0x1082;
	s9 =	sld [smem:$0x3FB6]  }
0x2f: {  	lr =	sadd.s32 s0, s3;
	s0 =	sld [smem:$0x3FAD]  }
0x30: {  	s3 =	sld [smem:$0x3FB0]  }
0x31: {  	[smem:$0x3FB9] =	sst s10  }
0x32: {  	s10 =	sld [smem:$0x3FB7];
	_ =	sdelay $0x3  }
0x33: {  	p0 =	seq.s32 s10, $0x1;
	s10 =	sld [smem:$0x3FB9];
	_ =	sdelay $0x3  }
0x34: {  	[smem:$0x3FB9] =	sst s10  }
0x35: {  	s10 =	sld [smem:$0x3FB8];
	_ =	sdelay $0x3  }
0x36: {  	p1 =	seq.s32 s10, $0x1;
	s10 =	sld [smem:$0x3FB9];
	_ =	sdelay $0x3  }
0x37: {  	[smem:$0x3FB9] =	sst s10  }
0x38: {  	s10 =	sld [smem:$0x3FBA]  }
0x39: {  	_ = 	snop;
	(pc) =	sbr.ind lr, $3  }
0x3a: {  	_ = 	snop  }
0x3b: {  	_ = 	snop  }
0x3c: {  	p2 =	seq.s32 s10, $0x1;
	s10 =	sld [smem:$0x3FB9]  }
0x3d: {  	_ =	shalt  }
0x3e: {  	_ =	shalt  }
0x3f: {  	_ =	shalt  }
0x40: {  	_ =	shalt  }
0x41: {  	_ =	shalt  }
0x42: {  	_ =	shalt  }
0x43: {  	_ =	shalt  }
0x44: {  	_ =	shalt  }
0x45: {  	_ =	shalt  }
0x46: {  	_ =	shalt  }
0x47: {  	_ =	shalt  }
0x48: {  	_ =	shalt  }
0x49: {  	_ =	shalt  }
0x4a: {  	_ =	shalt  }
0x4b: {  	_ =	shalt  }
0x4c: {  	_ =	shalt  }
0x4d: {  	_ =	shalt  }
0x4e: {  	_ =	shalt  }
0x4f: {  	_ =	shalt  }
0x50: {  	_ =	shalt  }
0x51: {  	_ =	shalt  }
0x52: {  	_ =	shalt  }
0x53: {  	_ =	shalt  }
0x54: {  	_ =	shalt  }
0x55: {  	_ =	shalt  }
0x56: {  	_ =	shalt  }
0x57: {  	_ =	shalt  }
0x58: {  	_ =	shalt  }
0x59: {  	_ =	shalt  }
0x5a: {  	_ =	shalt  }
0x5b: {  	_ =	shalt  }
0x5c: {  	_ =	shalt  }
0x5d: {  	_ =	shalt  }
0x5e: {  	_ =	shalt  }
0x5f: {  	_ =	shalt  }
0x60: {  	_ =	shalt  }
0x61: {  	_ =	shalt  }
0x62: {  	_ =	shalt  }
0x63: {  	_ =	shalt  }
0x64: {  	_ =	shalt  }
0x65: {  	_ =	shalt  }
0x66: {  	_ =	shalt  }
0x67: {  	_ =	shalt  }
0x68: {  	_ =	shalt  }
0x69: {  	_ =	shalt  }
0x6a: {  	_ =	shalt  }
0x6b: {  	_ =	shalt  }
0x6c: {  	_ =	shalt  }
0x6d: {  	_ =	shalt  }
0x6e: {  	_ =	shalt  }
0x6f: {  	_ =	shalt  }
0x70: {  	_ =	shalt  }
0x71: {  	_ =	shalt  }
0x72: {  	_ =	shalt  }
0x73: {  	_ =	shalt  }
0x74: {  	_ =	shalt  }
0x75: {  	_ =	shalt  }
0x76: {  	_ =	shalt  }
0x77: {  	_ =	shalt  }
0x78: {  	_ =	shalt  }
0x79: {  	_ =	shalt  }
0x7a: {  	_ =	shalt  }
0x7b: {  	_ =	shalt  }
0x7c: {  	_ =	shalt  }
0x7d: {  	_ =	shalt  }
0x7e: {  	_ =	shalt  }
0x7f: {  	_ =	shalt  }
0x80: {  	_ =	shalt  }
0x81: {  	_ =	shalt  }
0x82: {  	_ =	shalt  }
0x83: {  	_ =	shalt  }
0x84: {  	_ =	shalt  }
0x85: {  	_ =	shalt  }
0x86: {  	_ =	shalt  }
0x87: {  	_ =	shalt  }
.Lfunc_end0:
.L_simem_size_0:
called_computation_lowered:
.L_overlay_start_0:
0x88: {  	s2 =	sld [smem:$0x3FD9]  }
0x89: {  	s3 =	sld [smem:$0x3FFE];
	_ =	sdelay $0x1  }
0x8a: {  	s1 =	srdreg.scid  }
0x8b: {  	s0 =	sand.u32 $0x1, s1  }
0x8c: {  	s17 =	sshll.u32 s0, $0xA;
	s2 =	sadd.s32 s3, s2  }
0x8d: {  	s2 =	sadd.s32 s2, s17  }
0x8e: {  	[smem:$0x3FC5] =	sst s2  }
0x8f: {  	_ = 	snop  }
0x90: {  	s2 =	sld [smem:$0x3FC9]  }
0x91: {  	s18 =	sld [smem:$0x3FC8]  }
0x92: {  	s4 =	sld [smem:$0x3FD0];
	(tm) =	ssettm $0x1  }
0x93: {  	s5 =	sld [smem:$0x3FFB];
	_ =	sdelay $0x3  }
0x94: {  	_ =	strace s5  }
0x95: {  	s5 =	sld [smem:$0x3FFC];
	_ =	sdelay $0x3  }
0x96: {  	_ =	strace s5  }
0x97: {  	s5 =	sld [smem:$0x3FFD];
	_ =	sdelay $0x3  }
0x98: {  	_ =	strace s5  }
0x99: {  	_ =	strace $0x8FFFFFFF  }
0x9a: {  	s19 =	sld [smem:$0x3FDB];
	_ =	sdelay $0x1  }
0x9b: {  	s6 =	simm.s32 $_scs_section_size  }
0x9c: {  	s7 =	simm.s32 $_size__tile_overlayer_lowered;
	s8 =	simm.s32 $_tile_overlayer_lowered  }
0x9d: {  	s22 =	simm.s32 $0x1BFF;
	s21 =	sshll.u32 s8, $0x1;
	s5 =	sadd.s32 s6, s19  }
0x9e: {  	s9 =	simm.s32 $0x0;
	s20 =	sshll.u32 s7, $0x1;
	s7 =	sadd.s32 s21, s5  }
0x9f: {  	[timem:s9], [sflag:s22] =	dma.local [hbm:s7], s20  }
0xa0: {  	_ =	swait.ge [sflag:s22], s20  }
0xa1: {  	s6 =	ssub.s32 $0x0, s20;
	[sflag:s22] =	ssyncset.done $0x0  }
0xa2: {  	[sflag:s22] =	ssyncadd.s32 s6;
	_ =	sdelay $0x1  }
0xa3: {  	s23 =	simm.s32 $0x1B8B  }
0xa4: {  	_ =	swait.ge [sflag:s23], $0x1  }
0xa5: {  	[sflag:s23] =	ssyncset.done $0x0  }
0xa6: {  	s25 =	simm.s32 $0x1B8E;
	s24 =	sld [smem:$0x3FFE];
	[sflag:s23] =	ssyncadd.s32 $0xFFFFFFFF  }
0xa7: {  	s26 =	simm.s32 $execute0_lowered;
	[smem:$0x3FD2] =	sst s25  }
0xa8: {  	s7 =	sshll.u32 s26, $0x1;
	_ =	strace $0x80000046;
	[dreg:$0x1] =	wrdreg $0xFFFFFFFF  }
0xa9: {  	s28 =	simm.s32 $_size_execute0_lowered;
	s5 =	sadd.s32 s5, s7;
	[dreg:$0x0] =	wrdreg $0x0  }
0xaa: {  	s7 =	sshll.u32 s28, $0x1;
	[dreg:$0x2] =	wrdreg s5  }
0xab: {  	[dreg:$0x3] =	wrdreg s7  }
0xac: {  	[dreg:$0x4] =	wrdreg $0xC0  }
0xad: {  	_ =	task [dreg:s9], $0x5FFFF  }
0xae: {  	[dreg:$0x1] =	wrdreg $0xFFFFFFFF  }
0xaf: {  	[dreg:$0x0] =	wrdreg $0x60  }
0xb0: {  	[dreg:$0x2] =	wrdreg s2  }
0xb1: {  	[dreg:$0x3] =	wrdreg s24  }
0xb2: {  	[dreg:$0x4] =	wrdreg s18  }
0xb3: {  	[dreg:$0x5] =	wrdreg s4  }
0xb4: {  	[dreg:$0x6] =	wrdreg $0x9  }
0xb5: {  	_ =	task.clear_ibuf [dreg:s9], $0x7FFFF;
	_ =	strace $0x90000046  }
0xb6: {  	s29 =	simm.s32 $0x9;
	_ =	strace $0x80000048  }
0xb7: {  	_ =	swait.ge [sflag:s29], $0x1  }
0xb8: {  	[sflag:s29] =	ssyncadd.s32 $0xFFFFFFFF  }
0xb9: {  	_ =	strace $0x90000048  }
0xba: {  	_ =	sfence  }
0xbb: {  	s30 =	sld [smem:$0x0];
	_ =	sdelay $0x2  }
0xbc: {  	s31 =	sshll.u32 s1, $0xD;
	s1 =	sshrl.u32 s1, $0x2  }
0xbd: {  	s3 =	sand.u32 $0x4000, s31;
	s1 =	sadd.s32 s1, s30  }
0xbe: {  	s0 =	sor.u32 s3, s0;
	s1 =	sshll.u32 s1, $0x11  }
0xbf: {  	s0 =	sor.u32 s1, s0  }
0xc0: {  	s0 =	sadd.s32 $0x8F2B, s0  }
0xc1: {  	[sflag:s0] =	ssyncadd.remote.s32 $0x1  }
0xc2: {  	_ =	sfence.sel $0xFFFF  }
0xc3: {  	[dreg:$0x0] =	wrdreg $0xFFFFFFFF;
	(pc) =	sbr.abs _section_cstart, $3  }
0xc4: {  	[dreg:$0x1] =	wrdreg $0xFFFFFFFF  }
0xc5: {  	_ =	task.clear_ibuf [dreg:s9], $0x2FFFF;
	_ =	strace $0x9FFFFFFF  }
0xc6: {  	(tm) =	ssettm $0x7FFFFFFF  }
0xc7: {  	_ =	shalt  }
tec
execute0_lowered:
.L_overlay_start_1:
0x0: {  	(tag) =	ssettag $0x1  }
0x1: {  	s0 =	rddreg [dreg:$0x0]  }
0x2: {  	s2 =	rddreg [dreg:$0x1]  }
0x3: {  	s1 =	rddreg [dreg:$0x2]  }
0x4: {  	s4 =	rddreg [dreg:$0x3];
	s3 =	simm.s32 $0x0;
	s5 =	srdreg.scid  }
0x5: {  	s12 =	stileid.u32;
	[smem:$0x7FF] =	sst s3;
	s6 =	sand.u32 $0x1, s5  }
0x6: {  	s7 =	sshll.u32 s12, $0x1;
	s2 =	sadd.s32 $0x400, s2;
	s23 =	sshrl.u32 s12, $0x2  }
0x7: {  	_ =	strace $0x80000047;
	s5 =	ssub.s32 $0x2, s6;
	[dreg:$0x5] =	wrdreg s2  }
0x8: {  	s7 =	sand.u32 $0x6, s7;
	s8 =	sshll.u32 s23, $0x4;
	s11 =	sshll.u32 s23, $0x15  }
0x9: {  	s22 =	sshrl.u32 s5, $0x1;
	s7 =	sor.u32 s6, s7;
	s0 =	sadd.s32 s0, s8  }
0xa: {  	s2 =	ssub.s32 s5, s22;
	s9 =	sshll.u32 s7, $0x12;
	s5 =	sshll.u32 s7, $0x8  }
0xb: {  	[dreg:$0x6] =	wrdreg s0;
	s24 =	sor.u32 s11, s9;
	s13 =	sor.u32 $0x80, s5  }
0xc: {  	s2 =	smax.u32 s2, $0x1;
	s0 =	sshrl.u32 s24, $0x3;
	[dreg:$0x7] =	wrdreg s13  }
0xd: {  	s29 =	simm.s32 $0x12080;
	[dreg:$0x15] =	wrdreg s2;
	s14 =	sadd.s32 s4, s0  }
0xe: {  	s30 =	simm.s32 $0x12880;
	s0 =	sadd.s32 $0x800, s14;
	[dreg:$0x8] =	wrdreg s14  }
0xf: {  	s31 =	simm.s32 $0x13080;
	s25 =	sadd.s32 $0x1000, s14;
	[dreg:$0x9] =	wrdreg s0  }
0x10: {  	s10 =	sadd.s32 $0x300, s1;
	s28 =	sadd.s32 $0x1800, s14;
	[dreg:$0xa] =	wrdreg s25  }
0x11: {  	s19 =	sshll.u32 s12, $0x5;
	s15 =	sadd.s32 $0x2000, s14;
	[dreg:$0xb] =	wrdreg s28  }
0x12: {  	s21 =	sshll.u32 s6, $0x4;
	s16 =	sadd.s32 $0x2800, s14;
	[dreg:$0xc] =	wrdreg s15  }
0x13: {  	s8 =	sadd.s32 $0x100, s1;
	s17 =	sadd.s32 $0x3000, s14;
	[dreg:$0xd] =	wrdreg s16  }
0x14: {  	p0 =	seq.s32 s7, $0x0;
	s18 =	sadd.s32 $0x3800, s14;
	[dreg:$0xe] =	wrdreg s17  }
0x15: {  	s9 =	sadd.s32 $0x200, s1;
	s20 =	sadd.s32 $0x4800, s14;
	[dreg:$0xf] =	wrdreg s18  }
0x16: {  	s26 =	sshll.u32 s13, $0xA;
	s22 =	sadd.s32 $0x5000, s14;
	[dreg:$0x11] =	wrdreg s20  }
0x17: {  	s2 =	simm.s32 $0xD080;
	s23 =	sadd.s32 $0x5800, s14;
	[dreg:$0x12] =	wrdreg s22  }
0x18: {  	s24 =	sadd.s32 $0x6000, s14;
	s0 =	sor.u32 s11, s26;
	[dreg:$0x13] =	wrdreg s23  }
0x19: {  	[dreg:$0x14] =	wrdreg s24;
	s25 =	sadd.s32 $0x6800, s14;
	s26 =	sadd.s32 $0x7000, s14  }
0x1a: {  	s28 =	sadd.s32 $0x7800, s14;
	s15 =	simm.s32 $0x1080;
	s0 =	sshrl.u32 s0, $0x3  }
.Ltmp0:
0x1b: {  	[dreg:$0x17] =	wrdreg s25;
	s0 =	sadd.s32 s4, s0;
	(pc) =	sbr.rel .LBB2_1-.Ltmp0, $4  }
0x1c: {  	s22 =	simm.s32 $0x5080;
	[dreg:$0x10] =	wrdreg s0;
	s0 =	sand.u32 $0x60, s19  }
0x1d: {  	v3 =	vlaneseq.u32;
	s18 =	simm.s32 $0x1;
	[dreg:$0x18] =	wrdreg s26;
	s0 =	sor.u32 s21, s0  }
0x1e: {  	vm0 =	vmmov $0xffff;
	v0 =	vimm.s32 $0x0;
	v2 =	vshrl.u32 v3, $0x3;
	[dreg:$0x19] =	wrdreg s28;
	s25 =	simm.s32 $0x11880;
	s0 =	smax.u32 s0, $0x1  }
0x1f: {  	v1 =	vand.u32 $0x7, v3;
	v3 =	vor.u32 $0x8, v3;
	v2 =	vmul.u32 $0x8, v2;
	s19 =	simm.s32 $0x9080;
	s21 =	simm.s32 $0x0;
	[dreg:$0x16] =	wrdreg s0  }
.LBB2_4:
0x20: {  	v6 =	vsel vm1, $0x1, v0  }
0x21: {  	v5 =	vadd.s32 v6, v5  }
.LBB2_5:
0x22: {  	v6 =	vld [tilespmem:s5+$0x0];
	_ =	sdelay $0x4  }
0x23: {  	vm1 =	vne.s32 v6, v4  }
0x24: {  	(xrf0) =	vadd.scan.msk.s32 $0xffff, v5;
	v5 =	vsel vm1, $0x1, v0  }
0x25: {  	(xrf0) =	vadd.scan.msk.s32 $0xffff, v5;
	_ =	sdelay $0x4  }
0x26: {  	v5, _, _ =	vpop (xrf0)  }
0x27: {  	(v2sf) =	vpush v5, $0xF;
	v5 =	vbroadcast v5, $0xF;
	v47, _, _ =	vpop (xrf0)  }
0x28: {  	(v2sf) =	vpush v47, $0xF  }
0x29: {  	v5 =	vadd.s32 v5, v47  }
0x2a: {  	[tilespmem:$0x880] =	vst v5  }
0x2b: {  	v48 =	vld [tilespmem:s5+$0x10];
	_ =	sdelay $0x4  }
0x2c: {  	vm1 =	vne.s32 v48, v4  }
0x2d: {  	v6 =	vsel vm1, $0x1, v0  }
0x2e: {  	(xrf0) =	vadd.scan.msk.s32 $0xffff, v6;
	_ =	sdelay $0x3  }
0x2f: {  	s6 =	spop (v2sf)  }
0x30: {  	s12 =	spop (v2sf)  }
0x31: {  	v6, _, _ =	vpop (xrf0);
	s6 =	sadd.s32 s6, s12  }
0x32: {  	(v2sf) =	vpush v6, $0xF;
	v7 =	vadd.s32 s6, v6  }
0x33: {  	[tilespmem:$0x900] =	vst v7  }
0x34: {  	v49 =	vld [tilespmem:s5+$0x20];
	_ =	sdelay $0x4  }
0x35: {  	vm1 =	vne.s32 v49, v4  }
0x36: {  	v6 =	vsel vm1, $0x1, v0  }
0x37: {  	(xrf0) =	vadd.scan.msk.s32 $0xffff, v6;
	_ =	sdelay $0x5  }
0x38: {  	s20 =	spop (v2sf);
	v6, _, _ =	vpop (xrf0)  }
0x39: {  	s6 =	sadd.s32 s6, s20;
	(v2sf) =	vpush v6, $0xF  }
0x3a: {  	v6 =	vadd.s32 s6, v6  }
0x3b: {  	[tilespmem:$0x980] =	vst v6  }
0x3c: {  	v6 =	vld [tilespmem:s5+$0x30];
	_ =	sdelay $0x4  }
0x3d: {  	vm1 =	vne.s32 v6, v4  }
0x3e: {  	v6 =	vsel vm1, $0x1, v0  }
0x3f: {  	(xrf0) =	vadd.scan.msk.s32 $0xffff, v6;
	_ =	sdelay $0x4  }
0x40: {  	s23 =	spop (v2sf)  }
0x41: {  	v6, _, _ =	vpop (xrf0);
	s6 =	sadd.s32 s6, s23  }
0x42: {  	(v2sf) =	vpush v6, $0xF;
	v50 =	vadd.s32 s6, v6  }
0x43: {  	[tilespmem:$0xA00] =	vst v50  }
0x44: {  	v51 =	vld [tilespmem:s5+$0x40];
	_ =	sdelay $0x4  }
0x45: {  	vm1 =	vne.s32 v51, v4  }
0x46: {  	v6 =	vsel vm1, $0x1, v0  }
0x47: {  	(xrf0) =	vadd.scan.msk.s32 $0xffff, v6;
	_ =	sdelay $0x5  }
0x48: {  	s24 =	spop (v2sf);
	v6, _, _ =	vpop (xrf0)  }
0x49: {  	s6 =	sadd.s32 s6, s24;
	(v2sf) =	vpush v6, $0xF  }
0x4a: {  	v6 =	vadd.s32 s6, v6  }
0x4b: {  	[tilespmem:$0xA80] =	vst v6  }
0x4c: {  	v6 =	vld [tilespmem:s5+$0x50];
	_ =	sdelay $0x4  }
0x4d: {  	vm1 =	vne.s32 v6, v4  }
0x4e: {  	v6 =	vsel vm1, $0x1, v0  }
0x4f: {  	(xrf0) =	vadd.scan.msk.s32 $0xffff, v6;
	_ =	sdelay $0x4  }
0x50: {  	s26 =	spop (v2sf)  }
0x51: {  	v6, _, _ =	vpop (xrf0);
	s6 =	sadd.s32 s6, s26  }
0x52: {  	(v2sf) =	vpush v6, $0xF;
	v52 =	vadd.s32 s6, v6  }
0x53: {  	[tilespmem:$0xB00] =	vst v52  }
0x54: {  	v53 =	vld [tilespmem:s5+$0x60];
	_ =	sdelay $0x4  }
0x55: {  	vm1 =	vne.s32 v53, v4  }
0x56: {  	v6 =	vsel vm1, $0x1, v0  }
0x57: {  	(xrf0) =	vadd.scan.msk.s32 $0xffff, v6;
	_ =	sdelay $0x5  }
0x58: {  	s28 =	spop (v2sf);
	v6, _, _ =	vpop (xrf0)  }
0x59: {  	s6 =	sadd.s32 s6, s28;
	(v2sf) =	vpush v6, $0xF  }
0x5a: {  	v6 =	vadd.s32 s6, v6  }
0x5b: {  	[tilespmem:$0xB80] =	vst v6  }
0x5c: {  	v6 =	vld [tilespmem:s5+$0x70];
	_ =	sdelay $0x4  }
0x5d: {  	vm1 =	vne.s32 v6, v4  }
0x5e: {  	v6 =	vsel vm1, $0x1, v0  }
0x5f: {  	(xrf0) =	vadd.scan.msk.s32 $0xffff, v6;
	_ =	sdelay $0x4  }
0x60: {  	s0 =	spop (v2sf)  }
0x61: {  	v6, _, _ =	vpop (xrf0);
	s6 =	sadd.s32 s6, s0  }
0x62: {  	(v2sf) =	vpush v6, $0xF;
	v54 =	vadd.s32 s6, v6  }
0x63: {  	s4 =	rddreg [dreg:$0x7];
	[tilespmem:$0xC00] =	vst v54  }
0x64: {  	v55 =	vld [tilespmem:s4+$0x0];
	_ =	sdelay $0x4  }
0x65: {  	vm1 =	vne.s32 v55, v4  }
0x66: {  	v6 =	vsel vm1, $0x1, v0  }
0x67: {  	(xrf0) =	vadd.scan.msk.s32 $0xffff, v6;
	_ =	sdelay $0x5  }
0x68: {  	s7 =	spop (v2sf);
	v6, _, _ =	vpop (xrf0)  }
0x69: {  	s6 =	sadd.s32 s6, s7;
	(v2sf) =	vpush v6, $0xF  }
0x6a: {  	v6 =	vadd.s32 s6, v6  }
0x6b: {  	[tilespmem:$0xC80] =	vst v6  }
0x6c: {  	v6 =	vld [tilespmem:s5+$0x90];
	_ =	sdelay $0x4  }
0x6d: {  	vm1 =	vne.s32 v6, v4  }
0x6e: {  	v6 =	vsel vm1, $0x1, v0  }
0x6f: {  	(xrf0) =	vadd.scan.msk.s32 $0xffff, v6;
	_ =	sdelay $0x4  }
0x70: {  	s11 =	spop (v2sf)  }
0x71: {  	v6, _, _ =	vpop (xrf0);
	s6 =	sadd.s32 s6, s11  }
0x72: {  	(v2sf) =	vpush v6, $0xF;
	v56 =	vadd.s32 s6, v6  }
0x73: {  	[tilespmem:$0xD00] =	vst v56  }
0x74: {  	v57 =	vld [tilespmem:s5+$0xA0];
	_ =	sdelay $0x4  }
0x75: {  	vm1 =	vne.s32 v57, v4  }
0x76: {  	v6 =	vsel vm1, $0x1, v0  }
0x77: {  	(xrf0) =	vadd.scan.msk.s32 $0xffff, v6;
	_ =	sdelay $0x5  }
0x78: {  	s13 =	spop (v2sf);
	v6, _, _ =	vpop (xrf0)  }
0x79: {  	s6 =	sadd.s32 s6, s13;
	(v2sf) =	vpush v6, $0xF  }
0x7a: {  	v6 =	vadd.s32 s6, v6  }
0x7b: {  	[tilespmem:$0xD80] =	vst v6  }
0x7c: {  	v6 =	vld [tilespmem:s5+$0xB0];
	_ =	sdelay $0x4  }
0x7d: {  	vm1 =	vne.s32 v6, v4  }
0x7e: {  	v6 =	vsel vm1, $0x1, v0  }
0x7f: {  	(xrf0) =	vadd.scan.msk.s32 $0xffff, v6;
	_ =	sdelay $0x4  }
0x80: {  	s14 =	spop (v2sf)  }
0x81: {  	v6, _, _ =	vpop (xrf0);
	s6 =	sadd.s32 s6, s14  }
0x82: {  	(v2sf) =	vpush v6, $0xF;
	v58 =	vadd.s32 s6, v6  }
0x83: {  	[tilespmem:$0xE00] =	vst v58  }
0x84: {  	v59 =	vld [tilespmem:s5+$0xC0];
	_ =	sdelay $0x4  }
0x85: {  	vm1 =	vne.s32 v59, v4  }
0x86: {  	v6 =	vsel vm1, $0x1, v0  }
0x87: {  	(xrf0) =	vadd.scan.msk.s32 $0xffff, v6;
	_ =	sdelay $0x5  }
0x88: {  	s16 =	spop (v2sf);
	v6, _, _ =	vpop (xrf0)  }
0x89: {  	s6 =	sadd.s32 s6, s16;
	(v2sf) =	vpush v6, $0xF  }
0x8a: {  	v6 =	vadd.s32 s6, v6  }
0x8b: {  	[tilespmem:$0xE80] =	vst v6  }
0x8c: {  	v6 =	vld [tilespmem:s5+$0xD0];
	_ =	sdelay $0x4  }
0x8d: {  	vm1 =	vne.s32 v6, v4  }
0x8e: {  	v6 =	vsel vm1, $0x1, v0  }
0x8f: {  	(xrf0) =	vadd.scan.msk.s32 $0xffff, v6;
	_ =	sdelay $0x4  }
0x90: {  	s17 =	spop (v2sf)  }
0x91: {  	v6, _, _ =	vpop (xrf0);
	s6 =	sadd.s32 s6, s17  }
0x92: {  	(v2sf) =	vpush v6, $0xF;
	v60 =	vadd.s32 s6, v6  }
0x93: {  	[tilespmem:$0xF00] =	vst v60  }
0x94: {  	v61 =	vld [tilespmem:s5+$0xE0];
	_ =	sdelay $0x4  }
0x95: {  	vm1 =	vne.s32 v61, v4  }
0x96: {  	v6 =	vsel vm1, $0x1, v0  }
0x97: {  	(xrf0) =	vadd.scan.msk.s32 $0xffff, v6;
	_ =	sdelay $0x5  }
0x98: {  	s20 =	spop (v2sf);
	v6, _, _ =	vpop (xrf0)  }
0x99: {  	s6 =	sadd.s32 s6, s20;
	(v2sf) =	vpush v6, $0xF  }
0x9a: {  	v6 =	vadd.s32 s6, v6  }
0x9b: {  	[tilespmem:$0xF80] =	vst v6  }
0x9c: {  	v6 =	vld [tilespmem:s5+$0xF0];
	_ =	sdelay $0x4  }
0x9d: {  	vm1 =	vne.s32 v6, v4  }
0x9e: {  	v62 =	vshll.u32 v5, $0x3;
	v4 =	vsel vm1, $0x1, v0  }
0x9f: {  	(xrf0) =	vadd.scan.msk.s32 $0xffff, v4;
	v4 =	vand.u32 $0x7, v5;
	v5 =	vand.u32 $0xFFFFFFC0, v62  }
0xa0: {  	v4 =	vor.u32 v4, v5  }
0xa1: {  	v5 =	vperm.xlane v4, v1;
	_ =	sdelay $0x1  }
0xa2: {  	v5 =	vadd.s32 v2, v5  }
0xa3: {  	s23 =	spop (v2sf)  }
0xa4: {  	v63, _, _ =	vpop (xrf0);
	s6 =	sadd.s32 s6, s23  }
0xa5: {  	v6 =	vadd.s32 s6, v63  }
0xa6: {  	[tilespmem:$0x1000] =	vst v6  }
0xa7: {  	[tilespmem:s15], [sflag:$0x1] =	stream.indirect_vreg.gather [hbm4b:s1+s3], $0x80, v5, vm0, $0xb8;
	[tilespmem:$0x19080] =	vst v63  }
0xa8: {  	s0 =	simm.s32 $0x1880;
	v4 =	vperm.xlane v4, v3  }
0xa9: {  	[tilespmem:s0], [sflag:$0x1] =	stream.indirect_vreg.gather [hbm4b:s8+s3], $0x80, v5, vm0, $0xb8;
	[tilespmem:$0x19080] =	vst v63  }
0xaa: {  	s24 =	simm.s32 $0x2080;
	v4 =	vadd.s32 v2, v4  }
0xab: {  	[tilespmem:s24], [sflag:$0x1] =	stream.indirect_vreg.gather [hbm4b:s9+s3], $0x80, v5, vm0, $0xb8;
	[tilespmem:$0x19080] =	vst v63  }
0xac: {  	s26 =	simm.s32 $0x2880  }
0xad: {  	[tilespmem:s26], [sflag:$0x1] =	stream.indirect_vreg.gather [hbm4b:s10+s3], $0x80, v5, vm0, $0xb8;
	[tilespmem:$0x19080] =	vst v63  }
0xae: {  	s28 =	simm.s32 $0x3080  }
0xaf: {  	[tilespmem:s28], [sflag:$0x1] =	stream.indirect_vreg.gather [hbm4b:s1+s3], $0x80, v4, vm0, $0xb8;
	[tilespmem:$0x19080] =	vst v63  }
0xb0: {  	s6 =	simm.s32 $0x3880  }
0xb1: {  	[tilespmem:s6], [sflag:$0x1] =	stream.indirect_vreg.gather [hbm4b:s8+s3], $0x80, v4, vm0, $0xb8;
	[tilespmem:$0x19080] =	vst v63  }
0xb2: {  	s7 =	simm.s32 $0x4080  }
0xb3: {  	[tilespmem:s7], [sflag:$0x1] =	stream.indirect_vreg.gather [hbm4b:s9+s3], $0x80, v4, vm0, $0xb8;
	[tilespmem:$0x19080] =	vst v63  }
0xb4: {  	s11 =	simm.s32 $0x4880  }
0xb5: {  	[tilespmem:s11], [sflag:$0x1] =	stream.indirect_vreg.gather [hbm4b:s10+s3], $0x80, v4, vm0, $0xb8;
	[tilespmem:$0x19080] =	vst v63  }
0xb6: {  	v4 =	vld [tilespmem:$0x900];
	_ =	sdelay $0x4  }
0xb7: {  	v5 =	vshll.u32 v4, $0x3  }
0xb8: {  	v4 =	vand.u32 $0x7, v4;
	v5 =	vand.u32 $0xFFFFFFC0, v5  }
0xb9: {  	v4 =	vor.u32 v4, v5  }
0xba: {  	v5 =	vperm.xlane v4, v1;
	_ =	sdelay $0x1  }
0xbb: {  	v5 =	vadd.s32 v2, v5;
	_ =	sdelay $0x4  }
0xbc: {  	[tilespmem:s22], [sflag:$0x2] =	stream.indirect_vreg.gather [hbm4b:s1+s3], $0x80, v5, vm0, $0xb8;
	[tilespmem:$0x19080] =	vst v63  }
0xbd: {  	s12 =	simm.s32 $0x5880;
	v4 =	vperm.xlane v4, v3  }
0xbe: {  	[tilespmem:s12], [sflag:$0x2] =	stream.indirect_vreg.gather [hbm4b:s8+s3], $0x80, v5, vm0, $0xb8;
	[tilespmem:$0x19080] =	vst v63  }
0xbf: {  	s13 =	simm.s32 $0x6080;
	v4 =	vadd.s32 v2, v4  }
0xc0: {  	[tilespmem:s13], [sflag:$0x2] =	stream.indirect_vreg.gather [hbm4b:s9+s3], $0x80, v5, vm0, $0xb8;
	[tilespmem:$0x19080] =	vst v63  }
0xc1: {  	s20 =	simm.s32 $0x6880  }
0xc2: {  	[tilespmem:s20], [sflag:$0x2] =	stream.indirect_vreg.gather [hbm4b:s10+s3], $0x80, v5, vm0, $0xb8;
	[tilespmem:$0x19080] =	vst v63  }
0xc3: {  	s26 =	simm.s32 $0x7080  }
0xc4: {  	[tilespmem:s26], [sflag:$0x2] =	stream.indirect_vreg.gather [hbm4b:s1+s3], $0x80, v4, vm0, $0xb8;
	[tilespmem:$0x19080] =	vst v63  }
0xc5: {  	s6 =	simm.s32 $0x7880  }
0xc6: {  	[tilespmem:s6], [sflag:$0x2] =	stream.indirect_vreg.gather [hbm4b:s8+s3], $0x80, v4, vm0, $0xb8;
	[tilespmem:$0x19080] =	vst v63  }
0xc7: {  	s7 =	simm.s32 $0x8080  }
0xc8: {  	[tilespmem:s7], [sflag:$0x2] =	stream.indirect_vreg.gather [hbm4b:s9+s3], $0x80, v4, vm0, $0xb8;
	[tilespmem:$0x19080] =	vst v63  }
0xc9: {  	s12 =	simm.s32 $0x8880  }
0xca: {  	[tilespmem:s12], [sflag:$0x2] =	stream.indirect_vreg.gather [hbm4b:s10+s3], $0x80, v4, vm0, $0xb8;
	[tilespmem:$0x19080] =	vst v63  }
0xcb: {  	v4 =	vld [tilespmem:$0x980];
	_ =	sdelay $0x4  }
0xcc: {  	v5 =	vshll.u32 v4, $0x3  }
0xcd: {  	v4 =	vand.u32 $0x7, v4;
	v5 =	vand.u32 $0xFFFFFFC0, v5  }
0xce: {  	v4 =	vor.u32 v4, v5  }
0xcf: {  	v5 =	vperm.xlane v4, v1;
	_ =	sdelay $0x1  }
0xd0: {  	v5 =	vadd.s32 v2, v5;
	_ =	sdelay $0x4  }
0xd1: {  	[tilespmem:s19], [sflag:$0x3] =	stream.indirect_vreg.gather [hbm4b:s1+s3], $0x80, v5, vm0, $0xb8;
	[tilespmem:$0x19080] =	vst v63  }
0xd2: {  	s13 =	simm.s32 $0x9880;
	v4 =	vperm.xlane v4, v3  }
0xd3: {  	[tilespmem:s13], [sflag:$0x3] =	stream.indirect_vreg.gather [hbm4b:s8+s3], $0x80, v5, vm0, $0xb8;
	[tilespmem:$0x19080] =	vst v63  }
0xd4: {  	s20 =	simm.s32 $0xA080;
	v4 =	vadd.s32 v2, v4  }
0xd5: {  	[tilespmem:s20], [sflag:$0x3] =	stream.indirect_vreg.gather [hbm4b:s9+s3], $0x80, v5, vm0, $0xb8;
	[tilespmem:$0x19080] =	vst v63  }
0xd6: {  	s6 =	simm.s32 $0xA880  }
0xd7: {  	[tilespmem:s6], [sflag:$0x3] =	stream.indirect_vreg.gather [hbm4b:s10+s3], $0x80, v5, vm0, $0xb8;
	[tilespmem:$0x19080] =	vst v63  }
0xd8: {  	s7 =	simm.s32 $0xB080  }
0xd9: {  	[tilespmem:s7], [sflag:$0x3] =	stream.indirect_vreg.gather [hbm4b:s1+s3], $0x80, v4, vm0, $0xb8;
	[tilespmem:$0x19080] =	vst v63  }
0xda: {  	s12 =	simm.s32 $0xB880  }
0xdb: {  	[tilespmem:s12], [sflag:$0x3] =	stream.indirect_vreg.gather [hbm4b:s8+s3], $0x80, v4, vm0, $0xb8;
	[tilespmem:$0x19080] =	vst v63  }
0xdc: {  	s13 =	simm.s32 $0xC080  }
0xdd: {  	[tilespmem:s13], [sflag:$0x3] =	stream.indirect_vreg.gather [hbm4b:s9+s3], $0x80, v4, vm0, $0xb8;
	[tilespmem:$0x19080] =	vst v63  }
0xde: {  	s20 =	simm.s32 $0xC880  }
0xdf: {  	[tilespmem:s20], [sflag:$0x3] =	stream.indirect_vreg.gather [hbm4b:s10+s3], $0x80, v4, vm0, $0xb8;
	[tilespmem:$0x19080] =	vst v63  }
0xe0: {  	v4 =	vld [tilespmem:$0xA00];
	_ =	sdelay $0x4  }
0xe1: {  	v5 =	vshll.u32 v4, $0x3  }
0xe2: {  	v4 =	vand.u32 $0x7, v4;
	v5 =	vand.u32 $0xFFFFFFC0, v5  }
0xe3: {  	v4 =	vor.u32 v4, v5  }
0xe4: {  	v5 =	vperm.xlane v4, v1;
	_ =	sdelay $0x1  }
0xe5: {  	v5 =	vadd.s32 v2, v5;
	_ =	sdelay $0x4  }
0xe6: {  	[tilespmem:s2], [sflag:$0x4] =	stream.indirect_vreg.gather [hbm4b:s1+s3], $0x80, v5, vm0, $0xb8;
	[tilespmem:$0x19080] =	vst v63  }
0xe7: {  	s6 =	simm.s32 $0xD880;
	v4 =	vperm.xlane v4, v3  }
0xe8: {  	[tilespmem:s6], [sflag:$0x4] =	stream.indirect_vreg.gather [hbm4b:s8+s3], $0x80, v5, vm0, $0xb8;
	[tilespmem:$0x19080] =	vst v63  }
0xe9: {  	s7 =	simm.s32 $0xE080;
	v4 =	vadd.s32 v2, v4  }
0xea: {  	[tilespmem:s7], [sflag:$0x4] =	stream.indirect_vreg.gather [hbm4b:s9+s3], $0x80, v5, vm0, $0xb8;
	[tilespmem:$0x19080] =	vst v63  }
0xeb: {  	s12 =	simm.s32 $0xE880  }
0xec: {  	[tilespmem:s12], [sflag:$0x4] =	stream.indirect_vreg.gather [hbm4b:s10+s3], $0x80, v5, vm0, $0xb8;
	[tilespmem:$0x19080] =	vst v63  }
0xed: {  	s13 =	simm.s32 $0xF080  }
0xee: {  	[tilespmem:s13], [sflag:$0x4] =	stream.indirect_vreg.gather [hbm4b:s1+s3], $0x80, v4, vm0, $0xb8;
	[tilespmem:$0x19080] =	vst v63  }
0xef: {  	s20 =	simm.s32 $0xF880  }
0xf0: {  	[tilespmem:s20], [sflag:$0x4] =	stream.indirect_vreg.gather [hbm4b:s8+s3], $0x80, v4, vm0, $0xb8;
	[tilespmem:$0x19080] =	vst v63  }
0xf1: {  	s6 =	simm.s32 $0x10080  }
0xf2: {  	[tilespmem:s6], [sflag:$0x4] =	stream.indirect_vreg.gather [hbm4b:s9+s3], $0x80, v4, vm0, $0xb8;
	[tilespmem:$0x19080] =	vst v63  }
0xf3: {  	s7 =	simm.s32 $0x10880  }
0xf4: {  	[tilespmem:s7], [sflag:$0x4] =	stream.indirect_vreg.gather [hbm4b:s10+s3], $0x80, v4, vm0, $0xb8;
	[tilespmem:$0x19080] =	vst v63  }
0xf5: {  	v4 =	vld [tilespmem:$0xA80];
	_ =	sdelay $0x4  }
0xf6: {  	v5 =	vshll.u32 v4, $0x3  }
0xf7: {  	v4 =	vand.u32 $0x7, v4;
	v5 =	vand.u32 $0xFFFFFFC0, v5  }
0xf8: {  	v4 =	vor.u32 v4, v5  }
0xf9: {  	v5 =	vperm.xlane v4, v1;
	_ =	sdelay $0x1  }
0xfa: {  	v5 =	vadd.s32 v2, v5;
	_ =	sdelay $0x3  }
0xfb: {  	s12 =	simm.s32 $0x11080  }
0xfc: {  	[tilespmem:s12], [sflag:$0x5] =	stream.indirect_vreg.gather [hbm4b:s1+s3], $0x80, v5, vm0, $0xb8;
	[tilespmem:$0x19080] =	vst v63  }
0xfd: {  	v4 =	vperm.xlane v4, v3  }
0xfe: {  	[tilespmem:s25], [sflag:$0x5] =	stream.indirect_vreg.gather [hbm4b:s8+s3], $0x80, v5, vm0, $0xb8;
	[tilespmem:$0x19080] =	vst v63  }
0xff: {  	v4 =	vadd.s32 v2, v4  }
0x100: {  	[tilespmem:s29], [sflag:$0x5] =	stream.indirect_vreg.gather [hbm4b:s9+s3], $0x80, v5, vm0, $0xb8;
	[tilespmem:$0x19080] =	vst v63  }
0x101: {  	_ = 	snop  }
0x102: {  	[tilespmem:s30], [sflag:$0x5] =	stream.indirect_vreg.gather [hbm4b:s10+s3], $0x80, v5, vm0, $0xb8;
	[tilespmem:$0x19080] =	vst v63  }
0x103: {  	_ = 	snop  }
0x104: {  	[tilespmem:s31], [sflag:$0x5] =	stream.indirect_vreg.gather [hbm4b:s1+s3], $0x80, v4, vm0, $0xb8;
	[tilespmem:$0x19080] =	vst v63  }
0x105: {  	s20 =	simm.s32 $0x13880  }
0x106: {  	[tilespmem:s20], [sflag:$0x5] =	stream.indirect_vreg.gather [hbm4b:s8+s3], $0x80, v4, vm0, $0xb8;
	[tilespmem:$0x19080] =	vst v63  }
0x107: {  	s12 =	simm.s32 $0x14080  }
0x108: {  	[tilespmem:s12], [sflag:$0x5] =	stream.indirect_vreg.gather [hbm4b:s9+s3], $0x80, v4, vm0, $0xb8;
	[tilespmem:$0x19080] =	vst v63  }
0x109: {  	s7 =	simm.s32 $0x14880  }
0x10a: {  	[tilespmem:s7], [sflag:$0x5] =	stream.indirect_vreg.gather [hbm4b:s10+s3], $0x80, v4, vm0, $0xb8;
	[tilespmem:$0x19080] =	vst v63  }
0x10b: {  	v4 =	vld [tilespmem:$0xB00];
	_ =	sdelay $0x4  }
0x10c: {  	v5 =	vshll.u32 v4, $0x3  }
0x10d: {  	v4 =	vand.u32 $0x7, v4;
	v5 =	vand.u32 $0xFFFFFFC0, v5  }
0x10e: {  	v4 =	vor.u32 v4, v5  }
0x10f: {  	v5 =	vperm.xlane v4, v1;
	_ =	sdelay $0x1  }
0x110: {  	v5 =	vadd.s32 v2, v5;
	_ =	sdelay $0x3  }
0x111: {  	s13 =	simm.s32 $0x15080  }
0x112: {  	[tilespmem:s13], [sflag:$0x6] =	stream.indirect_vreg.gather [hbm4b:s1+s3], $0x80, v5, vm0, $0xb8;
	[tilespmem:$0x19080] =	vst v63  }
0x113: {  	s6 =	simm.s32 $0x15880;
	v4 =	vperm.xlane v4, v3  }
0x114: {  	[tilespmem:s6], [sflag:$0x6] =	stream.indirect_vreg.gather [hbm4b:s8+s3], $0x80, v5, vm0, $0xb8;
	[tilespmem:$0x19080] =	vst v63  }
0x115: {  	v4 =	vadd.s32 v2, v4;
	s13 =	simm.s32 $0x16080  }
0x116: {  	[tilespmem:s13], [sflag:$0x6] =	stream.indirect_vreg.gather [hbm4b:s9+s3], $0x80, v5, vm0, $0xb8;
	[tilespmem:$0x19080] =	vst v63  }
0x117: {  	s6 =	simm.s32 $0x16880  }
0x118: {  	[tilespmem:s6], [sflag:$0x6] =	stream.indirect_vreg.gather [hbm4b:s10+s3], $0x80, v5, vm0, $0xb8;
	[tilespmem:$0x19080] =	vst v63  }
0x119: {  	s13 =	simm.s32 $0x17080  }
0x11a: {  	[tilespmem:s13], [sflag:$0x6] =	stream.indirect_vreg.gather [hbm4b:s1+s3], $0x80, v4, vm0, $0xb8;
	[tilespmem:$0x19080] =	vst v63  }
0x11b: {  	s13 =	simm.s32 $0x17880  }
0x11c: {  	[tilespmem:s13], [sflag:$0x6] =	stream.indirect_vreg.gather [hbm4b:s8+s3], $0x80, v4, vm0, $0xb8;
	[tilespmem:$0x19080] =	vst v63  }
0x11d: {  	s6 =	simm.s32 $0x18080  }
0x11e: {  	[tilespmem:s6], [sflag:$0x6] =	stream.indirect_vreg.gather [hbm4b:s9+s3], $0x80, v4, vm0, $0xb8;
	[tilespmem:$0x19080] =	vst v63  }
0x11f: {  	s6 =	simm.s32 $0x18880  }
0x120: {  	[tilespmem:s6], [sflag:$0x6] =	stream.indirect_vreg.gather [hbm4b:s10+s3], $0x80, v4, vm0, $0xb8;
	[tilespmem:$0x19080] =	vst v63  }
0x121: {  	_ =	swait.ge [sflag:s18], $0x4000  }
0x122: {  	[sflag:s18] =	ssyncset.done $0x0  }
0x123: {  	s0 =	rddreg [dreg:$0x8];
	[sflag:s18] =	ssyncadd.s32 $0xFFFFC000  }
0x124: {  	[hbm4b:s0+s3] =	stream.linear.scatter [tilespmem:s15], [sflag:$0x7], $0x4000, $0x38;
	[tilespmem:$0x19080] =	vst v63  }
0x125: {  	s0 =	simm.s32 $0x7  }
0x126: {  	_ =	swait.ge [sflag:s0], $0x4000  }
0x127: {  	[sflag:s0] =	ssyncset.done $0x0  }
0x128: {  	[sflag:s0] =	ssyncadd.s32 $0xFFFFC000  }
0x129: {  	v4 =	vld [tilespmem:$0xB80];
	_ =	sdelay $0x4  }
0x12a: {  	v5 =	vshll.u32 v4, $0x3  }
0x12b: {  	v4 =	vand.u32 $0x7, v4;
	v5 =	vand.u32 $0xFFFFFFC0, v5  }
0x12c: {  	v4 =	vor.u32 v4, v5  }
0x12d: {  	v5 =	vperm.xlane v4, v1;
	_ =	sdelay $0x1  }
0x12e: {  	v5 =	vadd.s32 v2, v5;
	_ =	sdelay $0x4  }
0x12f: {  	[tilespmem:s15], [sflag:$0x1] =	stream.indirect_vreg.gather [hbm4b:s1+s3], $0x80, v5, vm0, $0xb8;
	[tilespmem:$0x19080] =	vst v63  }
0x130: {  	s4 =	simm.s32 $0x1880;
	v4 =	vperm.xlane v4, v3  }
0x131: {  	[tilespmem:s4], [sflag:$0x1] =	stream.indirect_vreg.gather [hbm4b:s8+s3], $0x80, v5, vm0, $0xb8;
	[tilespmem:$0x19080] =	vst v63  }
0x132: {  	s23 =	simm.s32 $0x2080;
	v4 =	vadd.s32 v2, v4  }
0x133: {  	[tilespmem:s23], [sflag:$0x1] =	stream.indirect_vreg.gather [hbm4b:s9+s3], $0x80, v5, vm0, $0xb8;
	[tilespmem:$0x19080] =	vst v63  }
0x134: {  	s24 =	simm.s32 $0x2880  }
0x135: {  	[tilespmem:s24], [sflag:$0x1] =	stream.indirect_vreg.gather [hbm4b:s10+s3], $0x80, v5, vm0, $0xb8;
	[tilespmem:$0x19080] =	vst v63  }
0x136: {  	s14 =	simm.s32 $0x3080  }
0x137: {  	[tilespmem:s14], [sflag:$0x1] =	stream.indirect_vreg.gather [hbm4b:s1+s3], $0x80, v4, vm0, $0xb8;
	[tilespmem:$0x19080] =	vst v63  }
0x138: {  	s16 =	simm.s32 $0x3880  }
0x139: {  	[tilespmem:s16], [sflag:$0x1] =	stream.indirect_vreg.gather [hbm4b:s8+s3], $0x80, v4, vm0, $0xb8;
	[tilespmem:$0x19080] =	vst v63  }
0x13a: {  	s17 =	simm.s32 $0x4080  }
0x13b: {  	[tilespmem:s17], [sflag:$0x1] =	stream.indirect_vreg.gather [hbm4b:s9+s3], $0x80, v4, vm0, $0xb8;
	[tilespmem:$0x19080] =	vst v63  }
0x13c: {  	s11 =	simm.s32 $0x4880;
	s4 =	simm.s32 $0x2  }
0x13d: {  	[tilespmem:s11], [sflag:$0x1] =	stream.indirect_vreg.gather [hbm4b:s10+s3], $0x80, v4, vm0, $0xb8;
	[tilespmem:$0x19080] =	vst v63  }
0x13e: {  	_ =	swait.ge [sflag:s4], $0x4000  }
0x13f: {  	[sflag:s4] =	ssyncset.done $0x0  }
0x140: {  	s11 =	rddreg [dreg:$0x9];
	[sflag:s4] =	ssyncadd.s32 $0xFFFFC000  }
0x141: {  	[hbm4b:s11+s3] =	stream.linear.scatter [tilespmem:s22], [sflag:$0x8], $0x4000, $0x38;
	[tilespmem:$0x19080] =	vst v63  }
0x142: {  	s11 =	simm.s32 $0x8  }
0x143: {  	_ =	swait.ge [sflag:s11], $0x4000  }
0x144: {  	[sflag:s11] =	ssyncset.done $0x0  }
0x145: {  	[sflag:s11] =	ssyncadd.s32 $0xFFFFC000  }
0x146: {  	v4 =	vld [tilespmem:$0xC00];
	_ =	sdelay $0x4  }
0x147: {  	v5 =	vshll.u32 v4, $0x3  }
0x148: {  	v4 =	vand.u32 $0x7, v4;
	v5 =	vand.u32 $0xFFFFFFC0, v5  }
0x149: {  	v4 =	vor.u32 v4, v5  }
0x14a: {  	v5 =	vperm.xlane v4, v1;
	_ =	sdelay $0x1  }
0x14b: {  	v5 =	vadd.s32 v2, v5;
	_ =	sdelay $0x4  }
0x14c: {  	[tilespmem:s22], [sflag:$0x2] =	stream.indirect_vreg.gather [hbm4b:s1+s3], $0x80, v5, vm0, $0xb8;
	[tilespmem:$0x19080] =	vst v63  }
0x14d: {  	s28 =	simm.s32 $0x5880;
	v4 =	vperm.xlane v4, v3  }
0x14e: {  	[tilespmem:s28], [sflag:$0x2] =	stream.indirect_vreg.gather [hbm4b:s8+s3], $0x80, v5, vm0, $0xb8;
	[tilespmem:$0x19080] =	vst v63  }
0x14f: {  	s14 =	simm.s32 $0x6080;
	v4 =	vadd.s32 v2, v4  }
0x150: {  	[tilespmem:s14], [sflag:$0x2] =	stream.indirect_vreg.gather [hbm4b:s9+s3], $0x80, v5, vm0, $0xb8;
	[tilespmem:$0x19080] =	vst v63  }
0x151: {  	s16 =	simm.s32 $0x6880  }
0x152: {  	[tilespmem:s16], [sflag:$0x2] =	stream.indirect_vreg.gather [hbm4b:s10+s3], $0x80, v5, vm0, $0xb8;
	[tilespmem:$0x19080] =	vst v63  }
0x153: {  	s17 =	simm.s32 $0x7080  }
0x154: {  	[tilespmem:s17], [sflag:$0x2] =	stream.indirect_vreg.gather [hbm4b:s1+s3], $0x80, v4, vm0, $0xb8;
	[tilespmem:$0x19080] =	vst v63  }
0x155: {  	s23 =	simm.s32 $0x7880  }
0x156: {  	[tilespmem:s23], [sflag:$0x2] =	stream.indirect_vreg.gather [hbm4b:s8+s3], $0x80, v4, vm0, $0xb8;
	[tilespmem:$0x19080] =	vst v63  }
0x157: {  	s24 =	simm.s32 $0x8080  }
0x158: {  	[tilespmem:s24], [sflag:$0x2] =	stream.indirect_vreg.gather [hbm4b:s9+s3], $0x80, v4, vm0, $0xb8;
	[tilespmem:$0x19080] =	vst v63  }
0x159: {  	s26 =	simm.s32 $0x8880;
	s14 =	simm.s32 $0x3  }
0x15a: {  	[tilespmem:s26], [sflag:$0x2] =	stream.indirect_vreg.gather [hbm4b:s10+s3], $0x80, v4, vm0, $0xb8;
	[tilespmem:$0x19080] =	vst v63  }
0x15b: {  	_ =	swait.ge [sflag:s14], $0x4000  }
0x15c: {  	[sflag:s14] =	ssyncset.done $0x0  }
0x15d: {  	s16 =	simm.s32 $0x9;
	s26 =	rddreg [dreg:$0xa];
	[sflag:s14] =	ssyncadd.s32 $0xFFFFC000  }
0x15e: {  	[hbm4b:s26+s3] =	stream.linear.scatter [tilespmem:s19], [sflag:$0x9], $0x4000, $0x38;
	[tilespmem:$0x19080] =	vst v63  }
0x15f: {  	_ =	swait.ge [sflag:s16], $0x4000  }
0x160: {  	[sflag:s16] =	ssyncset.done $0x0  }
0x161: {  	[sflag:s16] =	ssyncadd.s32 $0xFFFFC000  }
0x162: {  	v4 =	vld [tilespmem:$0xC80];
	_ =	sdelay $0x4  }
0x163: {  	v5 =	vshll.u32 v4, $0x3  }
0x164: {  	v4 =	vand.u32 $0x7, v4;
	v5 =	vand.u32 $0xFFFFFFC0, v5  }
0x165: {  	v4 =	vor.u32 v4, v5  }
0x166: {  	v5 =	vperm.xlane v4, v1;
	_ =	sdelay $0x1  }
0x167: {  	v5 =	vadd.s32 v2, v5;
	_ =	sdelay $0x4  }
0x168: {  	[tilespmem:s19], [sflag:$0x3] =	stream.indirect_vreg.gather [hbm4b:s1+s3], $0x80, v5, vm0, $0xb8;
	[tilespmem:$0x19080] =	vst v63  }
0x169: {  	s28 =	simm.s32 $0x9880;
	v4 =	vperm.xlane v4, v3  }
0x16a: {  	[tilespmem:s28], [sflag:$0x3] =	stream.indirect_vreg.gather [hbm4b:s8+s3], $0x80, v5, vm0, $0xb8;
	[tilespmem:$0x19080] =	vst v63  }
0x16b: {  	s17 =	simm.s32 $0xA080;
	v4 =	vadd.s32 v2, v4  }
0x16c: {  	[tilespmem:s17], [sflag:$0x3] =	stream.indirect_vreg.gather [hbm4b:s9+s3], $0x80, v5, vm0, $0xb8;
	[tilespmem:$0x19080] =	vst v63  }
0x16d: {  	s23 =	simm.s32 $0xA880  }
0x16e: {  	[tilespmem:s23], [sflag:$0x3] =	stream.indirect_vreg.gather [hbm4b:s10+s3], $0x80, v5, vm0, $0xb8;
	[tilespmem:$0x19080] =	vst v63  }
0x16f: {  	s24 =	simm.s32 $0xB080  }
0x170: {  	[tilespmem:s24], [sflag:$0x3] =	stream.indirect_vreg.gather [hbm4b:s1+s3], $0x80, v4, vm0, $0xb8;
	[tilespmem:$0x19080] =	vst v63  }
0x171: {  	s26 =	simm.s32 $0xB880  }
0x172: {  	[tilespmem:s26], [sflag:$0x3] =	stream.indirect_vreg.gather [hbm4b:s8+s3], $0x80, v4, vm0, $0xb8;
	[tilespmem:$0x19080] =	vst v63  }
0x173: {  	s28 =	simm.s32 $0xC080  }
0x174: {  	[tilespmem:s28], [sflag:$0x3] =	stream.indirect_vreg.gather [hbm4b:s9+s3], $0x80, v4, vm0, $0xb8;
	[tilespmem:$0x19080] =	vst v63  }
0x175: {  	s17 =	simm.s32 $0xC880  }
0x176: {  	[tilespmem:s17], [sflag:$0x3] =	stream.indirect_vreg.gather [hbm4b:s10+s3], $0x80, v4, vm0, $0xb8;
	[tilespmem:$0x19080] =	vst v63  }
0x177: {  	s17 =	simm.s32 $0x4  }
0x178: {  	_ =	swait.ge [sflag:s17], $0x4000  }
0x179: {  	[sflag:s17] =	ssyncset.done $0x0  }
0x17a: {  	s23 =	rddreg [dreg:$0xb];
	[sflag:s17] =	ssyncadd.s32 $0xFFFFC000  }
0x17b: {  	[hbm4b:s23+s3] =	stream.linear.scatter [tilespmem:s2], [sflag:$0xA], $0x4000, $0x38;
	[tilespmem:$0x19080] =	vst v63  }
0x17c: {  	s23 =	simm.s32 $0xA  }
0x17d: {  	_ =	swait.ge [sflag:s23], $0x4000  }
0x17e: {  	[sflag:s23] =	ssyncset.done $0x0  }
0x17f: {  	[sflag:s23] =	ssyncadd.s32 $0xFFFFC000  }
0x180: {  	v4 =	vld [tilespmem:$0xD00];
	_ =	sdelay $0x4  }
0x181: {  	v5 =	vshll.u32 v4, $0x3  }
0x182: {  	v4 =	vand.u32 $0x7, v4;
	v5 =	vand.u32 $0xFFFFFFC0, v5  }
0x183: {  	v4 =	vor.u32 v4, v5  }
0x184: {  	v5 =	vperm.xlane v4, v1;
	_ =	sdelay $0x1  }
0x185: {  	v5 =	vadd.s32 v2, v5;
	_ =	sdelay $0x4  }
0x186: {  	[tilespmem:s2], [sflag:$0x4] =	stream.indirect_vreg.gather [hbm4b:s1+s3], $0x80, v5, vm0, $0xb8;
	[tilespmem:$0x19080] =	vst v63  }
0x187: {  	s24 =	simm.s32 $0xD880;
	v4 =	vperm.xlane v4, v3  }
0x188: {  	[tilespmem:s24], [sflag:$0x4] =	stream.indirect_vreg.gather [hbm4b:s8+s3], $0x80, v5, vm0, $0xb8;
	[tilespmem:$0x19080] =	vst v63  }
0x189: {  	s26 =	simm.s32 $0xE080;
	v4 =	vadd.s32 v2, v4  }
0x18a: {  	[tilespmem:s26], [sflag:$0x4] =	stream.indirect_vreg.gather [hbm4b:s9+s3], $0x80, v5, vm0, $0xb8;
	[tilespmem:$0x19080] =	vst v63  }
0x18b: {  	s28 =	simm.s32 $0xE880  }
0x18c: {  	[tilespmem:s28], [sflag:$0x4] =	stream.indirect_vreg.gather [hbm4b:s10+s3], $0x80, v5, vm0, $0xb8;
	[tilespmem:$0x19080] =	vst v63  }
0x18d: {  	s24 =	simm.s32 $0xF080  }
0x18e: {  	[tilespmem:s24], [sflag:$0x4] =	stream.indirect_vreg.gather [hbm4b:s1+s3], $0x80, v4, vm0, $0xb8;
	[tilespmem:$0x19080] =	vst v63  }
0x18f: {  	s26 =	simm.s32 $0xF880  }
0x190: {  	[tilespmem:s26], [sflag:$0x4] =	stream.indirect_vreg.gather [hbm4b:s8+s3], $0x80, v4, vm0, $0xb8;
	[tilespmem:$0x19080] =	vst v63  }
0x191: {  	s28 =	simm.s32 $0x10080  }
0x192: {  	[tilespmem:s28], [sflag:$0x4] =	stream.indirect_vreg.gather [hbm4b:s9+s3], $0x80, v4, vm0, $0xb8;
	[tilespmem:$0x19080] =	vst v63  }
0x193: {  	s24 =	simm.s32 $0x10880  }
0x194: {  	[tilespmem:s24], [sflag:$0x4] =	stream.indirect_vreg.gather [hbm4b:s10+s3], $0x80, v4, vm0, $0xb8;
	[tilespmem:$0x19080] =	vst v63  }
0x195: {  	s24 =	simm.s32 $0x5  }
0x196: {  	_ =	swait.ge [sflag:s24], $0x4000  }
0x197: {  	[sflag:s24] =	ssyncset.done $0x0  }
0x198: {  	s28 =	simm.s32 $0x11080;
	s26 =	rddreg [dreg:$0xc];
	[sflag:s24] =	ssyncadd.s32 $0xFFFFC000  }
0x199: {  	[hbm4b:s26+s3] =	stream.linear.scatter [tilespmem:s28], [sflag:$0xB], $0x4000, $0x38;
	[tilespmem:$0x19080] =	vst v63  }
0x19a: {  	s26 =	simm.s32 $0xB  }
0x19b: {  	_ =	swait.ge [sflag:s26], $0x4000  }
0x19c: {  	[sflag:s26] =	ssyncset.done $0x0  }
0x19d: {  	[sflag:s26] =	ssyncadd.s32 $0xFFFFC000  }
0x19e: {  	v4 =	vld [tilespmem:$0xD80];
	_ =	sdelay $0x4  }
0x19f: {  	v5 =	vshll.u32 v4, $0x3  }
0x1a0: {  	v4 =	vand.u32 $0x7, v4;
	v5 =	vand.u32 $0xFFFFFFC0, v5  }
0x1a1: {  	v4 =	vor.u32 v4, v5  }
0x1a2: {  	v5 =	vperm.xlane v4, v1;
	_ =	sdelay $0x1  }
0x1a3: {  	v5 =	vadd.s32 v2, v5;
	_ =	sdelay $0x4  }
0x1a4: {  	[tilespmem:s28], [sflag:$0x5] =	stream.indirect_vreg.gather [hbm4b:s1+s3], $0x80, v5, vm0, $0xb8;
	[tilespmem:$0x19080] =	vst v63  }
0x1a5: {  	v4 =	vperm.xlane v4, v3  }
0x1a6: {  	[tilespmem:s25], [sflag:$0x5] =	stream.indirect_vreg.gather [hbm4b:s8+s3], $0x80, v5, vm0, $0xb8;
	[tilespmem:$0x19080] =	vst v63  }
0x1a7: {  	v4 =	vadd.s32 v2, v4  }
0x1a8: {  	[tilespmem:s29], [sflag:$0x5] =	stream.indirect_vreg.gather [hbm4b:s9+s3], $0x80, v5, vm0, $0xb8;
	[tilespmem:$0x19080] =	vst v63  }
0x1a9: {  	_ = 	snop  }
0x1aa: {  	[tilespmem:s30], [sflag:$0x5] =	stream.indirect_vreg.gather [hbm4b:s10+s3], $0x80, v5, vm0, $0xb8;
	[tilespmem:$0x19080] =	vst v63  }
0x1ab: {  	_ = 	snop  }
0x1ac: {  	[tilespmem:s31], [sflag:$0x5] =	stream.indirect_vreg.gather [hbm4b:s1+s3], $0x80, v4, vm0, $0xb8;
	[tilespmem:$0x19080] =	vst v63  }
0x1ad: {  	_ = 	snop  }
0x1ae: {  	[tilespmem:s20], [sflag:$0x5] =	stream.indirect_vreg.gather [hbm4b:s8+s3], $0x80, v4, vm0, $0xb8;
	[tilespmem:$0x19080] =	vst v63  }
0x1af: {  	_ = 	snop  }
0x1b0: {  	[tilespmem:s12], [sflag:$0x5] =	stream.indirect_vreg.gather [hbm4b:s9+s3], $0x80, v4, vm0, $0xb8;
	[tilespmem:$0x19080] =	vst v63  }
0x1b1: {  	_ = 	snop  }
0x1b2: {  	[tilespmem:s7], [sflag:$0x5] =	stream.indirect_vreg.gather [hbm4b:s10+s3], $0x80, v4, vm0, $0xb8;
	[tilespmem:$0x19080] =	vst v63  }
0x1b3: {  	s7 =	simm.s32 $0x6  }
0x1b4: {  	_ =	swait.ge [sflag:s7], $0x4000  }
0x1b5: {  	[sflag:s7] =	ssyncset.done $0x0  }
0x1b6: {  	s12 =	simm.s32 $0x15080;
	s20 =	rddreg [dreg:$0xd];
	[sflag:s7] =	ssyncadd.s32 $0xFFFFC000  }
0x1b7: {  	[hbm4b:s20+s3] =	stream.linear.scatter [tilespmem:s12], [sflag:$0xC], $0x4000, $0x38;
	[tilespmem:$0x19080] =	vst v63  }
0x1b8: {  	s20 =	simm.s32 $0xC  }
0x1b9: {  	_ =	swait.ge [sflag:s20], $0x4000  }
0x1ba: {  	[sflag:s20] =	ssyncset.done $0x0  }
0x1bb: {  	[sflag:s20] =	ssyncadd.s32 $0xFFFFC000  }
0x1bc: {  	v4 =	vld [tilespmem:$0xE00];
	_ =	sdelay $0x4  }
0x1bd: {  	v5 =	vshll.u32 v4, $0x3  }
0x1be: {  	v4 =	vand.u32 $0x7, v4;
	v5 =	vand.u32 $0xFFFFFFC0, v5  }
0x1bf: {  	v4 =	vor.u32 v4, v5  }
0x1c0: {  	v5 =	vperm.xlane v4, v1;
	_ =	sdelay $0x1  }
0x1c1: {  	v5 =	vadd.s32 v2, v5;
	_ =	sdelay $0x4  }
0x1c2: {  	[tilespmem:s12], [sflag:$0x6] =	stream.indirect_vreg.gather [hbm4b:s1+s3], $0x80, v5, vm0, $0xb8;
	[tilespmem:$0x19080] =	vst v63  }
0x1c3: {  	s6 =	simm.s32 $0x15880;
	v4 =	vperm.xlane v4, v3  }
0x1c4: {  	[tilespmem:s6], [sflag:$0x6] =	stream.indirect_vreg.gather [hbm4b:s8+s3], $0x80, v5, vm0, $0xb8;
	[tilespmem:$0x19080] =	vst v63  }
0x1c5: {  	v4 =	vadd.s32 v2, v4;
	s6 =	simm.s32 $0x16080  }
0x1c6: {  	[tilespmem:s6], [sflag:$0x6] =	stream.indirect_vreg.gather [hbm4b:s9+s3], $0x80, v5, vm0, $0xb8;
	[tilespmem:$0x19080] =	vst v63  }
0x1c7: {  	s6 =	simm.s32 $0x16880  }
0x1c8: {  	[tilespmem:s6], [sflag:$0x6] =	stream.indirect_vreg.gather [hbm4b:s10+s3], $0x80, v5, vm0, $0xb8;
	[tilespmem:$0x19080] =	vst v63  }
0x1c9: {  	s6 =	simm.s32 $0x17080  }
0x1ca: {  	[tilespmem:s6], [sflag:$0x6] =	stream.indirect_vreg.gather [hbm4b:s1+s3], $0x80, v4, vm0, $0xb8;
	[tilespmem:$0x19080] =	vst v63  }
0x1cb: {  	_ = 	snop  }
0x1cc: {  	[tilespmem:s13], [sflag:$0x6] =	stream.indirect_vreg.gather [hbm4b:s8+s3], $0x80, v4, vm0, $0xb8;
	[tilespmem:$0x19080] =	vst v63  }
0x1cd: {  	s13 =	simm.s32 $0x18080  }
0x1ce: {  	[tilespmem:s13], [sflag:$0x6] =	stream.indirect_vreg.gather [hbm4b:s9+s3], $0x80, v4, vm0, $0xb8;
	[tilespmem:$0x19080] =	vst v63  }
0x1cf: {  	s13 =	simm.s32 $0x18880  }
0x1d0: {  	[tilespmem:s13], [sflag:$0x6] =	stream.indirect_vreg.gather [hbm4b:s10+s3], $0x80, v4, vm0, $0xb8;
	[tilespmem:$0x19080] =	vst v63  }
0x1d1: {  	_ =	swait.ge [sflag:s18], $0x4000  }
0x1d2: {  	[sflag:s18] =	ssyncset.done $0x0  }
0x1d3: {  	s13 =	rddreg [dreg:$0xe];
	[sflag:s18] =	ssyncadd.s32 $0xFFFFC000  }
0x1d4: {  	[hbm4b:s13+s3] =	stream.linear.scatter [tilespmem:s15], [sflag:$0x7], $0x4000, $0x38;
	[tilespmem:$0x19080] =	vst v63  }
0x1d5: {  	_ =	swait.ge [sflag:s0], $0x4000  }
0x1d6: {  	[sflag:s0] =	ssyncset.done $0x0  }
0x1d7: {  	[sflag:s0] =	ssyncadd.s32 $0xFFFFC000  }
0x1d8: {  	v4 =	vld [tilespmem:$0xE80];
	_ =	sdelay $0x4  }
0x1d9: {  	v5 =	vshll.u32 v4, $0x3  }
0x1da: {  	v4 =	vand.u32 $0x7, v4;
	v5 =	vand.u32 $0xFFFFFFC0, v5  }
0x1db: {  	v4 =	vor.u32 v4, v5  }
0x1dc: {  	v5 =	vperm.xlane v4, v1;
	_ =	sdelay $0x1  }
0x1dd: {  	v5 =	vadd.s32 v2, v5;
	_ =	sdelay $0x4  }
0x1de: {  	[tilespmem:s15], [sflag:$0x1] =	stream.indirect_vreg.gather [hbm4b:s1+s3], $0x80, v5, vm0, $0xb8;
	[tilespmem:$0x19080] =	vst v63  }
0x1df: {  	s13 =	simm.s32 $0x1880;
	v4 =	vperm.xlane v4, v3  }
0x1e0: {  	[tilespmem:s13], [sflag:$0x1] =	stream.indirect_vreg.gather [hbm4b:s8+s3], $0x80, v5, vm0, $0xb8;
	[tilespmem:$0x19080] =	vst v63  }
0x1e1: {  	v4 =	vadd.s32 v2, v4;
	s13 =	simm.s32 $0x2080  }
0x1e2: {  	[tilespmem:s13], [sflag:$0x1] =	stream.indirect_vreg.gather [hbm4b:s9+s3], $0x80, v5, vm0, $0xb8;
	[tilespmem:$0x19080] =	vst v63  }
0x1e3: {  	s13 =	simm.s32 $0x2880  }
0x1e4: {  	[tilespmem:s13], [sflag:$0x1] =	stream.indirect_vreg.gather [hbm4b:s10+s3], $0x80, v5, vm0, $0xb8;
	[tilespmem:$0x19080] =	vst v63  }
0x1e5: {  	s13 =	simm.s32 $0x3080  }
0x1e6: {  	[tilespmem:s13], [sflag:$0x1] =	stream.indirect_vreg.gather [hbm4b:s1+s3], $0x80, v4, vm0, $0xb8;
	[tilespmem:$0x19080] =	vst v63  }
0x1e7: {  	s13 =	simm.s32 $0x3880  }
0x1e8: {  	[tilespmem:s13], [sflag:$0x1] =	stream.indirect_vreg.gather [hbm4b:s8+s3], $0x80, v4, vm0, $0xb8;
	[tilespmem:$0x19080] =	vst v63  }
0x1e9: {  	s13 =	simm.s32 $0x4080  }
0x1ea: {  	[tilespmem:s13], [sflag:$0x1] =	stream.indirect_vreg.gather [hbm4b:s9+s3], $0x80, v4, vm0, $0xb8;
	[tilespmem:$0x19080] =	vst v63  }
0x1eb: {  	s13 =	simm.s32 $0x4880  }
0x1ec: {  	[tilespmem:s13], [sflag:$0x1] =	stream.indirect_vreg.gather [hbm4b:s10+s3], $0x80, v4, vm0, $0xb8;
	[tilespmem:$0x19080] =	vst v63  }
0x1ed: {  	_ =	swait.ge [sflag:s4], $0x4000  }
0x1ee: {  	[sflag:s4] =	ssyncset.done $0x0  }
0x1ef: {  	s13 =	rddreg [dreg:$0xf];
	[sflag:s4] =	ssyncadd.s32 $0xFFFFC000  }
0x1f0: {  	[hbm4b:s13+s3] =	stream.linear.scatter [tilespmem:s22], [sflag:$0x8], $0x4000, $0x38;
	[tilespmem:$0x19080] =	vst v63  }
0x1f1: {  	_ =	swait.ge [sflag:s11], $0x4000  }
0x1f2: {  	[sflag:s11] =	ssyncset.done $0x0  }
0x1f3: {  	[sflag:s11] =	ssyncadd.s32 $0xFFFFC000  }
0x1f4: {  	v4 =	vld [tilespmem:$0xF00];
	_ =	sdelay $0x4  }
0x1f5: {  	v5 =	vshll.u32 v4, $0x3  }
0x1f6: {  	v4 =	vand.u32 $0x7, v4;
	v5 =	vand.u32 $0xFFFFFFC0, v5  }
0x1f7: {  	v4 =	vor.u32 v4, v5  }
0x1f8: {  	v5 =	vperm.xlane v4, v1;
	_ =	sdelay $0x1  }
0x1f9: {  	v5 =	vadd.s32 v2, v5;
	_ =	sdelay $0x4  }
0x1fa: {  	[tilespmem:s22], [sflag:$0x2] =	stream.indirect_vreg.gather [hbm4b:s1+s3], $0x80, v5, vm0, $0xb8;
	[tilespmem:$0x19080] =	vst v63  }
0x1fb: {  	s13 =	simm.s32 $0x5880;
	v4 =	vperm.xlane v4, v3  }
0x1fc: {  	[tilespmem:s13], [sflag:$0x2] =	stream.indirect_vreg.gather [hbm4b:s8+s3], $0x80, v5, vm0, $0xb8;
	[tilespmem:$0x19080] =	vst v63  }
0x1fd: {  	v4 =	vadd.s32 v2, v4;
	s13 =	simm.s32 $0x6080  }
0x1fe: {  	[tilespmem:s13], [sflag:$0x2] =	stream.indirect_vreg.gather [hbm4b:s9+s3], $0x80, v5, vm0, $0xb8;
	[tilespmem:$0x19080] =	vst v63  }
0x1ff: {  	s13 =	simm.s32 $0x6880  }
0x200: {  	[tilespmem:s13], [sflag:$0x2] =	stream.indirect_vreg.gather [hbm4b:s10+s3], $0x80, v5, vm0, $0xb8;
	[tilespmem:$0x19080] =	vst v63  }
0x201: {  	s13 =	simm.s32 $0x7080  }
0x202: {  	[tilespmem:s13], [sflag:$0x2] =	stream.indirect_vreg.gather [hbm4b:s1+s3], $0x80, v4, vm0, $0xb8;
	[tilespmem:$0x19080] =	vst v63  }
0x203: {  	s13 =	simm.s32 $0x7880  }
0x204: {  	[tilespmem:s13], [sflag:$0x2] =	stream.indirect_vreg.gather [hbm4b:s8+s3], $0x80, v4, vm0, $0xb8;
	[tilespmem:$0x19080] =	vst v63  }
0x205: {  	s13 =	simm.s32 $0x8080  }
0x206: {  	[tilespmem:s13], [sflag:$0x2] =	stream.indirect_vreg.gather [hbm4b:s9+s3], $0x80, v4, vm0, $0xb8;
	[tilespmem:$0x19080] =	vst v63  }
0x207: {  	s13 =	simm.s32 $0x8880  }
0x208: {  	[tilespmem:s13], [sflag:$0x2] =	stream.indirect_vreg.gather [hbm4b:s10+s3], $0x80, v4, vm0, $0xb8;
	[tilespmem:$0x19080] =	vst v63  }
0x209: {  	_ =	swait.ge [sflag:s14], $0x4000  }
0x20a: {  	[sflag:s14] =	ssyncset.done $0x0  }
0x20b: {  	s13 =	rddreg [dreg:$0x10];
	[sflag:s14] =	ssyncadd.s32 $0xFFFFC000  }
0x20c: {  	[hbm4b:s13+s3] =	stream.linear.scatter [tilespmem:s19], [sflag:$0x9], $0x4000, $0x38;
	[tilespmem:$0x19080] =	vst v63  }
0x20d: {  	_ =	swait.ge [sflag:s16], $0x4000  }
0x20e: {  	[sflag:s16] =	ssyncset.done $0x0  }
0x20f: {  	[sflag:s16] =	ssyncadd.s32 $0xFFFFC000  }
0x210: {  	v4 =	vld [tilespmem:$0xF80];
	_ =	sdelay $0x4  }
0x211: {  	v5 =	vshll.u32 v4, $0x3  }
0x212: {  	v4 =	vand.u32 $0x7, v4;
	v5 =	vand.u32 $0xFFFFFFC0, v5  }
0x213: {  	v4 =	vor.u32 v4, v5  }
0x214: {  	v5 =	vperm.xlane v4, v1;
	_ =	sdelay $0x1  }
0x215: {  	v5 =	vadd.s32 v2, v5;
	_ =	sdelay $0x4  }
0x216: {  	[tilespmem:s19], [sflag:$0x3] =	stream.indirect_vreg.gather [hbm4b:s1+s3], $0x80, v5, vm0, $0xb8;
	[tilespmem:$0x19080] =	vst v63  }
0x217: {  	s13 =	simm.s32 $0x9880;
	v4 =	vperm.xlane v4, v3  }
0x218: {  	[tilespmem:s13], [sflag:$0x3] =	stream.indirect_vreg.gather [hbm4b:s8+s3], $0x80, v5, vm0, $0xb8;
	[tilespmem:$0x19080] =	vst v63  }
0x219: {  	v4 =	vadd.s32 v2, v4;
	s13 =	simm.s32 $0xA080  }
0x21a: {  	[tilespmem:s13], [sflag:$0x3] =	stream.indirect_vreg.gather [hbm4b:s9+s3], $0x80, v5, vm0, $0xb8;
	[tilespmem:$0x19080] =	vst v63  }
0x21b: {  	s13 =	simm.s32 $0xA880  }
0x21c: {  	[tilespmem:s13], [sflag:$0x3] =	stream.indirect_vreg.gather [hbm4b:s10+s3], $0x80, v5, vm0, $0xb8;
	[tilespmem:$0x19080] =	vst v63  }
0x21d: {  	s13 =	simm.s32 $0xB080  }
0x21e: {  	[tilespmem:s13], [sflag:$0x3] =	stream.indirect_vreg.gather [hbm4b:s1+s3], $0x80, v4, vm0, $0xb8;
	[tilespmem:$0x19080] =	vst v63  }
0x21f: {  	s13 =	simm.s32 $0xB880  }
0x220: {  	[tilespmem:s13], [sflag:$0x3] =	stream.indirect_vreg.gather [hbm4b:s8+s3], $0x80, v4, vm0, $0xb8;
	[tilespmem:$0x19080] =	vst v63  }
0x221: {  	s13 =	simm.s32 $0xC080  }
0x222: {  	[tilespmem:s13], [sflag:$0x3] =	stream.indirect_vreg.gather [hbm4b:s9+s3], $0x80, v4, vm0, $0xb8;
	[tilespmem:$0x19080] =	vst v63  }
0x223: {  	s13 =	simm.s32 $0xC880  }
0x224: {  	[tilespmem:s13], [sflag:$0x3] =	stream.indirect_vreg.gather [hbm4b:s10+s3], $0x80, v4, vm0, $0xb8;
	[tilespmem:$0x19080] =	vst v63  }
0x225: {  	_ =	swait.ge [sflag:s17], $0x4000  }
0x226: {  	[sflag:s17] =	ssyncset.done $0x0  }
0x227: {  	s13 =	rddreg [dreg:$0x11];
	[sflag:s17] =	ssyncadd.s32 $0xFFFFC000  }
0x228: {  	[hbm4b:s13+s3] =	stream.linear.scatter [tilespmem:s2], [sflag:$0xA], $0x4000, $0x38;
	[tilespmem:$0x19080] =	vst v63  }
0x229: {  	_ =	swait.ge [sflag:s23], $0x4000  }
0x22a: {  	[sflag:s23] =	ssyncset.done $0x0  }
0x22b: {  	[sflag:s23] =	ssyncadd.s32 $0xFFFFC000  }
0x22c: {  	v4 =	vld [tilespmem:$0x1000];
	_ =	sdelay $0x4  }
0x22d: {  	v5 =	vshll.u32 v4, $0x3  }
0x22e: {  	v4 =	vand.u32 $0x7, v4;
	v5 =	vand.u32 $0xFFFFFFC0, v5  }
0x22f: {  	v4 =	vor.u32 v4, v5  }
0x230: {  	v5 =	vperm.xlane v4, v1;
	_ =	sdelay $0x1  }
0x231: {  	v5 =	vadd.s32 v2, v5;
	_ =	sdelay $0x4  }
0x232: {  	[tilespmem:s2], [sflag:$0x4] =	stream.indirect_vreg.gather [hbm4b:s1+s3], $0x80, v5, vm0, $0xb8;
	[tilespmem:$0x19080] =	vst v63  }
0x233: {  	s13 =	simm.s32 $0xD880;
	v4 =	vperm.xlane v4, v3  }
0x234: {  	[tilespmem:s13], [sflag:$0x4] =	stream.indirect_vreg.gather [hbm4b:s8+s3], $0x80, v5, vm0, $0xb8;
	[tilespmem:$0x19080] =	vst v63  }
0x235: {  	v4 =	vadd.s32 v2, v4;
	s13 =	simm.s32 $0xE080  }
0x236: {  	[tilespmem:s13], [sflag:$0x4] =	stream.indirect_vreg.gather [hbm4b:s9+s3], $0x80, v5, vm0, $0xb8;
	[tilespmem:$0x19080] =	vst v63  }
0x237: {  	s13 =	simm.s32 $0xE880  }
0x238: {  	[tilespmem:s13], [sflag:$0x4] =	stream.indirect_vreg.gather [hbm4b:s10+s3], $0x80, v5, vm0, $0xb8;
	[tilespmem:$0x19080] =	vst v63  }
0x239: {  	s13 =	simm.s32 $0xF080  }
0x23a: {  	[tilespmem:s13], [sflag:$0x4] =	stream.indirect_vreg.gather [hbm4b:s1+s3], $0x80, v4, vm0, $0xb8;
	[tilespmem:$0x19080] =	vst v63  }
0x23b: {  	s13 =	simm.s32 $0xF880  }
0x23c: {  	[tilespmem:s13], [sflag:$0x4] =	stream.indirect_vreg.gather [hbm4b:s8+s3], $0x80, v4, vm0, $0xb8;
	[tilespmem:$0x19080] =	vst v63  }
0x23d: {  	s13 =	simm.s32 $0x10080  }
0x23e: {  	[tilespmem:s13], [sflag:$0x4] =	stream.indirect_vreg.gather [hbm4b:s9+s3], $0x80, v4, vm0, $0xb8;
	[tilespmem:$0x19080] =	vst v63  }
0x23f: {  	s13 =	simm.s32 $0x10880  }
0x240: {  	[tilespmem:s13], [sflag:$0x4] =	stream.indirect_vreg.gather [hbm4b:s10+s3], $0x80, v4, vm0, $0xb8;
	[tilespmem:$0x19080] =	vst v63  }
0x241: {  	_ =	swait.ge [sflag:s24], $0x4000  }
0x242: {  	[sflag:s24] =	ssyncset.done $0x0  }
0x243: {  	s28 =	simm.s32 $0x11080;
	[sflag:s24] =	ssyncadd.s32 $0xFFFFC000;
	s24 =	rddreg [dreg:$0x12]  }
0x244: {  	[hbm4b:s24+s3] =	stream.linear.scatter [tilespmem:s28], [sflag:$0xB], $0x4000, $0x38;
	[tilespmem:$0x19080] =	vst v63  }
0x245: {  	_ =	swait.ge [sflag:s7], $0x4000  }
0x246: {  	[sflag:s7] =	ssyncset.done $0x0  }
0x247: {  	s12 =	simm.s32 $0x15080;
	[sflag:s7] =	ssyncadd.s32 $0xFFFFC000;
	s7 =	rddreg [dreg:$0x13]  }
0x248: {  	[hbm4b:s7+s3] =	stream.linear.scatter [tilespmem:s12], [sflag:$0xC], $0x4000, $0x38;
	[tilespmem:$0x19080] =	vst v63  }
0x249: {  	_ =	swait.ge [sflag:s18], $0x4000  }
0x24a: {  	[sflag:s18] =	ssyncset.done $0x0  }
0x24b: {  	s12 =	rddreg [dreg:$0x14];
	[sflag:s18] =	ssyncadd.s32 $0xFFFFC000  }
0x24c: {  	[hbm4b:s12+s3] =	stream.linear.scatter [tilespmem:s15], [sflag:$0x7], $0x4000, $0x38;
	[tilespmem:$0x19080] =	vst v63  }
0x24d: {  	_ =	swait.ge [sflag:s4], $0x4000  }
0x24e: {  	[sflag:s4] =	ssyncset.done $0x0  }
0x24f: {  	s13 =	rddreg [dreg:$0x17];
	[sflag:s4] =	ssyncadd.s32 $0xFFFFC000  }
0x250: {  	[hbm4b:s13+s3] =	stream.linear.scatter [tilespmem:s22], [sflag:$0x8], $0x4000, $0x38;
	[tilespmem:$0x19080] =	vst v63  }
0x251: {  	_ =	swait.ge [sflag:s14], $0x4000  }
0x252: {  	[sflag:s14] =	ssyncset.done $0x0  }
0x253: {  	[sflag:s14] =	ssyncadd.s32 $0xFFFFC000;
	s14 =	rddreg [dreg:$0x18]  }
0x254: {  	[hbm4b:s14+s3] =	stream.linear.scatter [tilespmem:s19], [sflag:$0x9], $0x4000, $0x38;
	[tilespmem:$0x19080] =	vst v63  }
0x255: {  	_ =	swait.ge [sflag:s17], $0x4000  }
0x256: {  	[sflag:s17] =	ssyncset.done $0x0  }
0x257: {  	s24 =	rddreg [dreg:$0x19];
	[sflag:s17] =	ssyncadd.s32 $0xFFFFC000  }
0x258: {  	[hbm4b:s24+s3] =	stream.linear.scatter [tilespmem:s2], [sflag:$0xA], $0x4000, $0x38;
	[tilespmem:$0x19080] =	vst v63  }
0x259: {  	_ =	swait.ge [sflag:s26], $0x4000  }
0x25a: {  	[sflag:s26] =	ssyncset.done $0x0  }
0x25b: {  	[sflag:s26] =	ssyncadd.s32 $0xFFFFC000  }
0x25c: {  	_ =	swait.ge [sflag:s20], $0x4000  }
0x25d: {  	[sflag:s20] =	ssyncset.done $0x0  }
0x25e: {  	[sflag:s20] =	ssyncadd.s32 $0xFFFFC000  }
0x25f: {  	_ =	swait.ge [sflag:s0], $0x4000  }
0x260: {  	[sflag:s0] =	ssyncset.done $0x0  }
0x261: {  	[sflag:s0] =	ssyncadd.s32 $0xFFFFC000  }
0x262: {  	_ =	swait.ge [sflag:s11], $0x4000  }
0x263: {  	[sflag:s11] =	ssyncset.done $0x0  }
0x264: {  	[sflag:s11] =	ssyncadd.s32 $0xFFFFC000  }
0x265: {  	_ =	swait.ge [sflag:s16], $0x4000  }
0x266: {  	[sflag:s16] =	ssyncset.done $0x0  }
0x267: {  	[sflag:s16] =	ssyncadd.s32 $0xFFFFC000  }
0x268: {  	_ =	swait.ge [sflag:s23], $0x4000  }
0x269: {  	s21 =	sadd.s32 $0x1, s21;
	s28 =	rddreg [dreg:$0x15]  }
0x26a: {  	p1 =	sne.s32 s21, s28  }
.Ltmp1:
0x26b: {  	_ = 	snop;
	(pc) =	sbr.rel @!p1 .LBB2_6-.Ltmp1, $3  }
0x26c: {  	_ =	sdelay $0x1  }
0x26d: {  	[sflag:s23] =	ssyncset.done $0x0  }
0x26e: {  	[sflag:s23] =	ssyncadd.s32 $0xFFFFC000  }
.LBB2_1:
0x26f: {  	s6 =	rddreg [dreg:$0x6]  }
0x270: {  	s12 =	simm.s32 $0x80;
	s13 =	simm.s32 $0x200;
	s0 =	simm.s32 $0xD  }
0x271: {  	[tilespmem:s3], [sflag:$0xD] =	stream.strided.gather [hbm4b:s6+s12], $0x800, s13, s12, $0x38;
	[tilespmem:$0x19080] =	vst v63  }
0x272: {  	_ =	swait.ge [sflag:s0], $0x800  }
0x273: {  	[sflag:s0] =	ssyncset.done $0x0  }
0x274: {  	s28 =	simm.s32 $0x800;
	s26 =	rddreg [dreg:$0x5];
	[sflag:s0] =	ssyncadd.s32 $0xFFFFF800  }
0x275: {  	[tilespmem:s28], [sflag:$0xD] =	stream.linear.gather [hbm4b:s26+s3], $0x80, $0x38;
	[tilespmem:$0x19080] =	vst v63  }
.Ltmp2:
0x276: {  	_ = 	snop;
	(pc) =	sbr.rel @p0 .LBB2_5-.Ltmp2, $4  }
0x277: {  	_ =	swait.ge [sflag:s0], $0x80  }
0x278: {  	[sflag:s0] =	ssyncset.done $0x0  }
0x279: {  	[sflag:s0] =	ssyncadd.s32 $0xFFFFFF80  }
0x27a: {  	v5 =	vimm.s32 $0x0;
	v4 =	vld [tilespmem:$0x800]  }
0x27b: {  	s6 =	rddreg [dreg:$0x16]  }
0x27c: {  	v5 =	vld [tilespmem:s3+$0x0];
	p1 =	sne.s32 s6, $0x1  }
.Ltmp3:
0x27d: {  	_ = 	snop;
	(pc) =	sbr.rel @!p1 .LBB2_4-.Ltmp3, $2  }
0x27e: {  	_ =	sdelay $0x2  }
0x27f: {  	s12 =	sadd.s32 $0x10, s3;
	s6 =	sadd.s32 $0xFFFFFFFF, s6;
	vm1 =	vne.s32 v5, v4;
	v5 =	vimm.s32 $0x0  }
.LBB2_3:
0x280: {  	v6 =	vld [tilespmem:s12+$0x0];
	p1 =	sne.s32 s6, $0x1;
	s6 =	sadd.s32 $0xFFFFFFFF, s6;
	v7 =	vsel vm1, $0x1, v0  }
.Ltmp4:
0x281: {  	v5 =	vadd.s32 v7, v5;
	(pc) =	sbr.rel @p1 .LBB2_3-.Ltmp4, $2  }
0x282: {  	_ =	sdelay $0x2  }
0x283: {  	s12 =	sadd.s32 $0x10, s12;
	vm1 =	vne.s32 v6, v4  }
.Ltmp5:
0x284: {  	_ = 	snop;
	(pc) =	sbr.rel .LBB2_4-.Ltmp5, $1  }
0x285: {  	_ =	sdelay $0x3  }
.LBB2_6:
0x286: {  	_ =	sfence.sel $0x180000  }
0x287: {  	[bflag:$0x0] =	sbarrier.arrive $0xFFFF  }
0x288: {  	_ =	strace $0x90000047  }
0x289: {  	s0 =	stileid.u32;
	[bflag:$0x2] =	sbarrier.arrive $0xFFFF  }
0x28a: {  	p0 =	sne.s32 s0, $0x0;
	s0 =	rddreg [dreg:$0x4]  }
0x28b: {  	s0 =	sadd.s32 @!p0 $0x100000, s0  }
0x28c: {  	[sflag:s0] =	ssyncadd.tile.s32 @!p0 $0x1;
	_ =	shalt  }
.Lfunc_end2:
_tile_overlayer_lowered:
.L_overlay_start_2:
0x28d: {  	(tag) =	ssettag $0x2  }
0x28e: {  	s0 =	rddreg [dreg:$0x0];
	s2 =	stileid.u32  }
0x28f: {  	s1 =	rddreg [dreg:$0x1];
	p0 =	sne.s32 s2, $0x0  }
0x290: {  	s3 =	rddreg [dreg:$0x2];
	[bflag:$0x3] =	sbarrier.arrive $0xFFFF;
	s2 =	simm.s32 @!p0 $0x1C0D  }
0x291: {  	[timem:s3], [sflag:s2] =	dma.local @!p0 [hbm:s0], s1  }
0x292: {  	s0 =	simm.s32 @!p0 $0xD  }
0x293: {  	_ =	swait.ge @!p0 [sflag:s0], s1  }
0x294: {  	s1 =	ssub.s32 @!p0 $0x0, s1;
	[sflag:s0] =	ssyncset.done @!p0 $0x0  }
0x295: {  	[sflag:s0] =	ssyncadd.s32 @!p0 s1  }
0x296: {  	[bflag:$0x3] =	sbarrier.arrive $0xFFFF  }
0x297: {  	_ =	shalt  }

</sc_bundles>
